<compile_context>
chip_gen: v7x
topology: tpu7x:2x2x1
jax: 0.10.2.dev20260603
libtpu: 0.0.44.dev20260713+nightly
codegen_flags: <defaults>
</compile_context>

<pallas_src>
import functools

import jax
import jax.numpy as jnp
from jax import lax
from jax.experimental import pallas as pl
from jax.experimental.pallas import tpu as pltpu
from jax.experimental.pallas import tpu_sc as plsc

_N = 10000
_LANES = 128
_NTILES = 32
_K = 80
_ROWS_PAD = _NTILES * _K
_K0 = 128
_K1 = 32
_ROWS_ALL = 2664
_E_PAD = _ROWS_PAD * _LANES
_NP = 10112
_STRIPE = 632
_BATCH = 1024

_mesh = plsc.VectorSubcoreMesh(core_axis_name="c", subcore_axis_name="s")


def _deg_body(dst_hbm, out_hbm, dst_v, ones_v, buf_v, acc_sh, sem):
    c = lax.axis_index("c")
    s = lax.axis_index("s")
    wid = c * 16 + s

    @pl.loop(0, 40)
    def _zero(i):
        buf_v[pl.ds(i * 16, 16)] = jnp.zeros((16,), jnp.float32)

    @pl.loop(0, 8)
    def _ones(i):
        ones_v[pl.ds(i * 16, 16)] = jnp.ones((16,), jnp.float32)

    pltpu.sync_copy(buf_v.at[pl.ds(0, _STRIPE)],
                    acc_sh.at[pl.ds(s * _STRIPE, _STRIPE)])
    plsc.subcore_barrier()
    pltpu.sync_copy(dst_hbm.at[pl.ds(wid * _K, _K)], dst_v)

    @pl.loop(0, _K)
    def _edges(j):
        pltpu.sync_copy(ones_v, acc_sh.at[dst_v.at[j]], add=True)

    plsc.subcore_barrier()
    pltpu.sync_copy(acc_sh.at[pl.ds(s * _STRIPE, _STRIPE)],
                    buf_v.at[pl.ds(0, _STRIPE)])
    pltpu.sync_copy(buf_v.at[pl.ds(0, _STRIPE)],
                    out_hbm.at[pl.ds(c * _NP + s * _STRIPE, _STRIPE)])


@functools.partial(
    pl.kernel,
    out_type=jax.ShapeDtypeStruct((2 * _NP,), jnp.float32),
    mesh=_mesh,
    scratch_types=[
        pltpu.VMEM((_K, _LANES), jnp.int32),
        pltpu.VMEM((_LANES,), jnp.float32),
        pltpu.VMEM((_STRIPE + 8,), jnp.float32),
        pltpu.VMEM_SHARED((_NP,), jnp.float32),
        pltpu.SemaphoreType.DMA,
    ],
)
def _deg_kernel(dst_hbm, out_hbm, dst_v, ones_v, buf_v, acc_sh, sem):
    _deg_body(dst_hbm, out_hbm, dst_v, ones_v, buf_v, acc_sh, sem)


def _agg_body(hs_hbm, src_hbm, dst_hbm, out_hbm, si_v, di_v, r0_v, r1_v,
              acc_sh, g0, g1, ip0, ip1, s0, s1):
    c = lax.axis_index("c")
    s = lax.axis_index("s")
    base = s * _STRIPE
    kc = jnp.where(c == 0, _K0, _K1)
    row0 = c * 16 * _K0 + s * kc

    @pl.loop(0, _LANES)
    def _zero(i):
        for cl in range(8):
            r0_v[i, pl.ds(cl * 16, 16)] = jnp.zeros((16,), jnp.float32)

    for k in range(4):
        pltpu.sync_copy(r0_v, acc_sh.at[pl.ds(base + k * 128, 128)])
    pltpu.sync_copy(r0_v.at[pl.ds(0, 120)],
                    acc_sh.at[pl.ds(base + 512, 120)])
    plsc.subcore_barrier()

    pltpu.sync_copy(dst_hbm.at[pl.ds(row0, _K0)], di_v)
    pltpu.sync_copy(src_hbm.at[pl.ds(row0, 2)], si_v)
    pltpu.async_copy(hs_hbm.at[si_v.at[0]], r0_v, g0)

    @pl.loop(0, kc // 2)
    def _edges(t):
        j = 2 * t
        pltpu.make_async_copy(hs_hbm.at[si_v.at[0]], r0_v, g0).wait()
        pltpu.async_copy(hs_hbm.at[si_v.at[1]], r1_v, g1)
        pltpu.async_copy(src_hbm.at[pl.ds(row0 + j + 2, 1)],
                         si_v.at[pl.ds(0, 1)], ip0)
        pltpu.async_copy(r0_v, acc_sh.at[di_v.at[j]], s0, add=True)
        pltpu.make_async_copy(hs_hbm.at[si_v.at[1]], r1_v, g1).wait()
        pltpu.async_copy(r1_v, acc_sh.at[di_v.at[j + 1]], s1, add=True)
        pltpu.make_async_copy(src_hbm.at[pl.ds(row0 + j + 2, 1)],
                              si_v.at[pl.ds(0, 1)], ip0).wait()
        pltpu.make_async_copy(r0_v, acc_sh.at[di_v.at[j]], s0).wait()
        pltpu.async_copy(hs_hbm.at[si_v.at[0]], r0_v, g0)
        pltpu.async_copy(src_hbm.at[pl.ds(row0 + j + 3, 1)],
                         si_v.at[pl.ds(1, 1)], ip1)
        pltpu.make_async_copy(r1_v, acc_sh.at[di_v.at[j + 1]], s1).wait()
        pltpu.make_async_copy(src_hbm.at[pl.ds(row0 + j + 3, 1)],
                              si_v.at[pl.ds(1, 1)], ip1).wait()

    pltpu.make_async_copy(hs_hbm.at[si_v.at[0]], r0_v, g0).wait()

    plsc.subcore_barrier()
    for k in range(4):
        chunk = pl.ds(base + k * 128, 128)
        pltpu.sync_copy(acc_sh.at[chunk], r0_v)
        pltpu.sync_copy(r0_v, out_hbm.at[c, chunk])
    tail = pl.ds(base + 512, 120)
    pltpu.sync_copy(acc_sh.at[tail], r0_v.at[pl.ds(0, 120)])
    pltpu.sync_copy(r0_v.at[pl.ds(0, 120)], out_hbm.at[c, tail])


@functools.partial(
    pl.kernel,
    out_type=jax.ShapeDtypeStruct((2, _NP, 128), jnp.float32),
    mesh=_mesh,
    scratch_types=[
        pltpu.VMEM((2, _LANES), jnp.int32),
        pltpu.VMEM((_K0, _LANES), jnp.int32),
        pltpu.VMEM((_LANES, 128), jnp.float32),
        pltpu.VMEM((_LANES, 128), jnp.float32),
        pltpu.VMEM_SHARED((_NP, 128), jnp.float32),
        pltpu.SemaphoreType.DMA,
        pltpu.SemaphoreType.DMA,
        pltpu.SemaphoreType.DMA,
        pltpu.SemaphoreType.DMA,
        pltpu.SemaphoreType.DMA,
        pltpu.SemaphoreType.DMA,
    ],
)
def _agg_kernel(hs_hbm, src_hbm, dst_hbm, out_hbm, si_v, di_v, r0_v, r1_v,
                acc_sh, g0, g1, ip0, ip1, s0, s1):
    _agg_body(hs_hbm, src_hbm, dst_hbm, out_hbm, si_v, di_v, r0_v, r1_v,
              acc_sh, g0, g1, ip0, ip1, s0, s1)


def _mm_t(a, b):
    return lax.dot_general(a, b, (((1,), (1,)), ((), ())),
                           preferred_element_type=jnp.float32)


def _tc1_body(x_ref, w1_ref, b1_ref, wg_ref, d0_ref, d1_ref, hs_ref, dv_ref):
    deg = d0_ref[...] + d1_ref[...] + 1.0
    dv = lax.rsqrt(deg)
    h = jnp.maximum(_mm_t(x_ref[...], w1_ref[...]) + b1_ref[...], 0.0)
    hs_ref[...] = _mm_t(h, wg_ref[...]) * dv
    dv_ref[...] = dv


def _tc2_body(a0_ref, a1_ref, hs_ref, dv_ref, bg_ref, wg2_ref, out_ref):
    dv = dv_ref[...]
    h2 = dv * (a0_ref[...] + a1_ref[...] + hs_ref[...]) + bg_ref[...]
    out_ref[...] = _mm_t(h2, wg2_ref[...]) * dv


def _tc3_body(a0_ref, a1_ref, hs_ref, dv_ref, bg2_ref, w2_ref,
              b2_ref, wc_ref, bc_ref, out_ref):
    h3 = dv_ref[...] * (a0_ref[...] + a1_ref[...] + hs_ref[...]) + bg2_ref[...]
    h4 = jnp.maximum(_mm_t(h3, w2_ref[...]) + b2_ref[...], 0.0)
    out_ref[...] = _mm_t(h4, wc_ref[...]) + bc_ref[...]


_BN = 1000


def _tc1(x, W1, b1, Wg, d0, d1):
    in_dim = x.shape[1]
    return pl.pallas_call(
        _tc1_body,
        grid=(_N // _BN,),
        in_specs=[
            pl.BlockSpec((_BN, in_dim), lambda i: (i, 0)),
            pl.BlockSpec((128, in_dim), lambda i: (0, 0)),
            pl.BlockSpec((1, 128), lambda i: (0, 0)),
            pl.BlockSpec((128, 128), lambda i: (0, 0)),
            pl.BlockSpec((_BN, 1), lambda i: (i, 0)),
            pl.BlockSpec((_BN, 1), lambda i: (i, 0)),
        ],
        out_specs=[
            pl.BlockSpec((_BN, 128), lambda i: (i, 0)),
            pl.BlockSpec((_BN, 1), lambda i: (i, 0)),
        ],
        out_shape=[
            jax.ShapeDtypeStruct((_N, 128), jnp.float32),
            jax.ShapeDtypeStruct((_N, 1), jnp.float32),
        ],
    )(x, W1, b1, Wg, d0, d1)


def _tc2(a0, a1, hs, dv, bg, Wg2):
    return pl.pallas_call(
        _tc2_body,
        grid=(_N // _BN,),
        in_specs=[
            pl.BlockSpec((_BN, 128), lambda i: (i, 0)),
            pl.BlockSpec((_BN, 128), lambda i: (i, 0)),
            pl.BlockSpec((_BN, 128), lambda i: (i, 0)),
            pl.BlockSpec((_BN, 1), lambda i: (i, 0)),
            pl.BlockSpec((1, 128), lambda i: (0, 0)),
            pl.BlockSpec((128, 128), lambda i: (0, 0)),
        ],
        out_specs=pl.BlockSpec((_BN, 128), lambda i: (i, 0)),
        out_shape=jax.ShapeDtypeStruct((_N, 128), jnp.float32),
    )(a0, a1, hs, dv, bg, Wg2)


def _tc3(a0, a1, hs, dv, bg2, W2, b2, Wc, bc):
    return pl.pallas_call(
        _tc3_body,
        out_shape=jax.ShapeDtypeStruct((_BATCH, 2), jnp.float32),
    )(a0, a1, hs, dv, bg2, W2, b2, Wc, bc)


def kernel(x, edge_index, batch_size, W1, b1, Wg1, bg1, Wg2, bg2, W2, b2,
           Wc, bc):
    e = edge_index.shape[1]
    src = jnp.concatenate(
        [edge_index[0], jnp.zeros((_ROWS_ALL * _LANES - e,), jnp.int32)]
    ).reshape(_ROWS_ALL, _LANES)
    dst = jnp.concatenate(
        [edge_index[1], jnp.full((_ROWS_ALL * _LANES - e,), _N, jnp.int32)]
    ).reshape(_ROWS_ALL, _LANES)

    deg = _deg_kernel(dst).reshape(2, _NP)
    d0 = deg[0, :_N].reshape(_N, 1)
    d1 = deg[1, :_N].reshape(_N, 1)

    hs1, dinv = _tc1(x, W1, b1.reshape(1, -1), Wg1, d0, d1)

    agg1 = _agg_kernel(hs1, src, dst)
    hs2 = _tc2(agg1[0, :_N], agg1[1, :_N], hs1, dinv, bg1.reshape(1, -1), Wg2)

    agg2 = _agg_kernel(hs2, src, dst)

    start = jnp.asarray(batch_size, jnp.int32) - _BATCH
    a0s = lax.dynamic_slice_in_dim(agg2[0, :_N], start, _BATCH)
    a1s = lax.dynamic_slice_in_dim(agg2[1, :_N], start, _BATCH)
    hss = lax.dynamic_slice_in_dim(hs2, start, _BATCH)
    dvs = lax.dynamic_slice_in_dim(dinv, start, _BATCH)

    return _tc3(a0s, a1s, hss, dvs, bg2.reshape(1, -1),
                W2, b2.reshape(1, -1), Wc, bc.reshape(1, -1))

# --- scband reference (transcript-rebuilt; emitter-appended) ---
"""Pipeline reference for scband-gcnmodel-71365176590644 (READ-ONLY COPY).

The authoritative reference and input builder live on the scoring server;
editing this copy changes nothing except your own understanding.
"""

import jax, jax.numpy as jnp
import numpy as np

N = 10000
E = 320000
IN_DIM = 512
HID = 128
OUT_DIM = 128
BATCH_SIZE = 1024


def setup_inputs(seed: int = 0) -> dict:
    key = jax.random.key(seed)
    ks = jax.random.split(key, 12)
    x = jax.random.normal(ks[0], (N, IN_DIM), dtype=jnp.float32)
    edge_index = jax.random.randint(ks[1], (2, E), 0, N, dtype=jnp.int32)
    W1 = jax.random.normal(ks[2], (HID, IN_DIM), dtype=jnp.float32) * 0.05
    b1 = jnp.zeros((HID,), jnp.float32)
    Wg1 = jax.random.normal(ks[3], (HID, HID), dtype=jnp.float32) * 0.05
    bg1 = jnp.zeros((HID,), jnp.float32)
    Wg2 = jax.random.normal(ks[4], (HID, HID), dtype=jnp.float32) * 0.05
    bg2 = jnp.zeros((HID,), jnp.float32)
    W2 = jax.random.normal(ks[5], (OUT_DIM, HID), dtype=jnp.float32) * 0.05
    b2 = jnp.zeros((OUT_DIM,), jnp.float32)
    Wc = jax.random.normal(ks[6], (2, OUT_DIM), dtype=jnp.float32) * 0.05
    bc = jnp.zeros((2,), jnp.float32)
    return {"x": x, "edge_index": edge_index, "batch_size": BATCH_SIZE,
            "W1": W1, "b1": b1, "Wg1": Wg1, "bg1": bg1,
            "Wg2": Wg2, "bg2": bg2, "W2": W2, "b2": b2,
            "Wc": Wc, "bc": bc}


def _gcn_conv(h, src, dst, W, b):
    # PyG GCNConv: linear transform, add self-loops, symmetric normalization, scatter-add, bias
    loop = jnp.arange(N, dtype=src.dtype)
    s = jnp.concatenate([src, loop])
    d = jnp.concatenate([dst, loop])
    deg = jnp.zeros((N,), jnp.float32).at[d].add(1.0)
    dinv = jnp.where(deg > 0, jax.lax.rsqrt(deg), 0.0)
    norm = dinv[s] * dinv[d]
    h = h @ W.T
    msg = h[s] * norm[:, None]
    out = jnp.zeros((N, h.shape[1]), jnp.float32).at[d].add(msg)
    return out + b


def reference(x, edge_index, batch_size, W1, b1, Wg1, bg1, Wg2, bg2, W2, b2, Wc, bc):
    src, dst = edge_index[0], edge_index[1]
    h = jax.nn.relu(x @ W1.T + b1)
    h = _gcn_conv(h, src, dst, Wg1, bg1)
    # dropout is identity in eval mode
    h = _gcn_conv(h, src, dst, Wg2, bg2)
    h = jax.nn.relu(h @ W2.T + b2)
    out = h @ Wc.T + bc
    start = jnp.asarray(batch_size, jnp.int32) - BATCH_SIZE
    return jax.lax.dynamic_slice_in_dim(out, start, BATCH_SIZE, axis=0)

if __name__ == "__main__":
    import jax
    _d = setup_inputs()
    print(jax.jit(kernel)(*tuple(_d.values())))

</pallas_src>

<mosaic_0001>
#map = affine_map<(d0, d1) -> (0, 0)>
#map1 = affine_map<(d0, d1) -> (0, 0, 0)>
module attributes {stable_mosaic.version = 14 : i64} {
  func.func @_agg_kernel(%arg0: i32, %arg1: i32, %arg2: memref<10000x128xf32, #tpu.memory_space<hbm>>, %arg3: memref<2664x128xi32, #tpu.memory_space<hbm>>, %arg4: memref<2664x128xi32, #tpu.memory_space<hbm>>, %arg5: memref<2x10112x128xf32, #tpu.memory_space<hbm>>, %arg6: memref<2x128xi32, #tpu.memory_space<vmem>>, %arg7: memref<128x128xi32, #tpu.memory_space<vmem>>, %arg8: memref<128x128xf32, #tpu.memory_space<vmem>>, %arg9: memref<128x128xf32, #tpu.memory_space<vmem>>, %arg10: memref<10112x128xf32, #tpu.memory_space<vmem_shared>>, %arg11: memref<!tpu.dma_semaphore, #tpu.memory_space<semaphore_mem>>, %arg12: memref<!tpu.dma_semaphore, #tpu.memory_space<semaphore_mem>>, %arg13: memref<!tpu.dma_semaphore, #tpu.memory_space<semaphore_mem>>, %arg14: memref<!tpu.dma_semaphore, #tpu.memory_space<semaphore_mem>>, %arg15: memref<!tpu.dma_semaphore, #tpu.memory_space<semaphore_mem>>, %arg16: memref<!tpu.dma_semaphore, #tpu.memory_space<semaphore_mem>>) attributes {dimension_semantics = [#tpu.dimension_semantics<core_parallel>, #tpu.dimension_semantics<subcore_parallel>], iteration_bounds = array<i64: 2, 16>, scalar_prefetch = 0 : i64, scratch_operands = 11 : i64, tpu.core_type = #tpu.core_type<sc_vector_subcore>, window_params = [{transform_indices = #map}, {transform_indices = #map}, {transform_indices = #map}, {transform_indices = #map1}]} {
    %mul3A = arith.constant 632 : i32
    %mul3A_0 = arith.muli %arg1, %mul3A : i32
    %eq3A = arith.constant 0 : i32
    %eq3A_1 = arith.cmpi eq, %arg0, %eq3A : i32
    %jit3A = arith.constant 128 : i32
    %jit3A_2 = arith.constant 32 : i32
    %select_n3A = arith.select %eq3A_1, %jit3A, %jit3A_2 : i32
    %mul3A_3 = arith.constant 16 : i32
    %mul3A_4 = arith.muli %arg0, %mul3A_3 : i32
    %mul3A_5 = arith.constant 128 : i32
    %mul3A_6 = arith.muli %mul3A_4, %mul3A_5 : i32
    %mul3A_7 = arith.muli %arg1, %select_n3A : i32
    %add3A = arith.addi %mul3A_6, %mul3A_7 : i32
    %scan3A = arith.constant 0 : i32
    %scan3A_8 = arith.constant 128 : i32
    %scan3A_9 = arith.addi %scan3A, %scan3A_8 : i32
    %scan3A_10 = arith.constant 1 : i32
    scf.for %scan3A_81 = %scan3A to %scan3A_9 step %scan3A_10  : i32 {
      %mul3A_82 = arith.constant 1 : i32
      %mul3A_83 = arith.muli %scan3A_81, %mul3A_82 : i32
      %add3A_84 = arith.constant 0 : i32
      %add3A_85 = arith.addi %add3A_84, %mul3A_83 : i32
      %broadcast_in_dim3A = arith.constant 0.000000e+00 : f32
      %broadcast_in_dim3A_86 = vector.broadcast %broadcast_in_dim3A : f32 to vector<16xf32>
      %swap3A = arith.index_cast %add3A_85 : i32 to index
      %swap3A_87 = arith.constant 0 : index
      %swap3A_88 = tpu.vector_load %arg8[%swap3A, %swap3A_87] {strides = array<i32>} : memref<128x128xf32, #tpu.memory_space<vmem>>, vector<1x16xf32>,
      %swap3A_89 = vector.shape_cast %swap3A_88 : vector<1x16xf32> to vector<16xf32>
      %swap3A_90 = vector.shape_cast %broadcast_in_dim3A_86 : vector<16xf32> to vector<1x16xf32>
      tpu.vector_store %arg8[%swap3A, %swap3A_87], %swap3A_90 {strides = array<i32>} : memref<128x128xf32, #tpu.memory_space<vmem>>, vector<1x16xf32>,
      %broadcast_in_dim3A_91 = arith.constant 0.000000e+00 : f32
      %broadcast_in_dim3A_92 = vector.broadcast %broadcast_in_dim3A_91 : f32 to vector<16xf32>
      %swap3A_93 = arith.index_cast %add3A_85 : i32 to index
      %swap3A_94 = arith.constant 16 : index
      %swap3A_95 = tpu.vector_load %arg8[%swap3A_93, %swap3A_94] {strides = array<i32>} : memref<128x128xf32, #tpu.memory_space<vmem>>, vector<1x16xf32>,
      %swap3A_96 = vector.shape_cast %swap3A_95 : vector<1x16xf32> to vector<16xf32>
      %swap3A_97 = vector.shape_cast %broadcast_in_dim3A_92 : vector<16xf32> to vector<1x16xf32>
      tpu.vector_store %arg8[%swap3A_93, %swap3A_94], %swap3A_97 {strides = array<i32>} : memref<128x128xf32, #tpu.memory_space<vmem>>, vector<1x16xf32>,
      %broadcast_in_dim3A_98 = arith.constant 0.000000e+00 : f32
      %broadcast_in_dim3A_99 = vector.broadcast %broadcast_in_dim3A_98 : f32 to vector<16xf32>
      %swap3A_100 = arith.index_cast %add3A_85 : i32 to index
      %swap3A_101 = arith.constant 32 : index
      %swap3A_102 = tpu.vector_load %arg8[%swap3A_100, %swap3A_101] {strides = array<i32>} : memref<128x128xf32, #tpu.memory_space<vmem>>, vector<1x16xf32>,
      %swap3A_103 = vector.shape_cast %swap3A_102 : vector<1x16xf32> to vector<16xf32>
      %swap3A_104 = vector.shape_cast %broadcast_in_dim3A_99 : vector<16xf32> to vector<1x16xf32>
      tpu.vector_store %arg8[%swap3A_100, %swap3A_101], %swap3A_104 {strides = array<i32>} : memref<128x128xf32, #tpu.memory_space<vmem>>, vector<1x16xf32>,
      %broadcast_in_dim3A_105 = arith.constant 0.000000e+00 : f32
      %broadcast_in_dim3A_106 = vector.broadcast %broadcast_in_dim3A_105 : f32 to vector<16xf32>
      %swap3A_107 = arith.index_cast %add3A_85 : i32 to index
      %swap3A_108 = arith.constant 48 : index
      %swap3A_109 = tpu.vector_load %arg8[%swap3A_107, %swap3A_108] {strides = array<i32>} : memref<128x128xf32, #tpu.memory_space<vmem>>, vector<1x16xf32>,
      %swap3A_110 = vector.shape_cast %swap3A_109 : vector<1x16xf32> to vector<16xf32>
      %swap3A_111 = vector.shape_cast %broadcast_in_dim3A_106 : vector<16xf32> to vector<1x16xf32>
      tpu.vector_store %arg8[%swap3A_107, %swap3A_108], %swap3A_111 {strides = array<i32>} : memref<128x128xf32, #tpu.memory_space<vmem>>, vector<1x16xf32>,
      %broadcast_in_dim3A_112 = arith.constant 0.000000e+00 : f32
      %broadcast_in_dim3A_113 = vector.broadcast %broadcast_in_dim3A_112 : f32 to vector<16xf32>
      %swap3A_114 = arith.index_cast %add3A_85 : i32 to index
      %swap3A_115 = arith.constant 64 : index
      %swap3A_116 = tpu.vector_load %arg8[%swap3A_114, %swap3A_115] {strides = array<i32>} : memref<128x128xf32, #tpu.memory_space<vmem>>, vector<1x16xf32>,
      %swap3A_117 = vector.shape_cast %swap3A_116 : vector<1x16xf32> to vector<16xf32>
      %swap3A_118 = vector.shape_cast %broadcast_in_dim3A_113 : vector<16xf32> to vector<1x16xf32>
      tpu.vector_store %arg8[%swap3A_114, %swap3A_115], %swap3A_118 {strides = array<i32>} : memref<128x128xf32, #tpu.memory_space<vmem>>, vector<1x16xf32>,
      %broadcast_in_dim3A_119 = arith.constant 0.000000e+00 : f32
      %broadcast_in_dim3A_120 = vector.broadcast %broadcast_in_dim3A_119 : f32 to vector<16xf32>
      %swap3A_121 = arith.index_cast %add3A_85 : i32 to index
      %swap3A_122 = arith.constant 80 : index
      %swap3A_123 = tpu.vector_load %arg8[%swap3A_121, %swap3A_122] {strides = array<i32>} : memref<128x128xf32, #tpu.memory_space<vmem>>, vector<1x16xf32>,
      %swap3A_124 = vector.shape_cast %swap3A_123 : vector<1x16xf32> to vector<16xf32>
      %swap3A_125 = vector.shape_cast %broadcast_in_dim3A_120 : vector<16xf32> to vector<1x16xf32>
      tpu.vector_store %arg8[%swap3A_121, %swap3A_122], %swap3A_125 {strides = array<i32>} : memref<128x128xf32, #tpu.memory_space<vmem>>, vector<1x16xf32>,
      %broadcast_in_dim3A_126 = arith.constant 0.000000e+00 : f32
      %broadcast_in_dim3A_127 = vector.broadcast %broadcast_in_dim3A_126 : f32 to vector<16xf32>
      %swap3A_128 = arith.index_cast %add3A_85 : i32 to index
      %swap3A_129 = arith.constant 96 : index
      %swap3A_130 = tpu.vector_load %arg8[%swap3A_128, %swap3A_129] {strides = array<i32>} : memref<128x128xf32, #tpu.memory_space<vmem>>, vector<1x16xf32>,
      %swap3A_131 = vector.shape_cast %swap3A_130 : vector<1x16xf32> to vector<16xf32>
      %swap3A_132 = vector.shape_cast %broadcast_in_dim3A_127 : vector<16xf32> to vector<1x16xf32>
      tpu.vector_store %arg8[%swap3A_128, %swap3A_129], %swap3A_132 {strides = array<i32>} : memref<128x128xf32, #tpu.memory_space<vmem>>, vector<1x16xf32>,
      %broadcast_in_dim3A_133 = arith.constant 0.000000e+00 : f32
      %broadcast_in_dim3A_134 = vector.broadcast %broadcast_in_dim3A_133 : f32 to vector<16xf32>
      %swap3A_135 = arith.index_cast %add3A_85 : i32 to index
      %swap3A_136 = arith.constant 112 : index
      %swap3A_137 = tpu.vector_load %arg8[%swap3A_135, %swap3A_136] {strides = array<i32>} : memref<128x128xf32, #tpu.memory_space<vmem>>, vector<1x16xf32>,
      %swap3A_138 = vector.shape_cast %swap3A_137 : vector<1x16xf32> to vector<16xf32>
      %swap3A_139 = vector.shape_cast %broadcast_in_dim3A_134 : vector<16xf32> to vector<1x16xf32>
      tpu.vector_store %arg8[%swap3A_135, %swap3A_136], %swap3A_139 {strides = array<i32>} : memref<128x128xf32, #tpu.memory_space<vmem>>, vector<1x16xf32>,
    }
    %scan3A_11 = arith.constant 128 : i32
    %add3A_12 = arith.constant 0 : i32
    %add3A_13 = arith.addi %mul3A_0, %add3A_12 : i32
    "tpu.region"() ({
      %run_scoped3A = tpu.sem_alloc : memref<!tpu.dma_semaphore, #tpu.memory_space<semaphore_mem>>
      %dma_start3A_81 = arith.constant 0 : i32
      %dma_start3A_82 = tpu.memref_slice %arg10[%add3A_13, %dma_start3A_81] : memref<10112x128xf32, #tpu.memory_space<vmem_shared>> -> memref<128x128xf32, #tpu.memory_space<vmem_shared>>
      %dma_start3A_83 = arith.constant 0 : i32
      %dma_start3A_84 = tpu.memref_slice %arg10[%add3A_13, %dma_start3A_83] : memref<10112x128xf32, #tpu.memory_space<vmem_shared>> -> memref<128x128xf32, #tpu.memory_space<vmem_shared>>
      tpu.enqueue_dma source(%arg8 : memref<128x128xf32, #tpu.memory_space<vmem>>) target(%dma_start3A_84 : memref<128x128xf32, #tpu.memory_space<vmem_shared>>) target_semaphore(%run_scoped3A : memref<!tpu.dma_semaphore, #tpu.memory_space<semaphore_mem>>)
      %dma_wait3A_85 = arith.constant 0 : i32
      %dma_wait3A_86 = tpu.memref_slice %arg10[%add3A_13, %dma_wait3A_85] : memref<10112x128xf32, #tpu.memory_space<vmem_shared>> -> memref<128x128xf32, #tpu.memory_space<vmem_shared>>
      %dma_wait3A_87 = arith.constant 0 : i32
      %dma_wait3A_88 = tpu.memref_slice %arg10[%add3A_13, %dma_wait3A_87] : memref<10112x128xf32, #tpu.memory_space<vmem_shared>> -> memref<128x128xf32, #tpu.memory_space<vmem_shared>>
      tpu.wait_dma2 semaphore(%run_scoped3A : memref<!tpu.dma_semaphore, #tpu.memory_space<semaphore_mem>>) src(%arg8 : memref<128x128xf32, #tpu.memory_space<vmem>>) dst(%dma_wait3A_88 : memref<128x128xf32, #tpu.memory_space<vmem_shared>>)
      tpu.yield
    }) : () -> ()
    %add3A_14 = arith.constant 128 : i32
    %add3A_15 = arith.addi %mul3A_0, %add3A_14 : i32
    "tpu.region"() ({
      %run_scoped3A = tpu.sem_alloc : memref<!tpu.dma_semaphore, #tpu.memory_space<semaphore_mem>>
      %dma_start3A_81 = arith.constant 0 : i32
      %dma_start3A_82 = tpu.memref_slice %arg10[%add3A_15, %dma_start3A_81] : memref<10112x128xf32, #tpu.memory_space<vmem_shared>> -> memref<128x128xf32, #tpu.memory_space<vmem_shared>>
      %dma_start3A_83 = arith.constant 0 : i32
      %dma_start3A_84 = tpu.memref_slice %arg10[%add3A_15, %dma_start3A_83] : memref<10112x128xf32, #tpu.memory_space<vmem_shared>> -> memref<128x128xf32, #tpu.memory_space<vmem_shared>>
      tpu.enqueue_dma source(%arg8 : memref<128x128xf32, #tpu.memory_space<vmem>>) target(%dma_start3A_84 : memref<128x128xf32, #tpu.memory_space<vmem_shared>>) target_semaphore(%run_scoped3A : memref<!tpu.dma_semaphore, #tpu.memory_space<semaphore_mem>>)
      %dma_wait3A_85 = arith.constant 0 : i32
      %dma_wait3A_86 = tpu.memref_slice %arg10[%add3A_15, %dma_wait3A_85] : memref<10112x128xf32, #tpu.memory_space<vmem_shared>> -> memref<128x128xf32, #tpu.memory_space<vmem_shared>>
      %dma_wait3A_87 = arith.constant 0 : i32
      %dma_wait3A_88 = tpu.memref_slice %arg10[%add3A_15, %dma_wait3A_87] : memref<10112x128xf32, #tpu.memory_space<vmem_shared>> -> memref<128x128xf32, #tpu.memory_space<vmem_shared>>
      tpu.wait_dma2 semaphore(%run_scoped3A : memref<!tpu.dma_semaphore, #tpu.memory_space<semaphore_mem>>) src(%arg8 : memref<128x128xf32, #tpu.memory_space<vmem>>) dst(%dma_wait3A_88 : memref<128x128xf32, #tpu.memory_space<vmem_shared>>)
      tpu.yield
    }) : () -> ()
    %add3A_16 = arith.constant 256 : i32
    %add3A_17 = arith.addi %mul3A_0, %add3A_16 : i32
    "tpu.region"() ({
      %run_scoped3A = tpu.sem_alloc : memref<!tpu.dma_semaphore, #tpu.memory_space<semaphore_mem>>
      %dma_start3A_81 = arith.constant 0 : i32
      %dma_start3A_82 = tpu.memref_slice %arg10[%add3A_17, %dma_start3A_81] : memref<10112x128xf32, #tpu.memory_space<vmem_shared>> -> memref<128x128xf32, #tpu.memory_space<vmem_shared>>
      %dma_start3A_83 = arith.constant 0 : i32
      %dma_start3A_84 = tpu.memref_slice %arg10[%add3A_17, %dma_start3A_83] : memref<10112x128xf32, #tpu.memory_space<vmem_shared>> -> memref<128x128xf32, #tpu.memory_space<vmem_shared>>
      tpu.enqueue_dma source(%arg8 : memref<128x128xf32, #tpu.memory_space<vmem>>) target(%dma_start3A_84 : memref<128x128xf32, #tpu.memory_space<vmem_shared>>) target_semaphore(%run_scoped3A : memref<!tpu.dma_semaphore, #tpu.memory_space<semaphore_mem>>)
      %dma_wait3A_85 = arith.constant 0 : i32
      %dma_wait3A_86 = tpu.memref_slice %arg10[%add3A_17, %dma_wait3A_85] : memref<10112x128xf32, #tpu.memory_space<vmem_shared>> -> memref<128x128xf32, #tpu.memory_space<vmem_shared>>
      %dma_wait3A_87 = arith.constant 0 : i32
      %dma_wait3A_88 = tpu.memref_slice %arg10[%add3A_17, %dma_wait3A_87] : memref<10112x128xf32, #tpu.memory_space<vmem_shared>> -> memref<128x128xf32, #tpu.memory_space<vmem_shared>>
      tpu.wait_dma2 semaphore(%run_scoped3A : memref<!tpu.dma_semaphore, #tpu.memory_space<semaphore_mem>>) src(%arg8 : memref<128x128xf32, #tpu.memory_space<vmem>>) dst(%dma_wait3A_88 : memref<128x128xf32, #tpu.memory_space<vmem_shared>>)
      tpu.yield
    }) : () -> ()
    %add3A_18 = arith.constant 384 : i32
    %add3A_19 = arith.addi %mul3A_0, %add3A_18 : i32
    "tpu.region"() ({
      %run_scoped3A = tpu.sem_alloc : memref<!tpu.dma_semaphore, #tpu.memory_space<semaphore_mem>>
      %dma_start3A_81 = arith.constant 0 : i32
      %dma_start3A_82 = tpu.memref_slice %arg10[%add3A_19, %dma_start3A_81] : memref<10112x128xf32, #tpu.memory_space<vmem_shared>> -> memref<128x128xf32, #tpu.memory_space<vmem_shared>>
      %dma_start3A_83 = arith.constant 0 : i32
      %dma_start3A_84 = tpu.memref_slice %arg10[%add3A_19, %dma_start3A_83] : memref<10112x128xf32, #tpu.memory_space<vmem_shared>> -> memref<128x128xf32, #tpu.memory_space<vmem_shared>>
      tpu.enqueue_dma source(%arg8 : memref<128x128xf32, #tpu.memory_space<vmem>>) target(%dma_start3A_84 : memref<128x128xf32, #tpu.memory_space<vmem_shared>>) target_semaphore(%run_scoped3A : memref<!tpu.dma_semaphore, #tpu.memory_space<semaphore_mem>>)
      %dma_wait3A_85 = arith.constant 0 : i32
      %dma_wait3A_86 = tpu.memref_slice %arg10[%add3A_19, %dma_wait3A_85] : memref<10112x128xf32, #tpu.memory_space<vmem_shared>> -> memref<128x128xf32, #tpu.memory_space<vmem_shared>>
      %dma_wait3A_87 = arith.constant 0 : i32
      %dma_wait3A_88 = tpu.memref_slice %arg10[%add3A_19, %dma_wait3A_87] : memref<10112x128xf32, #tpu.memory_space<vmem_shared>> -> memref<128x128xf32, #tpu.memory_space<vmem_shared>>
      tpu.wait_dma2 semaphore(%run_scoped3A : memref<!tpu.dma_semaphore, #tpu.memory_space<semaphore_mem>>) src(%arg8 : memref<128x128xf32, #tpu.memory_space<vmem>>) dst(%dma_wait3A_88 : memref<128x128xf32, #tpu.memory_space<vmem_shared>>)
      tpu.yield
    }) : () -> ()
    %add3A_20 = arith.constant 512 : i32
    %add3A_21 = arith.addi %mul3A_0, %add3A_20 : i32
    "tpu.region"() ({
      %run_scoped3A = tpu.sem_alloc : memref<!tpu.dma_semaphore, #tpu.memory_space<semaphore_mem>>
      %dma_start3A_81 = arith.constant 0 : i32
      %dma_start3A_82 = arith.constant 0 : i32
      %dma_start3A_83 = tpu.memref_slice %arg8[%dma_start3A_81, %dma_start3A_82] : memref<128x128xf32, #tpu.memory_space<vmem>> -> memref<120x128xf32, #tpu.memory_space<vmem>>
      %dma_start3A_84 = arith.constant 0 : i32
      %dma_start3A_85 = tpu.memref_slice %arg10[%add3A_21, %dma_start3A_84] : memref<10112x128xf32, #tpu.memory_space<vmem_shared>> -> memref<120x128xf32, #tpu.memory_space<vmem_shared>>
      %dma_start3A_86 = arith.constant 0 : i32
      %dma_start3A_87 = tpu.memref_slice %arg10[%add3A_21, %dma_start3A_86] : memref<10112x128xf32, #tpu.memory_space<vmem_shared>> -> memref<120x128xf32, #tpu.memory_space<vmem_shared>>
      %dma_start3A_88 = arith.constant 0 : i32
      %dma_start3A_89 = arith.constant 0 : i32
      %dma_start3A_90 = tpu.memref_slice %arg8[%dma_start3A_88, %dma_start3A_89] : memref<128x128xf32, #tpu.memory_space<vmem>> -> memref<120x128xf32, #tpu.memory_space<vmem>>
      tpu.enqueue_dma source(%dma_start3A_90 : memref<120x128xf32, #tpu.memory_space<vmem>>) target(%dma_start3A_87 : memref<120x128xf32, #tpu.memory_space<vmem_shared>>) target_semaphore(%run_scoped3A : memref<!tpu.dma_semaphore, #tpu.memory_space<semaphore_mem>>)
      %dma_wait3A_91 = arith.constant 0 : i32
      %dma_wait3A_92 = arith.constant 0 : i32
      %dma_wait3A_93 = tpu.memref_slice %arg8[%dma_wait3A_91, %dma_wait3A_92] : memref<128x128xf32, #tpu.memory_space<vmem>> -> memref<120x128xf32, #tpu.memory_space<vmem>>
      %dma_wait3A_94 = arith.constant 0 : i32
      %dma_wait3A_95 = tpu.memref_slice %arg10[%add3A_21, %dma_wait3A_94] : memref<10112x128xf32, #tpu.memory_space<vmem_shared>> -> memref<120x128xf32, #tpu.memory_space<vmem_shared>>
      %dma_wait3A_96 = arith.constant 0 : i32
      %dma_wait3A_97 = tpu.memref_slice %arg10[%add3A_21, %dma_wait3A_96] : memref<10112x128xf32, #tpu.memory_space<vmem_shared>> -> memref<120x128xf32, #tpu.memory_space<vmem_shared>>
      %dma_wait3A_98 = arith.constant 0 : i32
      %dma_wait3A_99 = arith.constant 0 : i32
      %dma_wait3A_100 = tpu.memref_slice %arg8[%dma_wait3A_98, %dma_wait3A_99] : memref<128x128xf32, #tpu.memory_space<vmem>> -> memref<120x128xf32, #tpu.memory_space<vmem>>
      tpu.wait_dma2 semaphore(%run_scoped3A : memref<!tpu.dma_semaphore, #tpu.memory_space<semaphore_mem>>) src(%dma_wait3A_100 : memref<120x128xf32, #tpu.memory_space<vmem>>) dst(%dma_wait3A_97 : memref<120x128xf32, #tpu.memory_space<vmem_shared>>)
      tpu.yield
    }) : () -> ()
    %barrier3A = arith.constant 0 : index
    tpu.barrier barrier_id(%barrier3A)
    "tpu.region"() ({
      %run_scoped3A = tpu.sem_alloc : memref<!tpu.dma_semaphore, #tpu.memory_space<semaphore_mem>>
      %dma_start3A_81 = arith.constant 0 : i32
      %dma_start3A_82 = tpu.memref_slice %arg4[%add3A, %dma_start3A_81] : memref<2664x128xi32, #tpu.memory_space<hbm>> -> memref<128x128xi32, #tpu.memory_space<hbm>>
      %dma_start3A_83 = arith.constant 0 : i32
      %dma_start3A_84 = tpu.memref_slice %arg4[%add3A, %dma_start3A_83] : memref<2664x128xi32, #tpu.memory_space<hbm>> -> memref<128x128xi32, #tpu.memory_space<hbm>>
      tpu.enqueue_dma source(%dma_start3A_84 : memref<128x128xi32, #tpu.memory_space<hbm>>) target(%arg7 : memref<128x128xi32, #tpu.memory_space<vmem>>) target_semaphore(%run_scoped3A : memref<!tpu.dma_semaphore, #tpu.memory_space<semaphore_mem>>)
      %dma_wait3A_85 = arith.constant 0 : i32
      %dma_wait3A_86 = tpu.memref_slice %arg4[%add3A, %dma_wait3A_85] : memref<2664x128xi32, #tpu.memory_space<hbm>> -> memref<128x128xi32, #tpu.memory_space<hbm>>
      %dma_wait3A_87 = arith.constant 0 : i32
      %dma_wait3A_88 = tpu.memref_slice %arg4[%add3A, %dma_wait3A_87] : memref<2664x128xi32, #tpu.memory_space<hbm>> -> memref<128x128xi32, #tpu.memory_space<hbm>>
      tpu.wait_dma2 semaphore(%run_scoped3A : memref<!tpu.dma_semaphore, #tpu.memory_space<semaphore_mem>>) src(%dma_wait3A_88 : memref<128x128xi32, #tpu.memory_space<hbm>>) dst(%arg7 : memref<128x128xi32, #tpu.memory_space<vmem>>)
      tpu.yield
    }) : () -> ()
    "tpu.region"() ({
      %run_scoped3A = tpu.sem_alloc : memref<!tpu.dma_semaphore, #tpu.memory_space<semaphore_mem>>
      %dma_start3A_81 = arith.constant 0 : i32
      %dma_start3A_82 = tpu.memref_slice %arg3[%add3A, %dma_start3A_81] : memref<2664x128xi32, #tpu.memory_space<hbm>> -> memref<2x128xi32, #tpu.memory_space<hbm>>
      %dma_start3A_83 = arith.constant 0 : i32
      %dma_start3A_84 = tpu.memref_slice %arg3[%add3A, %dma_start3A_83] : memref<2664x128xi32, #tpu.memory_space<hbm>> -> memref<2x128xi32, #tpu.memory_space<hbm>>
      tpu.enqueue_dma source(%dma_start3A_84 : memref<2x128xi32, #tpu.memory_space<hbm>>) target(%arg6 : memref<2x128xi32, #tpu.memory_space<vmem>>) target_semaphore(%run_scoped3A : memref<!tpu.dma_semaphore, #tpu.memory_space<semaphore_mem>>)
      %dma_wait3A_85 = arith.constant 0 : i32
      %dma_wait3A_86 = tpu.memref_slice %arg3[%add3A, %dma_wait3A_85] : memref<2664x128xi32, #tpu.memory_space<hbm>> -> memref<2x128xi32, #tpu.memory_space<hbm>>
      %dma_wait3A_87 = arith.constant 0 : i32
      %dma_wait3A_88 = tpu.memref_slice %arg3[%add3A, %dma_wait3A_87] : memref<2664x128xi32, #tpu.memory_space<hbm>> -> memref<2x128xi32, #tpu.memory_space<hbm>>
      tpu.wait_dma2 semaphore(%run_scoped3A : memref<!tpu.dma_semaphore, #tpu.memory_space<semaphore_mem>>) src(%dma_wait3A_88 : memref<2x128xi32, #tpu.memory_space<hbm>>) dst(%arg6 : memref<2x128xi32, #tpu.memory_space<vmem>>)
      tpu.yield
    }) : () -> ()
    %dma_start3A = arith.constant 0 : i32
    %dma_start3A_22 = arith.constant 0 : i32
    %dma_start3A_23 = tpu.memref_slice %arg6[%dma_start3A, %dma_start3A_22] : memref<2x128xi32, #tpu.memory_space<vmem>> -> memref<1x128xi32, #tpu.memory_space<vmem>>
    %dma_start3A_24 = tpu.memref_squeeze %dma_start3A_23 : memref<1x128xi32, #tpu.memory_space<vmem>> -> memref<128xi32, #tpu.memory_space<vmem>>
    %dma_start3A_25 = arith.constant 0 : i32
    %dma_start3A_26 = arith.constant 0 : i32
    %dma_start3A_27 = tpu.memref_slice %arg2[%dma_start3A_25, %dma_start3A_26] : memref<10000x128xf32, #tpu.memory_space<hbm>> -> memref<10000x128xf32, #tpu.memory_space<hbm>>
    tpu.enqueue_indirect_dma source(%dma_start3A_27 : memref<10000x128xf32, #tpu.memory_space<hbm>>) target(%arg8 : memref<128x128xf32, #tpu.memory_space<vmem>>) offsets(%dma_start3A_24 : memref<128xi32, #tpu.memory_space<vmem>>) semaphore(%arg11 : memref<!tpu.dma_semaphore, #tpu.memory_space<semaphore_mem>>)
    %jit3A_28 = arith.constant 2 : i32
    %div3A = arith.divsi %select_n3A, %jit3A_28 : i32
    %sign3A = arith.constant 0 : i32
    %sign3A_29 = arith.cmpi sgt, %select_n3A, %sign3A : i32
    %sign3A_30 = arith.extui %sign3A_29 : i1 to i32
    %sign3A_31 = arith.constant 0 : i32
    %sign3A_32 = arith.cmpi slt, %select_n3A, %sign3A_31 : i32
    %sign3A_33 = arith.extui %sign3A_32 : i1 to i32
    %sign3A_34 = arith.subi %sign3A_30, %sign3A_33 : i32
    %sign3A_35 = arith.constant 0 : i32
    %sign3A_36 = arith.cmpi sgt, %jit3A_28, %sign3A_35 : i32
    %sign3A_37 = arith.extui %sign3A_36 : i1 to i32
    %sign3A_38 = arith.constant 0 : i32
    %sign3A_39 = arith.cmpi slt, %jit3A_28, %sign3A_38 : i32
    %sign3A_40 = arith.extui %sign3A_39 : i1 to i32
    %sign3A_41 = arith.subi %sign3A_37, %sign3A_40 : i32
    %ne3A = arith.cmpi ne, %sign3A_34, %sign3A_41 : i32
    %rem3A = arith.remsi %select_n3A, %jit3A_28 : i32
    %ne3A_42 = arith.constant 0 : i32
    %ne3A_43 = arith.cmpi ne, %rem3A, %ne3A_42 : i32
    %and3A = arith.andi %ne3A, %ne3A_43 : i1
    %sub3A = arith.constant 1 : i32
    %sub3A_44 = arith.subi %div3A, %sub3A : i32
    %select_n3A_45 = arith.select %and3A, %sub3A_44, %div3A : i32
    %sub3A_46 = arith.constant 0 : i32
    %sub3A_47 = arith.subi %select_n3A_45, %sub3A_46 : i32
    %sub3A_48 = arith.constant 1 : i32
    %sub3A_49 = arith.constant 1 : i32
    %sub3A_50 = arith.subi %sub3A_48, %sub3A_49 : i32
    %add3A_51 = arith.addi %sub3A_47, %sub3A_50 : i32
    %div3A_52 = arith.constant 1 : i32
    %div3A_53 = arith.divsi %add3A_51, %div3A_52 : i32
    %while3A = arith.constant 1 : i32
    %while3A_54 = arith.constant 0 : i32
    %while3A_55 = arith.constant 0 : i32
    %while3A_56 = arith.subi %div3A_53, %while3A_55 : i32
    %while3A_57 = arith.addi %while3A_55, %while3A_56 : i32
    %while3A_58 = arith.constant 1 : i32
    %while3A_59 = arith.divsi %while3A_56, %while3A_58 : i32
    %while3A_60 = arith.muli %while3A_59, %while3A_58 : i32
    %while3A_61 = arith.addi %while3A_55, %while3A_60 : i32
    %while3A_62 = arith.constant 1 : i32
    scf.for %while3A_81 = %while3A_55 to %while3A_61 step %while3A_62  : i32 {
      %mul3A_82 = arith.muli %while3A_81, %while3A : i32
      %add3A_83 = arith.addi %while3A_54, %mul3A_82 : i32
      %mul3A_84 = arith.constant 2 : i32
      %mul3A_85 = arith.muli %mul3A_84, %add3A_83 : i32
      %dma_wait3A_86 = arith.constant 0 : i32
      %dma_wait3A_87 = arith.constant 0 : i32
      %dma_wait3A_88 = tpu.memref_slice %arg6[%dma_wait3A_86, %dma_wait3A_87] : memref<2x128xi32, #tpu.memory_space<vmem>> -> memref<1x128xi32, #tpu.memory_space<vmem>>
      %dma_wait3A_89 = tpu.memref_squeeze %dma_wait3A_88 : memref<1x128xi32, #tpu.memory_space<vmem>> -> memref<128xi32, #tpu.memory_space<vmem>>
      %dma_wait3A_90 = arith.constant 0 : i32
      %dma_wait3A_91 = arith.constant 0 : i32
      %dma_wait3A_92 = tpu.memref_slice %arg2[%dma_wait3A_90, %dma_wait3A_91] : memref<10000x128xf32, #tpu.memory_space<hbm>> -> memref<10000x128xf32, #tpu.memory_space<hbm>>
      tpu.wait_indirect_dma semaphore(%arg11 : memref<!tpu.dma_semaphore, #tpu.memory_space<semaphore_mem>>) src(%dma_wait3A_92 : memref<10000x128xf32, #tpu.memory_space<hbm>>) dst(%arg8 : memref<128x128xf32, #tpu.memory_space<vmem>>)
      %dma_start3A_93 = arith.constant 1 : i32
      %dma_start3A_94 = arith.constant 0 : i32
      %dma_start3A_95 = tpu.memref_slice %arg6[%dma_start3A_93, %dma_start3A_94] : memref<2x128xi32, #tpu.memory_space<vmem>> -> memref<1x128xi32, #tpu.memory_space<vmem>>
      %dma_start3A_96 = tpu.memref_squeeze %dma_start3A_95 : memref<1x128xi32, #tpu.memory_space<vmem>> -> memref<128xi32, #tpu.memory_space<vmem>>
      %dma_start3A_97 = arith.constant 0 : i32
      %dma_start3A_98 = arith.constant 0 : i32
      %dma_start3A_99 = tpu.memref_slice %arg2[%dma_start3A_97, %dma_start3A_98] : memref<10000x128xf32, #tpu.memory_space<hbm>> -> memref<10000x128xf32, #tpu.memory_space<hbm>>
      tpu.enqueue_indirect_dma source(%dma_start3A_99 : memref<10000x128xf32, #tpu.memory_space<hbm>>) target(%arg9 : memref<128x128xf32, #tpu.memory_space<vmem>>) offsets(%dma_start3A_96 : memref<128xi32, #tpu.memory_space<vmem>>) semaphore(%arg12 : memref<!tpu.dma_semaphore, #tpu.memory_space<semaphore_mem>>)
      %add3A_100 = arith.addi %add3A, %mul3A_85 : i32
      %add3A_101 = arith.constant 2 : i32
      %add3A_102 = arith.addi %add3A_100, %add3A_101 : i32
      %dma_start3A_103 = arith.constant 0 : i32
      %dma_start3A_104 = arith.constant 0 : i32
      %dma_start3A_105 = tpu.memref_slice %arg6[%dma_start3A_103, %dma_start3A_104] : memref<2x128xi32, #tpu.memory_space<vmem>> -> memref<1x128xi32, #tpu.memory_space<vmem>>
      %dma_start3A_106 = arith.constant 0 : i32
      %dma_start3A_107 = tpu.memref_slice %arg3[%add3A_102, %dma_start3A_106] : memref<2664x128xi32, #tpu.memory_space<hbm>> -> memref<1x128xi32, #tpu.memory_space<hbm>>
      %dma_start3A_108 = arith.constant 0 : i32
      %dma_start3A_109 = arith.constant 0 : i32
      %dma_start3A_110 = tpu.memref_slice %arg6[%dma_start3A_108, %dma_start3A_109] : memref<2x128xi32, #tpu.memory_space<vmem>> -> memref<1x128xi32, #tpu.memory_space<vmem>>
      %dma_start3A_111 = arith.constant 0 : i32
      %dma_start3A_112 = tpu.memref_slice %arg3[%add3A_102, %dma_start3A_111] : memref<2664x128xi32, #tpu.memory_space<hbm>> -> memref<1x128xi32, #tpu.memory_space<hbm>>
      tpu.enqueue_dma source(%dma_start3A_112 : memref<1x128xi32, #tpu.memory_space<hbm>>) target(%dma_start3A_110 : memref<1x128xi32, #tpu.memory_space<vmem>>) target_semaphore(%arg13 : memref<!tpu.dma_semaphore, #tpu.memory_space<semaphore_mem>>)
      %dma_start3A_113 = arith.constant 0 : i32
      %dma_start3A_114 = tpu.memref_slice %arg7[%mul3A_85, %dma_start3A_113] : memref<128x128xi32, #tpu.memory_space<vmem>> -> memref<1x128xi32, #tpu.memory_space<vmem>>
      %dma_start3A_115 = tpu.memref_squeeze %dma_start3A_114 : memref<1x128xi32, #tpu.memory_space<vmem>> -> memref<128xi32, #tpu.memory_space<vmem>>
      %dma_start3A_116 = arith.constant 0 : i32
      %dma_start3A_117 = arith.constant 0 : i32
      %dma_start3A_118 = tpu.memref_slice %arg10[%dma_start3A_116, %dma_start3A_117] : memref<10112x128xf32, #tpu.memory_space<vmem_shared>> -> memref<10112x128xf32, #tpu.memory_space<vmem_shared>>
      tpu.enqueue_indirect_dma source(%arg8 : memref<128x128xf32, #tpu.memory_space<vmem>>) target(%dma_start3A_118 : memref<10112x128xf32, #tpu.memory_space<vmem_shared>>) offsets(%dma_start3A_115 : memref<128xi32, #tpu.memory_space<vmem>>) semaphore(%arg15 : memref<!tpu.dma_semaphore, #tpu.memory_space<semaphore_mem>>) {add = true}
      %dma_wait3A_119 = arith.constant 1 : i32
      %dma_wait3A_120 = arith.constant 0 : i32
      %dma_wait3A_121 = tpu.memref_slice %arg6[%dma_wait3A_119, %dma_wait3A_120] : memref<2x128xi32, #tpu.memory_space<vmem>> -> memref<1x128xi32, #tpu.memory_space<vmem>>
      %dma_wait3A_122 = tpu.memref_squeeze %dma_wait3A_121 : memref<1x128xi32, #tpu.memory_space<vmem>> -> memref<128xi32, #tpu.memory_space<vmem>>
      %dma_wait3A_123 = arith.constant 0 : i32
      %dma_wait3A_124 = arith.constant 0 : i32
      %dma_wait3A_125 = tpu.memref_slice %arg2[%dma_wait3A_123, %dma_wait3A_124] : memref<10000x128xf32, #tpu.memory_space<hbm>> -> memref<10000x128xf32, #tpu.memory_space<hbm>>
      tpu.wait_indirect_dma semaphore(%arg12 : memref<!tpu.dma_semaphore, #tpu.memory_space<semaphore_mem>>) src(%dma_wait3A_125 : memref<10000x128xf32, #tpu.memory_space<hbm>>) dst(%arg9 : memref<128x128xf32, #tpu.memory_space<vmem>>)
      %add3A_126 = arith.constant 1 : i32
      %add3A_127 = arith.addi %mul3A_85, %add3A_126 : i32
      %dma_start3A_128 = arith.constant 0 : i32
      %dma_start3A_129 = tpu.memref_slice %arg7[%add3A_127, %dma_start3A_128] : memref<128x128xi32, #tpu.memory_space<vmem>> -> memref<1x128xi32, #tpu.memory_space<vmem>>
      %dma_start3A_130 = tpu.memref_squeeze %dma_start3A_129 : memref<1x128xi32, #tpu.memory_space<vmem>> -> memref<128xi32, #tpu.memory_space<vmem>>
      %dma_start3A_131 = arith.constant 0 : i32
      %dma_start3A_132 = arith.constant 0 : i32
      %dma_start3A_133 = tpu.memref_slice %arg10[%dma_start3A_131, %dma_start3A_132] : memref<10112x128xf32, #tpu.memory_space<vmem_shared>> -> memref<10112x128xf32, #tpu.memory_space<vmem_shared>>
      tpu.enqueue_indirect_dma source(%arg9 : memref<128x128xf32, #tpu.memory_space<vmem>>) target(%dma_start3A_133 : memref<10112x128xf32, #tpu.memory_space<vmem_shared>>) offsets(%dma_start3A_130 : memref<128xi32, #tpu.memory_space<vmem>>) semaphore(%arg16 : memref<!tpu.dma_semaphore, #tpu.memory_space<semaphore_mem>>) {add = true}
      %add3A_134 = arith.addi %add3A, %mul3A_85 : i32
      %add3A_135 = arith.constant 2 : i32
      %add3A_136 = arith.addi %add3A_134, %add3A_135 : i32
      %dma_wait3A_137 = arith.constant 0 : i32
      %dma_wait3A_138 = arith.constant 0 : i32
      %dma_wait3A_139 = tpu.memref_slice %arg6[%dma_wait3A_137, %dma_wait3A_138] : memref<2x128xi32, #tpu.memory_space<vmem>> -> memref<1x128xi32, #tpu.memory_space<vmem>>
      %dma_wait3A_140 = arith.constant 0 : i32
      %dma_wait3A_141 = tpu.memref_slice %arg3[%add3A_136, %dma_wait3A_140] : memref<2664x128xi32, #tpu.memory_space<hbm>> -> memref<1x128xi32, #tpu.memory_space<hbm>>
      %dma_wait3A_142 = arith.constant 0 : i32
      %dma_wait3A_143 = arith.constant 0 : i32
      %dma_wait3A_144 = tpu.memref_slice %arg6[%dma_wait3A_142, %dma_wait3A_143] : memref<2x128xi32, #tpu.memory_space<vmem>> -> memref<1x128xi32, #tpu.memory_space<vmem>>
      %dma_wait3A_145 = arith.constant 0 : i32
      %dma_wait3A_146 = tpu.memref_slice %arg3[%add3A_136, %dma_wait3A_145] : memref<2664x128xi32, #tpu.memory_space<hbm>> -> memref<1x128xi32, #tpu.memory_space<hbm>>
      tpu.wait_dma2 semaphore(%arg13 : memref<!tpu.dma_semaphore, #tpu.memory_space<semaphore_mem>>) src(%dma_wait3A_146 : memref<1x128xi32, #tpu.memory_space<hbm>>) dst(%dma_wait3A_144 : memref<1x128xi32, #tpu.memory_space<vmem>>)
      %dma_wait3A_147 = arith.constant 0 : i32
      %dma_wait3A_148 = tpu.memref_slice %arg7[%mul3A_85, %dma_wait3A_147] : memref<128x128xi32, #tpu.memory_space<vmem>> -> memref<1x128xi32, #tpu.memory_space<vmem>>
      %dma_wait3A_149 = tpu.memref_squeeze %dma_wait3A_148 : memref<1x128xi32, #tpu.memory_space<vmem>> -> memref<128xi32, #tpu.memory_space<vmem>>
      %dma_wait3A_150 = arith.constant 0 : i32
      %dma_wait3A_151 = arith.constant 0 : i32
      %dma_wait3A_152 = tpu.memref_slice %arg10[%dma_wait3A_150, %dma_wait3A_151] : memref<10112x128xf32, #tpu.memory_space<vmem_shared>> -> memref<10112x128xf32, #tpu.memory_space<vmem_shared>>
      tpu.wait_indirect_dma semaphore(%arg15 : memref<!tpu.dma_semaphore, #tpu.memory_space<semaphore_mem>>) src(%arg8 : memref<128x128xf32, #tpu.memory_space<vmem>>) dst(%dma_wait3A_152 : memref<10112x128xf32, #tpu.memory_space<vmem_shared>>)
      %dma_start3A_153 = arith.constant 0 : i32
      %dma_start3A_154 = arith.constant 0 : i32
      %dma_start3A_155 = tpu.memref_slice %arg6[%dma_start3A_153, %dma_start3A_154] : memref<2x128xi32, #tpu.memory_space<vmem>> -> memref<1x128xi32, #tpu.memory_space<vmem>>
      %dma_start3A_156 = tpu.memref_squeeze %dma_start3A_155 : memref<1x128xi32, #tpu.memory_space<vmem>> -> memref<128xi32, #tpu.memory_space<vmem>>
      %dma_start3A_157 = arith.constant 0 : i32
      %dma_start3A_158 = arith.constant 0 : i32
      %dma_start3A_159 = tpu.memref_slice %arg2[%dma_start3A_157, %dma_start3A_158] : memref<10000x128xf32, #tpu.memory_space<hbm>> -> memref<10000x128xf32, #tpu.memory_space<hbm>>
      tpu.enqueue_indirect_dma source(%dma_start3A_159 : memref<10000x128xf32, #tpu.memory_space<hbm>>) target(%arg8 : memref<128x128xf32, #tpu.memory_space<vmem>>) offsets(%dma_start3A_156 : memref<128xi32, #tpu.memory_space<vmem>>) semaphore(%arg11 : memref<!tpu.dma_semaphore, #tpu.memory_space<semaphore_mem>>)
      %add3A_160 = arith.addi %add3A, %mul3A_85 : i32
      %add3A_161 = arith.constant 3 : i32
      %add3A_162 = arith.addi %add3A_160, %add3A_161 : i32
      %dma_start3A_163 = arith.constant 1 : i32
      %dma_start3A_164 = arith.constant 0 : i32
      %dma_start3A_165 = tpu.memref_slice %arg6[%dma_start3A_163, %dma_start3A_164] : memref<2x128xi32, #tpu.memory_space<vmem>> -> memref<1x128xi32, #tpu.memory_space<vmem>>
      %dma_start3A_166 = arith.constant 0 : i32
      %dma_start3A_167 = tpu.memref_slice %arg3[%add3A_162, %dma_start3A_166] : memref<2664x128xi32, #tpu.memory_space<hbm>> -> memref<1x128xi32, #tpu.memory_space<hbm>>
      %dma_start3A_168 = arith.constant 1 : i32
      %dma_start3A_169 = arith.constant 0 : i32
      %dma_start3A_170 = tpu.memref_slice %arg6[%dma_start3A_168, %dma_start3A_169] : memref<2x128xi32, #tpu.memory_space<vmem>> -> memref<1x128xi32, #tpu.memory_space<vmem>>
      %dma_start3A_171 = arith.constant 0 : i32
      %dma_start3A_172 = tpu.memref_slice %arg3[%add3A_162, %dma_start3A_171] : memref<2664x128xi32, #tpu.memory_space<hbm>> -> memref<1x128xi32, #tpu.memory_space<hbm>>
      tpu.enqueue_dma source(%dma_start3A_172 : memref<1x128xi32, #tpu.memory_space<hbm>>) target(%dma_start3A_170 : memref<1x128xi32, #tpu.memory_space<vmem>>) target_semaphore(%arg14 : memref<!tpu.dma_semaphore, #tpu.memory_space<semaphore_mem>>)
      %add3A_173 = arith.constant 1 : i32
      %add3A_174 = arith.addi %mul3A_85, %add3A_173 : i32
      %dma_wait3A_175 = arith.constant 0 : i32
      %dma_wait3A_176 = tpu.memref_slice %arg7[%add3A_174, %dma_wait3A_175] : memref<128x128xi32, #tpu.memory_space<vmem>> -> memref<1x128xi32, #tpu.memory_space<vmem>>
      %dma_wait3A_177 = tpu.memref_squeeze %dma_wait3A_176 : memref<1x128xi32, #tpu.memory_space<vmem>> -> memref<128xi32, #tpu.memory_space<vmem>>
      %dma_wait3A_178 = arith.constant 0 : i32
      %dma_wait3A_179 = arith.constant 0 : i32
      %dma_wait3A_180 = tpu.memref_slice %arg10[%dma_wait3A_178, %dma_wait3A_179] : memref<10112x128xf32, #tpu.memory_space<vmem_shared>> -> memref<10112x128xf32, #tpu.memory_space<vmem_shared>>
      tpu.wait_indirect_dma semaphore(%arg16 : memref<!tpu.dma_semaphore, #tpu.memory_space<semaphore_mem>>) src(%arg9 : memref<128x128xf32, #tpu.memory_space<vmem>>) dst(%dma_wait3A_180 : memref<10112x128xf32, #tpu.memory_space<vmem_shared>>)
      %add3A_181 = arith.addi %add3A, %mul3A_85 : i32
      %add3A_182 = arith.constant 3 : i32
      %add3A_183 = arith.addi %add3A_181, %add3A_182 : i32
      %dma_wait3A_184 = arith.constant 1 : i32
      %dma_wait3A_185 = arith.constant 0 : i32
      %dma_wait3A_186 = tpu.memref_slice %arg6[%dma_wait3A_184, %dma_wait3A_185] : memref<2x128xi32, #tpu.memory_space<vmem>> -> memref<1x128xi32, #tpu.memory_space<vmem>>
      %dma_wait3A_187 = arith.constant 0 : i32
      %dma_wait3A_188 = tpu.memref_slice %arg3[%add3A_183, %dma_wait3A_187] : memref<2664x128xi32, #tpu.memory_space<hbm>> -> memref<1x128xi32, #tpu.memory_space<hbm>>
      %dma_wait3A_189 = arith.constant 1 : i32
      %dma_wait3A_190 = arith.constant 0 : i32
      %dma_wait3A_191 = tpu.memref_slice %arg6[%dma_wait3A_189, %dma_wait3A_190] : memref<2x128xi32, #tpu.memory_space<vmem>> -> memref<1x128xi32, #tpu.memory_space<vmem>>
      %dma_wait3A_192 = arith.constant 0 : i32
      %dma_wait3A_193 = tpu.memref_slice %arg3[%add3A_183, %dma_wait3A_192] : memref<2664x128xi32, #tpu.memory_space<hbm>> -> memref<1x128xi32, #tpu.memory_space<hbm>>
      tpu.wait_dma2 semaphore(%arg14 : memref<!tpu.dma_semaphore, #tpu.memory_space<semaphore_mem>>) src(%dma_wait3A_193 : memref<1x128xi32, #tpu.memory_space<hbm>>) dst(%dma_wait3A_191 : memref<1x128xi32, #tpu.memory_space<vmem>>)
    }
    %while3A_63 = arith.constant 1 : i32
    scf.for %while3A_81 = %while3A_61 to %while3A_57 step %while3A_63  : i32 {
      %mul3A_82 = arith.muli %while3A_81, %while3A : i32
      %add3A_83 = arith.addi %while3A_54, %mul3A_82 : i32
      %mul3A_84 = arith.constant 2 : i32
      %mul3A_85 = arith.muli %mul3A_84, %add3A_83 : i32
      %dma_wait3A_86 = arith.constant 0 : i32
      %dma_wait3A_87 = arith.constant 0 : i32
      %dma_wait3A_88 = tpu.memref_slice %arg6[%dma_wait3A_86, %dma_wait3A_87] : memref<2x128xi32, #tpu.memory_space<vmem>> -> memref<1x128xi32, #tpu.memory_space<vmem>>
      %dma_wait3A_89 = tpu.memref_squeeze %dma_wait3A_88 : memref<1x128xi32, #tpu.memory_space<vmem>> -> memref<128xi32, #tpu.memory_space<vmem>>
      %dma_wait3A_90 = arith.constant 0 : i32
      %dma_wait3A_91 = arith.constant 0 : i32
      %dma_wait3A_92 = tpu.memref_slice %arg2[%dma_wait3A_90, %dma_wait3A_91] : memref<10000x128xf32, #tpu.memory_space<hbm>> -> memref<10000x128xf32, #tpu.memory_space<hbm>>
      tpu.wait_indirect_dma semaphore(%arg11 : memref<!tpu.dma_semaphore, #tpu.memory_space<semaphore_mem>>) src(%dma_wait3A_92 : memref<10000x128xf32, #tpu.memory_space<hbm>>) dst(%arg8 : memref<128x128xf32, #tpu.memory_space<vmem>>)
      %dma_start3A_93 = arith.constant 1 : i32
      %dma_start3A_94 = arith.constant 0 : i32
      %dma_start3A_95 = tpu.memref_slice %arg6[%dma_start3A_93, %dma_start3A_94] : memref<2x128xi32, #tpu.memory_space<vmem>> -> memref<1x128xi32, #tpu.memory_space<vmem>>
      %dma_start3A_96 = tpu.memref_squeeze %dma_start3A_95 : memref<1x128xi32, #tpu.memory_space<vmem>> -> memref<128xi32, #tpu.memory_space<vmem>>
      %dma_start3A_97 = arith.constant 0 : i32
      %dma_start3A_98 = arith.constant 0 : i32
      %dma_start3A_99 = tpu.memref_slice %arg2[%dma_start3A_97, %dma_start3A_98] : memref<10000x128xf32, #tpu.memory_space<hbm>> -> memref<10000x128xf32, #tpu.memory_space<hbm>>
      tpu.enqueue_indirect_dma source(%dma_start3A_99 : memref<10000x128xf32, #tpu.memory_space<hbm>>) target(%arg9 : memref<128x128xf32, #tpu.memory_space<vmem>>) offsets(%dma_start3A_96 : memref<128xi32, #tpu.memory_space<vmem>>) semaphore(%arg12 : memref<!tpu.dma_semaphore, #tpu.memory_space<semaphore_mem>>)
      %add3A_100 = arith.addi %add3A, %mul3A_85 : i32
      %add3A_101 = arith.constant 2 : i32
      %add3A_102 = arith.addi %add3A_100, %add3A_101 : i32
      %dma_start3A_103 = arith.constant 0 : i32
      %dma_start3A_104 = arith.constant 0 : i32
      %dma_start3A_105 = tpu.memref_slice %arg6[%dma_start3A_103, %dma_start3A_104] : memref<2x128xi32, #tpu.memory_space<vmem>> -> memref<1x128xi32, #tpu.memory_space<vmem>>
      %dma_start3A_106 = arith.constant 0 : i32
      %dma_start3A_107 = tpu.memref_slice %arg3[%add3A_102, %dma_start3A_106] : memref<2664x128xi32, #tpu.memory_space<hbm>> -> memref<1x128xi32, #tpu.memory_space<hbm>>
      %dma_start3A_108 = arith.constant 0 : i32
      %dma_start3A_109 = arith.constant 0 : i32
      %dma_start3A_110 = tpu.memref_slice %arg6[%dma_start3A_108, %dma_start3A_109] : memref<2x128xi32, #tpu.memory_space<vmem>> -> memref<1x128xi32, #tpu.memory_space<vmem>>
      %dma_start3A_111 = arith.constant 0 : i32
      %dma_start3A_112 = tpu.memref_slice %arg3[%add3A_102, %dma_start3A_111] : memref<2664x128xi32, #tpu.memory_space<hbm>> -> memref<1x128xi32, #tpu.memory_space<hbm>>
      tpu.enqueue_dma source(%dma_start3A_112 : memref<1x128xi32, #tpu.memory_space<hbm>>) target(%dma_start3A_110 : memref<1x128xi32, #tpu.memory_space<vmem>>) target_semaphore(%arg13 : memref<!tpu.dma_semaphore, #tpu.memory_space<semaphore_mem>>)
      %dma_start3A_113 = arith.constant 0 : i32
      %dma_start3A_114 = tpu.memref_slice %arg7[%mul3A_85, %dma_start3A_113] : memref<128x128xi32, #tpu.memory_space<vmem>> -> memref<1x128xi32, #tpu.memory_space<vmem>>
      %dma_start3A_115 = tpu.memref_squeeze %dma_start3A_114 : memref<1x128xi32, #tpu.memory_space<vmem>> -> memref<128xi32, #tpu.memory_space<vmem>>
      %dma_start3A_116 = arith.constant 0 : i32
      %dma_start3A_117 = arith.constant 0 : i32
      %dma_start3A_118 = tpu.memref_slice %arg10[%dma_start3A_116, %dma_start3A_117] : memref<10112x128xf32, #tpu.memory_space<vmem_shared>> -> memref<10112x128xf32, #tpu.memory_space<vmem_shared>>
      tpu.enqueue_indirect_dma source(%arg8 : memref<128x128xf32, #tpu.memory_space<vmem>>) target(%dma_start3A_118 : memref<10112x128xf32, #tpu.memory_space<vmem_shared>>) offsets(%dma_start3A_115 : memref<128xi32, #tpu.memory_space<vmem>>) semaphore(%arg15 : memref<!tpu.dma_semaphore, #tpu.memory_space<semaphore_mem>>) {add = true}
      %dma_wait3A_119 = arith.constant 1 : i32
      %dma_wait3A_120 = arith.constant 0 : i32
      %dma_wait3A_121 = tpu.memref_slice %arg6[%dma_wait3A_119, %dma_wait3A_120] : memref<2x128xi32, #tpu.memory_space<vmem>> -> memref<1x128xi32, #tpu.memory_space<vmem>>
      %dma_wait3A_122 = tpu.memref_squeeze %dma_wait3A_121 : memref<1x128xi32, #tpu.memory_space<vmem>> -> memref<128xi32, #tpu.memory_space<vmem>>
      %dma_wait3A_123 = arith.constant 0 : i32
      %dma_wait3A_124 = arith.constant 0 : i32
      %dma_wait3A_125 = tpu.memref_slice %arg2[%dma_wait3A_123, %dma_wait3A_124] : memref<10000x128xf32, #tpu.memory_space<hbm>> -> memref<10000x128xf32, #tpu.memory_space<hbm>>
      tpu.wait_indirect_dma semaphore(%arg12 : memref<!tpu.dma_semaphore, #tpu.memory_space<semaphore_mem>>) src(%dma_wait3A_125 : memref<10000x128xf32, #tpu.memory_space<hbm>>) dst(%arg9 : memref<128x128xf32, #tpu.memory_space<vmem>>)
      %add3A_126 = arith.constant 1 : i32
      %add3A_127 = arith.addi %mul3A_85, %add3A_126 : i32
      %dma_start3A_128 = arith.constant 0 : i32
      %dma_start3A_129 = tpu.memref_slice %arg7[%add3A_127, %dma_start3A_128] : memref<128x128xi32, #tpu.memory_space<vmem>> -> memref<1x128xi32, #tpu.memory_space<vmem>>
      %dma_start3A_130 = tpu.memref_squeeze %dma_start3A_129 : memref<1x128xi32, #tpu.memory_space<vmem>> -> memref<128xi32, #tpu.memory_space<vmem>>
      %dma_start3A_131 = arith.constant 0 : i32
      %dma_start3A_132 = arith.constant 0 : i32
      %dma_start3A_133 = tpu.memref_slice %arg10[%dma_start3A_131, %dma_start3A_132] : memref<10112x128xf32, #tpu.memory_space<vmem_shared>> -> memref<10112x128xf32, #tpu.memory_space<vmem_shared>>
      tpu.enqueue_indirect_dma source(%arg9 : memref<128x128xf32, #tpu.memory_space<vmem>>) target(%dma_start3A_133 : memref<10112x128xf32, #tpu.memory_space<vmem_shared>>) offsets(%dma_start3A_130 : memref<128xi32, #tpu.memory_space<vmem>>) semaphore(%arg16 : memref<!tpu.dma_semaphore, #tpu.memory_space<semaphore_mem>>) {add = true}
      %add3A_134 = arith.addi %add3A, %mul3A_85 : i32
      %add3A_135 = arith.constant 2 : i32
      %add3A_136 = arith.addi %add3A_134, %add3A_135 : i32
      %dma_wait3A_137 = arith.constant 0 : i32
      %dma_wait3A_138 = arith.constant 0 : i32
      %dma_wait3A_139 = tpu.memref_slice %arg6[%dma_wait3A_137, %dma_wait3A_138] : memref<2x128xi32, #tpu.memory_space<vmem>> -> memref<1x128xi32, #tpu.memory_space<vmem>>
      %dma_wait3A_140 = arith.constant 0 : i32
      %dma_wait3A_141 = tpu.memref_slice %arg3[%add3A_136, %dma_wait3A_140] : memref<2664x128xi32, #tpu.memory_space<hbm>> -> memref<1x128xi32, #tpu.memory_space<hbm>>
      %dma_wait3A_142 = arith.constant 0 : i32
      %dma_wait3A_143 = arith.constant 0 : i32
      %dma_wait3A_144 = tpu.memref_slice %arg6[%dma_wait3A_142, %dma_wait3A_143] : memref<2x128xi32, #tpu.memory_space<vmem>> -> memref<1x128xi32, #tpu.memory_space<vmem>>
      %dma_wait3A_145 = arith.constant 0 : i32
      %dma_wait3A_146 = tpu.memref_slice %arg3[%add3A_136, %dma_wait3A_145] : memref<2664x128xi32, #tpu.memory_space<hbm>> -> memref<1x128xi32, #tpu.memory_space<hbm>>
      tpu.wait_dma2 semaphore(%arg13 : memref<!tpu.dma_semaphore, #tpu.memory_space<semaphore_mem>>) src(%dma_wait3A_146 : memref<1x128xi32, #tpu.memory_space<hbm>>) dst(%dma_wait3A_144 : memref<1x128xi32, #tpu.memory_space<vmem>>)
      %dma_wait3A_147 = arith.constant 0 : i32
      %dma_wait3A_148 = tpu.memref_slice %arg7[%mul3A_85, %dma_wait3A_147] : memref<128x128xi32, #tpu.memory_space<vmem>> -> memref<1x128xi32, #tpu.memory_space<vmem>>
      %dma_wait3A_149 = tpu.memref_squeeze %dma_wait3A_148 : memref<1x128xi32, #tpu.memory_space<vmem>> -> memref<128xi32, #tpu.memory_space<vmem>>
      %dma_wait3A_150 = arith.constant 0 : i32
      %dma_wait3A_151 = arith.constant 0 : i32
      %dma_wait3A_152 = tpu.memref_slice %arg10[%dma_wait3A_150, %dma_wait3A_151] : memref<10112x128xf32, #tpu.memory_space<vmem_shared>> -> memref<10112x128xf32, #tpu.memory_space<vmem_shared>>
      tpu.wait_indirect_dma semaphore(%arg15 : memref<!tpu.dma_semaphore, #tpu.memory_space<semaphore_mem>>) src(%arg8 : memref<128x128xf32, #tpu.memory_space<vmem>>) dst(%dma_wait3A_152 : memref<10112x128xf32, #tpu.memory_space<vmem_shared>>)
      %dma_start3A_153 = arith.constant 0 : i32
      %dma_start3A_154 = arith.constant 0 : i32
      %dma_start3A_155 = tpu.memref_slice %arg6[%dma_start3A_153, %dma_start3A_154] : memref<2x128xi32, #tpu.memory_space<vmem>> -> memref<1x128xi32, #tpu.memory_space<vmem>>
      %dma_start3A_156 = tpu.memref_squeeze %dma_start3A_155 : memref<1x128xi32, #tpu.memory_space<vmem>> -> memref<128xi32, #tpu.memory_space<vmem>>
      %dma_start3A_157 = arith.constant 0 : i32
      %dma_start3A_158 = arith.constant 0 : i32
      %dma_start3A_159 = tpu.memref_slice %arg2[%dma_start3A_157, %dma_start3A_158] : memref<10000x128xf32, #tpu.memory_space<hbm>> -> memref<10000x128xf32, #tpu.memory_space<hbm>>
      tpu.enqueue_indirect_dma source(%dma_start3A_159 : memref<10000x128xf32, #tpu.memory_space<hbm>>) target(%arg8 : memref<128x128xf32, #tpu.memory_space<vmem>>) offsets(%dma_start3A_156 : memref<128xi32, #tpu.memory_space<vmem>>) semaphore(%arg11 : memref<!tpu.dma_semaphore, #tpu.memory_space<semaphore_mem>>)
      %add3A_160 = arith.addi %add3A, %mul3A_85 : i32
      %add3A_161 = arith.constant 3 : i32
      %add3A_162 = arith.addi %add3A_160, %add3A_161 : i32
      %dma_start3A_163 = arith.constant 1 : i32
      %dma_start3A_164 = arith.constant 0 : i32
      %dma_start3A_165 = tpu.memref_slice %arg6[%dma_start3A_163, %dma_start3A_164] : memref<2x128xi32, #tpu.memory_space<vmem>> -> memref<1x128xi32, #tpu.memory_space<vmem>>
      %dma_start3A_166 = arith.constant 0 : i32
      %dma_start3A_167 = tpu.memref_slice %arg3[%add3A_162, %dma_start3A_166] : memref<2664x128xi32, #tpu.memory_space<hbm>> -> memref<1x128xi32, #tpu.memory_space<hbm>>
      %dma_start3A_168 = arith.constant 1 : i32
      %dma_start3A_169 = arith.constant 0 : i32
      %dma_start3A_170 = tpu.memref_slice %arg6[%dma_start3A_168, %dma_start3A_169] : memref<2x128xi32, #tpu.memory_space<vmem>> -> memref<1x128xi32, #tpu.memory_space<vmem>>
      %dma_start3A_171 = arith.constant 0 : i32
      %dma_start3A_172 = tpu.memref_slice %arg3[%add3A_162, %dma_start3A_171] : memref<2664x128xi32, #tpu.memory_space<hbm>> -> memref<1x128xi32, #tpu.memory_space<hbm>>
      tpu.enqueue_dma source(%dma_start3A_172 : memref<1x128xi32, #tpu.memory_space<hbm>>) target(%dma_start3A_170 : memref<1x128xi32, #tpu.memory_space<vmem>>) target_semaphore(%arg14 : memref<!tpu.dma_semaphore, #tpu.memory_space<semaphore_mem>>)
      %add3A_173 = arith.constant 1 : i32
      %add3A_174 = arith.addi %mul3A_85, %add3A_173 : i32
      %dma_wait3A_175 = arith.constant 0 : i32
      %dma_wait3A_176 = tpu.memref_slice %arg7[%add3A_174, %dma_wait3A_175] : memref<128x128xi32, #tpu.memory_space<vmem>> -> memref<1x128xi32, #tpu.memory_space<vmem>>
      %dma_wait3A_177 = tpu.memref_squeeze %dma_wait3A_176 : memref<1x128xi32, #tpu.memory_space<vmem>> -> memref<128xi32, #tpu.memory_space<vmem>>
      %dma_wait3A_178 = arith.constant 0 : i32
      %dma_wait3A_179 = arith.constant 0 : i32
      %dma_wait3A_180 = tpu.memref_slice %arg10[%dma_wait3A_178, %dma_wait3A_179] : memref<10112x128xf32, #tpu.memory_space<vmem_shared>> -> memref<10112x128xf32, #tpu.memory_space<vmem_shared>>
      tpu.wait_indirect_dma semaphore(%arg16 : memref<!tpu.dma_semaphore, #tpu.memory_space<semaphore_mem>>) src(%arg9 : memref<128x128xf32, #tpu.memory_space<vmem>>) dst(%dma_wait3A_180 : memref<10112x128xf32, #tpu.memory_space<vmem_shared>>)
      %add3A_181 = arith.addi %add3A, %mul3A_85 : i32
      %add3A_182 = arith.constant 3 : i32
      %add3A_183 = arith.addi %add3A_181, %add3A_182 : i32
      %dma_wait3A_184 = arith.constant 1 : i32
      %dma_wait3A_185 = arith.constant 0 : i32
      %dma_wait3A_186 = tpu.memref_slice %arg6[%dma_wait3A_184, %dma_wait3A_185] : memref<2x128xi32, #tpu.memory_space<vmem>> -> memref<1x128xi32, #tpu.memory_space<vmem>>
      %dma_wait3A_187 = arith.constant 0 : i32
      %dma_wait3A_188 = tpu.memref_slice %arg3[%add3A_183, %dma_wait3A_187] : memref<2664x128xi32, #tpu.memory_space<hbm>> -> memref<1x128xi32, #tpu.memory_space<hbm>>
      %dma_wait3A_189 = arith.constant 1 : i32
      %dma_wait3A_190 = arith.constant 0 : i32
      %dma_wait3A_191 = tpu.memref_slice %arg6[%dma_wait3A_189, %dma_wait3A_190] : memref<2x128xi32, #tpu.memory_space<vmem>> -> memref<1x128xi32, #tpu.memory_space<vmem>>
      %dma_wait3A_192 = arith.constant 0 : i32
      %dma_wait3A_193 = tpu.memref_slice %arg3[%add3A_183, %dma_wait3A_192] : memref<2664x128xi32, #tpu.memory_space<hbm>> -> memref<1x128xi32, #tpu.memory_space<hbm>>
      tpu.wait_dma2 semaphore(%arg14 : memref<!tpu.dma_semaphore, #tpu.memory_space<semaphore_mem>>) src(%dma_wait3A_193 : memref<1x128xi32, #tpu.memory_space<hbm>>) dst(%dma_wait3A_191 : memref<1x128xi32, #tpu.memory_space<vmem>>)
    }
    %dma_wait3A = arith.constant 0 : i32
    %dma_wait3A_64 = arith.constant 0 : i32
    %dma_wait3A_65 = tpu.memref_slice %arg6[%dma_wait3A, %dma_wait3A_64] : memref<2x128xi32, #tpu.memory_space<vmem>> -> memref<1x128xi32, #tpu.memory_space<vmem>>
    %dma_wait3A_66 = tpu.memref_squeeze %dma_wait3A_65 : memref<1x128xi32, #tpu.memory_space<vmem>> -> memref<128xi32, #tpu.memory_space<vmem>>
    %dma_wait3A_67 = arith.constant 0 : i32
    %dma_wait3A_68 = arith.constant 0 : i32
    %dma_wait3A_69 = tpu.memref_slice %arg2[%dma_wait3A_67, %dma_wait3A_68] : memref<10000x128xf32, #tpu.memory_space<hbm>> -> memref<10000x128xf32, #tpu.memory_space<hbm>>
    tpu.wait_indirect_dma semaphore(%arg11 : memref<!tpu.dma_semaphore, #tpu.memory_space<semaphore_mem>>) src(%dma_wait3A_69 : memref<10000x128xf32, #tpu.memory_space<hbm>>) dst(%arg8 : memref<128x128xf32, #tpu.memory_space<vmem>>)
    %barrier3A_70 = arith.constant 0 : index
    tpu.barrier barrier_id(%barrier3A_70)
    %add3A_71 = arith.constant 0 : i32
    %add3A_72 = arith.addi %mul3A_0, %add3A_71 : i32
    "tpu.region"() ({
      %run_scoped3A = tpu.sem_alloc : memref<!tpu.dma_semaphore, #tpu.memory_space<semaphore_mem>>
      %dma_start3A_81 = arith.constant 0 : i32
      %dma_start3A_82 = tpu.memref_slice %arg10[%add3A_72, %dma_start3A_81] : memref<10112x128xf32, #tpu.memory_space<vmem_shared>> -> memref<128x128xf32, #tpu.memory_space<vmem_shared>>
      %dma_start3A_83 = arith.constant 0 : i32
      %dma_start3A_84 = tpu.memref_slice %arg10[%add3A_72, %dma_start3A_83] : memref<10112x128xf32, #tpu.memory_space<vmem_shared>> -> memref<128x128xf32, #tpu.memory_space<vmem_shared>>
      tpu.enqueue_dma source(%dma_start3A_84 : memref<128x128xf32, #tpu.memory_space<vmem_shared>>) target(%arg8 : memref<128x128xf32, #tpu.memory_space<vmem>>) target_semaphore(%run_scoped3A : memref<!tpu.dma_semaphore, #tpu.memory_space<semaphore_mem>>)
      %dma_wait3A_85 = arith.constant 0 : i32
      %dma_wait3A_86 = tpu.memref_slice %arg10[%add3A_72, %dma_wait3A_85] : memref<10112x128xf32, #tpu.memory_space<vmem_shared>> -> memref<128x128xf32, #tpu.memory_space<vmem_shared>>
      %dma_wait3A_87 = arith.constant 0 : i32
      %dma_wait3A_88 = tpu.memref_slice %arg10[%add3A_72, %dma_wait3A_87] : memref<10112x128xf32, #tpu.memory_space<vmem_shared>> -> memref<128x128xf32, #tpu.memory_space<vmem_shared>>
      tpu.wait_dma2 semaphore(%run_scoped3A : memref<!tpu.dma_semaphore, #tpu.memory_space<semaphore_mem>>) src(%dma_wait3A_88 : memref<128x128xf32, #tpu.memory_space<vmem_shared>>) dst(%arg8 : memref<128x128xf32, #tpu.memory_space<vmem>>)
      tpu.yield
    }) : () -> ()
    "tpu.region"() ({
      %run_scoped3A = tpu.sem_alloc : memref<!tpu.dma_semaphore, #tpu.memory_space<semaphore_mem>>
      %dma_start3A_81 = arith.constant 0 : i32
      %dma_start3A_82 = tpu.memref_slice %arg5[%arg0, %add3A_72, %dma_start3A_81] : memref<2x10112x128xf32, #tpu.memory_space<hbm>> -> memref<1x128x128xf32, #tpu.memory_space<hbm>>
      %dma_start3A_83 = tpu.memref_squeeze %dma_start3A_82 : memref<1x128x128xf32, #tpu.memory_space<hbm>> -> memref<128x128xf32, #tpu.memory_space<hbm>>
      %dma_start3A_84 = arith.constant 0 : i32
      %dma_start3A_85 = tpu.memref_slice %arg5[%arg0, %add3A_72, %dma_start3A_84] : memref<2x10112x128xf32, #tpu.memory_space<hbm>> -> memref<1x128x128xf32, #tpu.memory_space<hbm>>
      %dma_start3A_86 = tpu.memref_squeeze %dma_start3A_85 : memref<1x128x128xf32, #tpu.memory_space<hbm>> -> memref<128x128xf32, #tpu.memory_space<hbm>>
      tpu.enqueue_dma source(%arg8 : memref<128x128xf32, #tpu.memory_space<vmem>>) target(%dma_start3A_86 : memref<128x128xf32, #tpu.memory_space<hbm>>) target_semaphore(%run_scoped3A : memref<!tpu.dma_semaphore, #tpu.memory_space<semaphore_mem>>)
      %dma_wait3A_87 = arith.constant 0 : i32
      %dma_wait3A_88 = tpu.memref_slice %arg5[%arg0, %add3A_72, %dma_wait3A_87] : memref<2x10112x128xf32, #tpu.memory_space<hbm>> -> memref<1x128x128xf32, #tpu.memory_space<hbm>>
      %dma_wait3A_89 = tpu.memref_squeeze %dma_wait3A_88 : memref<1x128x128xf32, #tpu.memory_space<hbm>> -> memref<128x128xf32, #tpu.memory_space<hbm>>
      %dma_wait3A_90 = arith.constant 0 : i32
      %dma_wait3A_91 = tpu.memref_slice %arg5[%arg0, %add3A_72, %dma_wait3A_90] : memref<2x10112x128xf32, #tpu.memory_space<hbm>> -> memref<1x128x128xf32, #tpu.memory_space<hbm>>
      %dma_wait3A_92 = tpu.memref_squeeze %dma_wait3A_91 : memref<1x128x128xf32, #tpu.memory_space<hbm>> -> memref<128x128xf32, #tpu.memory_space<hbm>>
      tpu.wait_dma2 semaphore(%run_scoped3A : memref<!tpu.dma_semaphore, #tpu.memory_space<semaphore_mem>>) src(%arg8 : memref<128x128xf32, #tpu.memory_space<vmem>>) dst(%dma_wait3A_92 : memref<128x128xf32, #tpu.memory_space<hbm>>)
      tpu.yield
    }) : () -> ()
    %add3A_73 = arith.constant 128 : i32
    %add3A_74 = arith.addi %mul3A_0, %add3A_73 : i32
    "tpu.region"() ({
      %run_scoped3A = tpu.sem_alloc : memref<!tpu.dma_semaphore, #tpu.memory_space<semaphore_mem>>
      %dma_start3A_81 = arith.constant 0 : i32
      %dma_start3A_82 = tpu.memref_slice %arg10[%add3A_74, %dma_start3A_81] : memref<10112x128xf32, #tpu.memory_space<vmem_shared>> -> memref<128x128xf32, #tpu.memory_space<vmem_shared>>
      %dma_start3A_83 = arith.constant 0 : i32
      %dma_start3A_84 = tpu.memref_slice %arg10[%add3A_74, %dma_start3A_83] : memref<10112x128xf32, #tpu.memory_space<vmem_shared>> -> memref<128x128xf32, #tpu.memory_space<vmem_shared>>
      tpu.enqueue_dma source(%dma_start3A_84 : memref<128x128xf32, #tpu.memory_space<vmem_shared>>) target(%arg8 : memref<128x128xf32, #tpu.memory_space<vmem>>) target_semaphore(%run_scoped3A : memref<!tpu.dma_semaphore, #tpu.memory_space<semaphore_mem>>)
      %dma_wait3A_85 = arith.constant 0 : i32
      %dma_wait3A_86 = tpu.memref_slice %arg10[%add3A_74, %dma_wait3A_85] : memref<10112x128xf32, #tpu.memory_space<vmem_shared>> -> memref<128x128xf32, #tpu.memory_space<vmem_shared>>
      %dma_wait3A_87 = arith.constant 0 : i32
      %dma_wait3A_88 = tpu.memref_slice %arg10[%add3A_74, %dma_wait3A_87] : memref<10112x128xf32, #tpu.memory_space<vmem_shared>> -> memref<128x128xf32, #tpu.memory_space<vmem_shared>>
      tpu.wait_dma2 semaphore(%run_scoped3A : memref<!tpu.dma_semaphore, #tpu.memory_space<semaphore_mem>>) src(%dma_wait3A_88 : memref<128x128xf32, #tpu.memory_space<vmem_shared>>) dst(%arg8 : memref<128x128xf32, #tpu.memory_space<vmem>>)
      tpu.yield
    }) : () -> ()
    "tpu.region"() ({
      %run_scoped3A = tpu.sem_alloc : memref<!tpu.dma_semaphore, #tpu.memory_space<semaphore_mem>>
      %dma_start3A_81 = arith.constant 0 : i32
      %dma_start3A_82 = tpu.memref_slice %arg5[%arg0, %add3A_74, %dma_start3A_81] : memref<2x10112x128xf32, #tpu.memory_space<hbm>> -> memref<1x128x128xf32, #tpu.memory_space<hbm>>
      %dma_start3A_83 = tpu.memref_squeeze %dma_start3A_82 : memref<1x128x128xf32, #tpu.memory_space<hbm>> -> memref<128x128xf32, #tpu.memory_space<hbm>>
      %dma_start3A_84 = arith.constant 0 : i32
      %dma_start3A_85 = tpu.memref_slice %arg5[%arg0, %add3A_74, %dma_start3A_84] : memref<2x10112x128xf32, #tpu.memory_space<hbm>> -> memref<1x128x128xf32, #tpu.memory_space<hbm>>
      %dma_start3A_86 = tpu.memref_squeeze %dma_start3A_85 : memref<1x128x128xf32, #tpu.memory_space<hbm>> -> memref<128x128xf32, #tpu.memory_space<hbm>>
      tpu.enqueue_dma source(%arg8 : memref<128x128xf32, #tpu.memory_space<vmem>>) target(%dma_start3A_86 : memref<128x128xf32, #tpu.memory_space<hbm>>) target_semaphore(%run_scoped3A : memref<!tpu.dma_semaphore, #tpu.memory_space<semaphore_mem>>)
      %dma_wait3A_87 = arith.constant 0 : i32
      %dma_wait3A_88 = tpu.memref_slice %arg5[%arg0, %add3A_74, %dma_wait3A_87] : memref<2x10112x128xf32, #tpu.memory_space<hbm>> -> memref<1x128x128xf32, #tpu.memory_space<hbm>>
      %dma_wait3A_89 = tpu.memref_squeeze %dma_wait3A_88 : memref<1x128x128xf32, #tpu.memory_space<hbm>> -> memref<128x128xf32, #tpu.memory_space<hbm>>
      %dma_wait3A_90 = arith.constant 0 : i32
      %dma_wait3A_91 = tpu.memref_slice %arg5[%arg0, %add3A_74, %dma_wait3A_90] : memref<2x10112x128xf32, #tpu.memory_space<hbm>> -> memref<1x128x128xf32, #tpu.memory_space<hbm>>
      %dma_wait3A_92 = tpu.memref_squeeze %dma_wait3A_91 : memref<1x128x128xf32, #tpu.memory_space<hbm>> -> memref<128x128xf32, #tpu.memory_space<hbm>>
      tpu.wait_dma2 semaphore(%run_scoped3A : memref<!tpu.dma_semaphore, #tpu.memory_space<semaphore_mem>>) src(%arg8 : memref<128x128xf32, #tpu.memory_space<vmem>>) dst(%dma_wait3A_92 : memref<128x128xf32, #tpu.memory_space<hbm>>)
      tpu.yield
    }) : () -> ()
    %add3A_75 = arith.constant 256 : i32
    %add3A_76 = arith.addi %mul3A_0, %add3A_75 : i32
    "tpu.region"() ({
      %run_scoped3A = tpu.sem_alloc : memref<!tpu.dma_semaphore, #tpu.memory_space<semaphore_mem>>
      %dma_start3A_81 = arith.constant 0 : i32
      %dma_start3A_82 = tpu.memref_slice %arg10[%add3A_76, %dma_start3A_81] : memref<10112x128xf32, #tpu.memory_space<vmem_shared>> -> memref<128x128xf32, #tpu.memory_space<vmem_shared>>
      %dma_start3A_83 = arith.constant 0 : i32
      %dma_start3A_84 = tpu.memref_slice %arg10[%add3A_76, %dma_start3A_83] : memref<10112x128xf32, #tpu.memory_space<vmem_shared>> -> memref<128x128xf32, #tpu.memory_space<vmem_shared>>
      tpu.enqueue_dma source(%dma_start3A_84 : memref<128x128xf32, #tpu.memory_space<vmem_shared>>) target(%arg8 : memref<128x128xf32, #tpu.memory_space<vmem>>) target_semaphore(%run_scoped3A : memref<!tpu.dma_semaphore, #tpu.memory_space<semaphore_mem>>)
      %dma_wait3A_85 = arith.constant 0 : i32
      %dma_wait3A_86 = tpu.memref_slice %arg10[%add3A_76, %dma_wait3A_85] : memref<10112x128xf32, #tpu.memory_space<vmem_shared>> -> memref<128x128xf32, #tpu.memory_space<vmem_shared>>
      %dma_wait3A_87 = arith.constant 0 : i32
      %dma_wait3A_88 = tpu.memref_slice %arg10[%add3A_76, %dma_wait3A_87] : memref<10112x128xf32, #tpu.memory_space<vmem_shared>> -> memref<128x128xf32, #tpu.memory_space<vmem_shared>>
      tpu.wait_dma2 semaphore(%run_scoped3A : memref<!tpu.dma_semaphore, #tpu.memory_space<semaphore_mem>>) src(%dma_wait3A_88 : memref<128x128xf32, #tpu.memory_space<vmem_shared>>) dst(%arg8 : memref<128x128xf32, #tpu.memory_space<vmem>>)
      tpu.yield
    }) : () -> ()
    "tpu.region"() ({
      %run_scoped3A = tpu.sem_alloc : memref<!tpu.dma_semaphore, #tpu.memory_space<semaphore_mem>>
      %dma_start3A_81 = arith.constant 0 : i32
      %dma_start3A_82 = tpu.memref_slice %arg5[%arg0, %add3A_76, %dma_start3A_81] : memref<2x10112x128xf32, #tpu.memory_space<hbm>> -> memref<1x128x128xf32, #tpu.memory_space<hbm>>
      %dma_start3A_83 = tpu.memref_squeeze %dma_start3A_82 : memref<1x128x128xf32, #tpu.memory_space<hbm>> -> memref<128x128xf32, #tpu.memory_space<hbm>>
      %dma_start3A_84 = arith.constant 0 : i32
      %dma_start3A_85 = tpu.memref_slice %arg5[%arg0, %add3A_76, %dma_start3A_84] : memref<2x10112x128xf32, #tpu.memory_space<hbm>> -> memref<1x128x128xf32, #tpu.memory_space<hbm>>
      %dma_start3A_86 = tpu.memref_squeeze %dma_start3A_85 : memref<1x128x128xf32, #tpu.memory_space<hbm>> -> memref<128x128xf32, #tpu.memory_space<hbm>>
      tpu.enqueue_dma source(%arg8 : memref<128x128xf32, #tpu.memory_space<vmem>>) target(%dma_start3A_86 : memref<128x128xf32, #tpu.memory_space<hbm>>) target_semaphore(%run_scoped3A : memref<!tpu.dma_semaphore, #tpu.memory_space<semaphore_mem>>)
      %dma_wait3A_87 = arith.constant 0 : i32
      %dma_wait3A_88 = tpu.memref_slice %arg5[%arg0, %add3A_76, %dma_wait3A_87] : memref<2x10112x128xf32, #tpu.memory_space<hbm>> -> memref<1x128x128xf32, #tpu.memory_space<hbm>>
      %dma_wait3A_89 = tpu.memref_squeeze %dma_wait3A_88 : memref<1x128x128xf32, #tpu.memory_space<hbm>> -> memref<128x128xf32, #tpu.memory_space<hbm>>
      %dma_wait3A_90 = arith.constant 0 : i32
      %dma_wait3A_91 = tpu.memref_slice %arg5[%arg0, %add3A_76, %dma_wait3A_90] : memref<2x10112x128xf32, #tpu.memory_space<hbm>> -> memref<1x128x128xf32, #tpu.memory_space<hbm>>
      %dma_wait3A_92 = tpu.memref_squeeze %dma_wait3A_91 : memref<1x128x128xf32, #tpu.memory_space<hbm>> -> memref<128x128xf32, #tpu.memory_space<hbm>>
      tpu.wait_dma2 semaphore(%run_scoped3A : memref<!tpu.dma_semaphore, #tpu.memory_space<semaphore_mem>>) src(%arg8 : memref<128x128xf32, #tpu.memory_space<vmem>>) dst(%dma_wait3A_92 : memref<128x128xf32, #tpu.memory_space<hbm>>)
      tpu.yield
    }) : () -> ()
    %add3A_77 = arith.constant 384 : i32
    %add3A_78 = arith.addi %mul3A_0, %add3A_77 : i32
    "tpu.region"() ({
      %run_scoped3A = tpu.sem_alloc : memref<!tpu.dma_semaphore, #tpu.memory_space<semaphore_mem>>
      %dma_start3A_81 = arith.constant 0 : i32
      %dma_start3A_82 = tpu.memref_slice %arg10[%add3A_78, %dma_start3A_81] : memref<10112x128xf32, #tpu.memory_space<vmem_shared>> -> memref<128x128xf32, #tpu.memory_space<vmem_shared>>
      %dma_start3A_83 = arith.constant 0 : i32
      %dma_start3A_84 = tpu.memref_slice %arg10[%add3A_78, %dma_start3A_83] : memref<10112x128xf32, #tpu.memory_space<vmem_shared>> -> memref<128x128xf32, #tpu.memory_space<vmem_shared>>
      tpu.enqueue_dma source(%dma_start3A_84 : memref<128x128xf32, #tpu.memory_space<vmem_shared>>) target(%arg8 : memref<128x128xf32, #tpu.memory_space<vmem>>) target_semaphore(%run_scoped3A : memref<!tpu.dma_semaphore, #tpu.memory_space<semaphore_mem>>)
      %dma_wait3A_85 = arith.constant 0 : i32
      %dma_wait3A_86 = tpu.memref_slice %arg10[%add3A_78, %dma_wait3A_85] : memref<10112x128xf32, #tpu.memory_space<vmem_shared>> -> memref<128x128xf32, #tpu.memory_space<vmem_shared>>
      %dma_wait3A_87 = arith.constant 0 : i32
      %dma_wait3A_88 = tpu.memref_slice %arg10[%add3A_78, %dma_wait3A_87] : memref<10112x128xf32, #tpu.memory_space<vmem_shared>> -> memref<128x128xf32, #tpu.memory_space<vmem_shared>>
      tpu.wait_dma2 semaphore(%run_scoped3A : memref<!tpu.dma_semaphore, #tpu.memory_space<semaphore_mem>>) src(%dma_wait3A_88 : memref<128x128xf32, #tpu.memory_space<vmem_shared>>) dst(%arg8 : memref<128x128xf32, #tpu.memory_space<vmem>>)
      tpu.yield
    }) : () -> ()
    "tpu.region"() ({
      %run_scoped3A = tpu.sem_alloc : memref<!tpu.dma_semaphore, #tpu.memory_space<semaphore_mem>>
      %dma_start3A_81 = arith.constant 0 : i32
      %dma_start3A_82 = tpu.memref_slice %arg5[%arg0, %add3A_78, %dma_start3A_81] : memref<2x10112x128xf32, #tpu.memory_space<hbm>> -> memref<1x128x128xf32, #tpu.memory_space<hbm>>
      %dma_start3A_83 = tpu.memref_squeeze %dma_start3A_82 : memref<1x128x128xf32, #tpu.memory_space<hbm>> -> memref<128x128xf32, #tpu.memory_space<hbm>>
      %dma_start3A_84 = arith.constant 0 : i32
      %dma_start3A_85 = tpu.memref_slice %arg5[%arg0, %add3A_78, %dma_start3A_84] : memref<2x10112x128xf32, #tpu.memory_space<hbm>> -> memref<1x128x128xf32, #tpu.memory_space<hbm>>
      %dma_start3A_86 = tpu.memref_squeeze %dma_start3A_85 : memref<1x128x128xf32, #tpu.memory_space<hbm>> -> memref<128x128xf32, #tpu.memory_space<hbm>>
      tpu.enqueue_dma source(%arg8 : memref<128x128xf32, #tpu.memory_space<vmem>>) target(%dma_start3A_86 : memref<128x128xf32, #tpu.memory_space<hbm>>) target_semaphore(%run_scoped3A : memref<!tpu.dma_semaphore, #tpu.memory_space<semaphore_mem>>)
      %dma_wait3A_87 = arith.constant 0 : i32
      %dma_wait3A_88 = tpu.memref_slice %arg5[%arg0, %add3A_78, %dma_wait3A_87] : memref<2x10112x128xf32, #tpu.memory_space<hbm>> -> memref<1x128x128xf32, #tpu.memory_space<hbm>>
      %dma_wait3A_89 = tpu.memref_squeeze %dma_wait3A_88 : memref<1x128x128xf32, #tpu.memory_space<hbm>> -> memref<128x128xf32, #tpu.memory_space<hbm>>
      %dma_wait3A_90 = arith.constant 0 : i32
      %dma_wait3A_91 = tpu.memref_slice %arg5[%arg0, %add3A_78, %dma_wait3A_90] : memref<2x10112x128xf32, #tpu.memory_space<hbm>> -> memref<1x128x128xf32, #tpu.memory_space<hbm>>
      %dma_wait3A_92 = tpu.memref_squeeze %dma_wait3A_91 : memref<1x128x128xf32, #tpu.memory_space<hbm>> -> memref<128x128xf32, #tpu.memory_space<hbm>>
      tpu.wait_dma2 semaphore(%run_scoped3A : memref<!tpu.dma_semaphore, #tpu.memory_space<semaphore_mem>>) src(%arg8 : memref<128x128xf32, #tpu.memory_space<vmem>>) dst(%dma_wait3A_92 : memref<128x128xf32, #tpu.memory_space<hbm>>)
      tpu.yield
    }) : () -> ()
    %add3A_79 = arith.constant 512 : i32
    %add3A_80 = arith.addi %mul3A_0, %add3A_79 : i32
    "tpu.region"() ({
      %run_scoped3A = tpu.sem_alloc : memref<!tpu.dma_semaphore, #tpu.memory_space<semaphore_mem>>
      %dma_start3A_81 = arith.constant 0 : i32
      %dma_start3A_82 = arith.constant 0 : i32
      %dma_start3A_83 = tpu.memref_slice %arg8[%dma_start3A_81, %dma_start3A_82] : memref<128x128xf32, #tpu.memory_space<vmem>> -> memref<120x128xf32, #tpu.memory_space<vmem>>
      %dma_start3A_84 = arith.constant 0 : i32
      %dma_start3A_85 = tpu.memref_slice %arg10[%add3A_80, %dma_start3A_84] : memref<10112x128xf32, #tpu.memory_space<vmem_shared>> -> memref<120x128xf32, #tpu.memory_space<vmem_shared>>
      %dma_start3A_86 = arith.constant 0 : i32
      %dma_start3A_87 = arith.constant 0 : i32
      %dma_start3A_88 = tpu.memref_slice %arg8[%dma_start3A_86, %dma_start3A_87] : memref<128x128xf32, #tpu.memory_space<vmem>> -> memref<120x128xf32, #tpu.memory_space<vmem>>
      %dma_start3A_89 = arith.constant 0 : i32
      %dma_start3A_90 = tpu.memref_slice %arg10[%add3A_80, %dma_start3A_89] : memref<10112x128xf32, #tpu.memory_space<vmem_shared>> -> memref<120x128xf32, #tpu.memory_space<vmem_shared>>
      tpu.enqueue_dma source(%dma_start3A_90 : memref<120x128xf32, #tpu.memory_space<vmem_shared>>) target(%dma_start3A_88 : memref<120x128xf32, #tpu.memory_space<vmem>>) target_semaphore(%run_scoped3A : memref<!tpu.dma_semaphore, #tpu.memory_space<semaphore_mem>>)
      %dma_wait3A_91 = arith.constant 0 : i32
      %dma_wait3A_92 = arith.constant 0 : i32
      %dma_wait3A_93 = tpu.memref_slice %arg8[%dma_wait3A_91, %dma_wait3A_92] : memref<128x128xf32, #tpu.memory_space<vmem>> -> memref<120x128xf32, #tpu.memory_space<vmem>>
      %dma_wait3A_94 = arith.constant 0 : i32
      %dma_wait3A_95 = tpu.memref_slice %arg10[%add3A_80, %dma_wait3A_94] : memref<10112x128xf32, #tpu.memory_space<vmem_shared>> -> memref<120x128xf32, #tpu.memory_space<vmem_shared>>
      %dma_wait3A_96 = arith.constant 0 : i32
      %dma_wait3A_97 = arith.constant 0 : i32
      %dma_wait3A_98 = tpu.memref_slice %arg8[%dma_wait3A_96, %dma_wait3A_97] : memref<128x128xf32, #tpu.memory_space<vmem>> -> memref<120x128xf32, #tpu.memory_space<vmem>>
      %dma_wait3A_99 = arith.constant 0 : i32
      %dma_wait3A_100 = tpu.memref_slice %arg10[%add3A_80, %dma_wait3A_99] : memref<10112x128xf32, #tpu.memory_space<vmem_shared>> -> memref<120x128xf32, #tpu.memory_space<vmem_shared>>
      tpu.wait_dma2 semaphore(%run_scoped3A : memref<!tpu.dma_semaphore, #tpu.memory_space<semaphore_mem>>) src(%dma_wait3A_100 : memref<120x128xf32, #tpu.memory_space<vmem_shared>>) dst(%dma_wait3A_98 : memref<120x128xf32, #tpu.memory_space<vmem>>)
      tpu.yield
    }) : () -> ()
    "tpu.region"() ({
      %run_scoped3A = tpu.sem_alloc : memref<!tpu.dma_semaphore, #tpu.memory_space<semaphore_mem>>
      %dma_start3A_81 = arith.constant 0 : i32
      %dma_start3A_82 = arith.constant 0 : i32
      %dma_start3A_83 = tpu.memref_slice %arg8[%dma_start3A_81, %dma_start3A_82] : memref<128x128xf32, #tpu.memory_space<vmem>> -> memref<120x128xf32, #tpu.memory_space<vmem>>
      %dma_start3A_84 = arith.constant 0 : i32
      %dma_start3A_85 = tpu.memref_slice %arg5[%arg0, %add3A_80, %dma_start3A_84] : memref<2x10112x128xf32, #tpu.memory_space<hbm>> -> memref<1x120x128xf32, #tpu.memory_space<hbm>>
      %dma_start3A_86 = tpu.memref_squeeze %dma_start3A_85 : memref<1x120x128xf32, #tpu.memory_space<hbm>> -> memref<120x128xf32, #tpu.memory_space<hbm>>
      %dma_start3A_87 = arith.constant 0 : i32
      %dma_start3A_88 = tpu.memref_slice %arg5[%arg0, %add3A_80, %dma_start3A_87] : memref<2x10112x128xf32, #tpu.memory_space<hbm>> -> memref<1x120x128xf32, #tpu.memory_space<hbm>>
      %dma_start3A_89 = tpu.memref_squeeze %dma_start3A_88 : memref<1x120x128xf32, #tpu.memory_space<hbm>> -> memref<120x128xf32, #tpu.memory_space<hbm>>
      %dma_start3A_90 = arith.constant 0 : i32
      %dma_start3A_91 = arith.constant 0 : i32
      %dma_start3A_92 = tpu.memref_slice %arg8[%dma_start3A_90, %dma_start3A_91] : memref<128x128xf32, #tpu.memory_space<vmem>> -> memref<120x128xf32, #tpu.memory_space<vmem>>
      tpu.enqueue_dma source(%dma_start3A_92 : memref<120x128xf32, #tpu.memory_space<vmem>>) target(%dma_start3A_89 : memref<120x128xf32, #tpu.memory_space<hbm>>) target_semaphore(%run_scoped3A : memref<!tpu.dma_semaphore, #tpu.memory_space<semaphore_mem>>)
      %dma_wait3A_93 = arith.constant 0 : i32
      %dma_wait3A_94 = arith.constant 0 : i32
      %dma_wait3A_95 = tpu.memref_slice %arg8[%dma_wait3A_93, %dma_wait3A_94] : memref<128x128xf32, #tpu.memory_space<vmem>> -> memref<120x128xf32, #tpu.memory_space<vmem>>
      %dma_wait3A_96 = arith.constant 0 : i32
      %dma_wait3A_97 = tpu.memref_slice %arg5[%arg0, %add3A_80, %dma_wait3A_96] : memref<2x10112x128xf32, #tpu.memory_space<hbm>> -> memref<1x120x128xf32, #tpu.memory_space<hbm>>
      %dma_wait3A_98 = tpu.memref_squeeze %dma_wait3A_97 : memref<1x120x128xf32, #tpu.memory_space<hbm>> -> memref<120x128xf32, #tpu.memory_space<hbm>>
      %dma_wait3A_99 = arith.constant 0 : i32
      %dma_wait3A_100 = tpu.memref_slice %arg5[%arg0, %add3A_80, %dma_wait3A_99] : memref<2x10112x128xf32, #tpu.memory_space<hbm>> -> memref<1x120x128xf32, #tpu.memory_space<hbm>>
      %dma_wait3A_101 = tpu.memref_squeeze %dma_wait3A_100 : memref<1x120x128xf32, #tpu.memory_space<hbm>> -> memref<120x128xf32, #tpu.memory_space<hbm>>
      %dma_wait3A_102 = arith.constant 0 : i32
      %dma_wait3A_103 = arith.constant 0 : i32
      %dma_wait3A_104 = tpu.memref_slice %arg8[%dma_wait3A_102, %dma_wait3A_103] : memref<128x128xf32, #tpu.memory_space<vmem>> -> memref<120x128xf32, #tpu.memory_space<vmem>>
      tpu.wait_dma2 semaphore(%run_scoped3A : memref<!tpu.dma_semaphore, #tpu.memory_space<semaphore_mem>>) src(%dma_wait3A_104 : memref<120x128xf32, #tpu.memory_space<vmem>>) dst(%dma_wait3A_101 : memref<120x128xf32, #tpu.memory_space<hbm>>)
      tpu.yield
    }) : () -> ()
    return
  }
}

#map = affine_map<(d0, d1) -> (0, 0)>
#map1 = affine_map<(d0, d1) -> (0, 0, 0)>
module attributes {stable_mosaic.version = 14 : i64} {
  func.func @_agg_kernel(%arg0: i32, %arg1: i32, %arg2: memref<10000x128xf32, #tpu.memory_space<hbm>>, %arg3: memref<2664x128xi32, #tpu.memory_space<hbm>>, %arg4: memref<2664x128xi32, #tpu.memory_space<hbm>>, %arg5: memref<2x10112x128xf32, #tpu.memory_space<hbm>>, %arg6: memref<2x128xi32, #tpu.memory_space<vmem>>, %arg7: memref<128x128xi32, #tpu.memory_space<vmem>>, %arg8: memref<128x128xf32, #tpu.memory_space<vmem>>, %arg9: memref<128x128xf32, #tpu.memory_space<vmem>>, %arg10: memref<10112x128xf32, #tpu.memory_space<vmem_shared>>, %arg11: memref<!tpu.dma_semaphore, #tpu.memory_space<semaphore_mem>>, %arg12: memref<!tpu.dma_semaphore, #tpu.memory_space<semaphore_mem>>, %arg13: memref<!tpu.dma_semaphore, #tpu.memory_space<semaphore_mem>>, %arg14: memref<!tpu.dma_semaphore, #tpu.memory_space<semaphore_mem>>, %arg15: memref<!tpu.dma_semaphore, #tpu.memory_space<semaphore_mem>>, %arg16: memref<!tpu.dma_semaphore, #tpu.memory_space<semaphore_mem>>) attributes {dimension_semantics = [#tpu.dimension_semantics<core_parallel>, #tpu.dimension_semantics<subcore_parallel>], iteration_bounds = array<i64: 2, 16>, scalar_prefetch = 0 : i64, scratch_operands = 11 : i64, tpu.core_type = #tpu.core_type<sc_vector_subcore>, window_params = [{transform_indices = #map}, {transform_indices = #map}, {transform_indices = #map}, {transform_indices = #map1}]} {
    %mul3A = arith.constant 632 : i32
    %mul3A_0 = arith.muli %arg1, %mul3A : i32
    %eq3A = arith.constant 0 : i32
    %eq3A_1 = arith.cmpi eq, %arg0, %eq3A : i32
    %jit3A = arith.constant 128 : i32
    %jit3A_2 = arith.constant 32 : i32
    %select_n3A = arith.select %eq3A_1, %jit3A, %jit3A_2 : i32
    %mul3A_3 = arith.constant 16 : i32
    %mul3A_4 = arith.muli %arg0, %mul3A_3 : i32
    %mul3A_5 = arith.constant 128 : i32
    %mul3A_6 = arith.muli %mul3A_4, %mul3A_5 : i32
    %mul3A_7 = arith.muli %arg1, %select_n3A : i32
    %add3A = arith.addi %mul3A_6, %mul3A_7 : i32
    %scan3A = arith.constant 0 : i32
    %scan3A_8 = arith.constant 128 : i32
    %scan3A_9 = arith.addi %scan3A, %scan3A_8 : i32
    %scan3A_10 = arith.constant 1 : i32
    scf.for %scan3A_81 = %scan3A to %scan3A_9 step %scan3A_10  : i32 {
      %mul3A_82 = arith.constant 1 : i32
      %mul3A_83 = arith.muli %scan3A_81, %mul3A_82 : i32
      %add3A_84 = arith.constant 0 : i32
      %add3A_85 = arith.addi %add3A_84, %mul3A_83 : i32
      %broadcast_in_dim3A = arith.constant 0.000000e+00 : f32
      %broadcast_in_dim3A_86 = vector.broadcast %broadcast_in_dim3A : f32 to vector<16xf32>
      %swap3A = arith.index_cast %add3A_85 : i32 to index
      %swap3A_87 = arith.constant 0 : index
      %swap3A_88 = tpu.vector_load %arg8[%swap3A, %swap3A_87] {strides = array<i32>} : memref<128x128xf32, #tpu.memory_space<vmem>>, vector<1x16xf32>,
      %swap3A_89 = vector.shape_cast %swap3A_88 : vector<1x16xf32> to vector<16xf32>
      %swap3A_90 = vector.shape_cast %broadcast_in_dim3A_86 : vector<16xf32> to vector<1x16xf32>
      tpu.vector_store %arg8[%swap3A, %swap3A_87], %swap3A_90 {strides = array<i32>} : memref<128x128xf32, #tpu.memory_space<vmem>>, vector<1x16xf32>,
      %broadcast_in_dim3A_91 = arith.constant 0.000000e+00 : f32
      %broadcast_in_dim3A_92 = vector.broadcast %broadcast_in_dim3A_91 : f32 to vector<16xf32>
      %swap3A_93 = arith.index_cast %add3A_85 : i32 to index
      %swap3A_94 = arith.constant 16 : index
      %swap3A_95 = tpu.vector_load %arg8[%swap3A_93, %swap3A_94] {strides = array<i32>} : memref<128x128xf32, #tpu.memory_space<vmem>>, vector<1x16xf32>,
      %swap3A_96 = vector.shape_cast %swap3A_95 : vector<1x16xf32> to vector<16xf32>
      %swap3A_97 = vector.shape_cast %broadcast_in_dim3A_92 : vector<16xf32> to vector<1x16xf32>
      tpu.vector_store %arg8[%swap3A_93, %swap3A_94], %swap3A_97 {strides = array<i32>} : memref<128x128xf32, #tpu.memory_space<vmem>>, vector<1x16xf32>,
      %broadcast_in_dim3A_98 = arith.constant 0.000000e+00 : f32
      %broadcast_in_dim3A_99 = vector.broadcast %broadcast_in_dim3A_98 : f32 to vector<16xf32>
      %swap3A_100 = arith.index_cast %add3A_85 : i32 to index
      %swap3A_101 = arith.constant 32 : index
      %swap3A_102 = tpu.vector_load %arg8[%swap3A_100, %swap3A_101] {strides = array<i32>} : memref<128x128xf32, #tpu.memory_space<vmem>>, vector<1x16xf32>,
      %swap3A_103 = vector.shape_cast %swap3A_102 : vector<1x16xf32> to vector<16xf32>
      %swap3A_104 = vector.shape_cast %broadcast_in_dim3A_99 : vector<16xf32> to vector<1x16xf32>
      tpu.vector_store %arg8[%swap3A_100, %swap3A_101], %swap3A_104 {strides = array<i32>} : memref<128x128xf32, #tpu.memory_space<vmem>>, vector<1x16xf32>,
      %broadcast_in_dim3A_105 = arith.constant 0.000000e+00 : f32
      %broadcast_in_dim3A_106 = vector.broadcast %broadcast_in_dim3A_105 : f32 to vector<16xf32>
      %swap3A_107 = arith.index_cast %add3A_85 : i32 to index
      %swap3A_108 = arith.constant 48 : index
      %swap3A_109 = tpu.vector_load %arg8[%swap3A_107, %swap3A_108] {strides = array<i32>} : memref<128x128xf32, #tpu.memory_space<vmem>>, vector<1x16xf32>,
      %swap3A_110 = vector.shape_cast %swap3A_109 : vector<1x16xf32> to vector<16xf32>
      %swap3A_111 = vector.shape_cast %broadcast_in_dim3A_106 : vector<16xf32> to vector<1x16xf32>
      tpu.vector_store %arg8[%swap3A_107, %swap3A_108], %swap3A_111 {strides = array<i32>} : memref<128x128xf32, #tpu.memory_space<vmem>>, vector<1x16xf32>,
      %broadcast_in_dim3A_112 = arith.constant 0.000000e+00 : f32
      %broadcast_in_dim3A_113 = vector.broadcast %broadcast_in_dim3A_112 : f32 to vector<16xf32>
      %swap3A_114 = arith.index_cast %add3A_85 : i32 to index
      %swap3A_115 = arith.constant 64 : index
      %swap3A_116 = tpu.vector_load %arg8[%swap3A_114, %swap3A_115] {strides = array<i32>} : memref<128x128xf32, #tpu.memory_space<vmem>>, vector<1x16xf32>,
      %swap3A_117 = vector.shape_cast %swap3A_116 : vector<1x16xf32> to vector<16xf32>
      %swap3A_118 = vector.shape_cast %broadcast_in_dim3A_113 : vector<16xf32> to vector<1x16xf32>
      tpu.vector_store %arg8[%swap3A_114, %swap3A_115], %swap3A_118 {strides = array<i32>} : memref<128x128xf32, #tpu.memory_space<vmem>>, vector<1x16xf32>,
      %broadcast_in_dim3A_119 = arith.constant 0.000000e+00 : f32
      %broadcast_in_dim3A_120 = vector.broadcast %broadcast_in_dim3A_119 : f32 to vector<16xf32>
      %swap3A_121 = arith.index_cast %add3A_85 : i32 to index
      %swap3A_122 = arith.constant 80 : index
      %swap3A_123 = tpu.vector_load %arg8[%swap3A_121, %swap3A_122] {strides = array<i32>} : memref<128x128xf32, #tpu.memory_space<vmem>>, vector<1x16xf32>,
      %swap3A_124 = vector.shape_cast %swap3A_123 : vector<1x16xf32> to vector<16xf32>
      %swap3A_125 = vector.shape_cast %broadcast_in_dim3A_120 : vector<16xf32> to vector<1x16xf32>
      tpu.vector_store %arg8[%swap3A_121, %swap3A_122], %swap3A_125 {strides = array<i32>} : memref<128x128xf32, #tpu.memory_space<vmem>>, vector<1x16xf32>,
      %broadcast_in_dim3A_126 = arith.constant 0.000000e+00 : f32
      %broadcast_in_dim3A_127 = vector.broadcast %broadcast_in_dim3A_126 : f32 to vector<16xf32>
      %swap3A_128 = arith.index_cast %add3A_85 : i32 to index
      %swap3A_129 = arith.constant 96 : index
      %swap3A_130 = tpu.vector_load %arg8[%swap3A_128, %swap3A_129] {strides = array<i32>} : memref<128x128xf32, #tpu.memory_space<vmem>>, vector<1x16xf32>,
      %swap3A_131 = vector.shape_cast %swap3A_130 : vector<1x16xf32> to vector<16xf32>
      %swap3A_132 = vector.shape_cast %broadcast_in_dim3A_127 : vector<16xf32> to vector<1x16xf32>
      tpu.vector_store %arg8[%swap3A_128, %swap3A_129], %swap3A_132 {strides = array<i32>} : memref<128x128xf32, #tpu.memory_space<vmem>>, vector<1x16xf32>,
      %broadcast_in_dim3A_133 = arith.constant 0.000000e+00 : f32
      %broadcast_in_dim3A_134 = vector.broadcast %broadcast_in_dim3A_133 : f32 to vector<16xf32>
      %swap3A_135 = arith.index_cast %add3A_85 : i32 to index
      %swap3A_136 = arith.constant 112 : index
      %swap3A_137 = tpu.vector_load %arg8[%swap3A_135, %swap3A_136] {strides = array<i32>} : memref<128x128xf32, #tpu.memory_space<vmem>>, vector<1x16xf32>,
      %swap3A_138 = vector.shape_cast %swap3A_137 : vector<1x16xf32> to vector<16xf32>
      %swap3A_139 = vector.shape_cast %broadcast_in_dim3A_134 : vector<16xf32> to vector<1x16xf32>
      tpu.vector_store %arg8[%swap3A_135, %swap3A_136], %swap3A_139 {strides = array<i32>} : memref<128x128xf32, #tpu.memory_space<vmem>>, vector<1x16xf32>,
    }
    %scan3A_11 = arith.constant 128 : i32
    %add3A_12 = arith.constant 0 : i32
    %add3A_13 = arith.addi %mul3A_0, %add3A_12 : i32
    "tpu.region"() ({
      %run_scoped3A = tpu.sem_alloc : memref<!tpu.dma_semaphore, #tpu.memory_space<semaphore_mem>>
      %dma_start3A_81 = arith.constant 0 : i32
      %dma_start3A_82 = tpu.memref_slice %arg10[%add3A_13, %dma_start3A_81] : memref<10112x128xf32, #tpu.memory_space<vmem_shared>> -> memref<128x128xf32, #tpu.memory_space<vmem_shared>>
      %dma_start3A_83 = arith.constant 0 : i32
      %dma_start3A_84 = tpu.memref_slice %arg10[%add3A_13, %dma_start3A_83] : memref<10112x128xf32, #tpu.memory_space<vmem_shared>> -> memref<128x128xf32, #tpu.memory_space<vmem_shared>>
      tpu.enqueue_dma source(%arg8 : memref<128x128xf32, #tpu.memory_space<vmem>>) target(%dma_start3A_84 : memref<128x128xf32, #tpu.memory_space<vmem_shared>>) target_semaphore(%run_scoped3A : memref<!tpu.dma_semaphore, #tpu.memory_space<semaphore_mem>>)
      %dma_wait3A_85 = arith.constant 0 : i32
      %dma_wait3A_86 = tpu.memref_slice %arg10[%add3A_13, %dma_wait3A_85] : memref<10112x128xf32, #tpu.memory_space<vmem_shared>> -> memref<128x128xf32, #tpu.memory_space<vmem_shared>>
      %dma_wait3A_87 = arith.constant 0 : i32
      %dma_wait3A_88 = tpu.memref_slice %arg10[%add3A_13, %dma_wait3A_87] : memref<10112x128xf32, #tpu.memory_space<vmem_shared>> -> memref<128x128xf32, #tpu.memory_space<vmem_shared>>
      tpu.wait_dma2 semaphore(%run_scoped3A : memref<!tpu.dma_semaphore, #tpu.memory_space<semaphore_mem>>) src(%arg8 : memref<128x128xf32, #tpu.memory_space<vmem>>) dst(%dma_wait3A_88 : memref<128x128xf32, #tpu.memory_space<vmem_shared>>)
      tpu.yield
    }) : () -> ()
    %add3A_14 = arith.constant 128 : i32
    %add3A_15 = arith.addi %mul3A_0, %add3A_14 : i32
    "tpu.region"() ({
      %run_scoped3A = tpu.sem_alloc : memref<!tpu.dma_semaphore, #tpu.memory_space<semaphore_mem>>
      %dma_start3A_81 = arith.constant 0 : i32
      %dma_start3A_82 = tpu.memref_slice %arg10[%add3A_15, %dma_start3A_81] : memref<10112x128xf32, #tpu.memory_space<vmem_shared>> -> memref<128x128xf32, #tpu.memory_space<vmem_shared>>
      %dma_start3A_83 = arith.constant 0 : i32
      %dma_start3A_84 = tpu.memref_slice %arg10[%add3A_15, %dma_start3A_83] : memref<10112x128xf32, #tpu.memory_space<vmem_shared>> -> memref<128x128xf32, #tpu.memory_space<vmem_shared>>
      tpu.enqueue_dma source(%arg8 : memref<128x128xf32, #tpu.memory_space<vmem>>) target(%dma_start3A_84 : memref<128x128xf32, #tpu.memory_space<vmem_shared>>) target_semaphore(%run_scoped3A : memref<!tpu.dma_semaphore, #tpu.memory_space<semaphore_mem>>)
      %dma_wait3A_85 = arith.constant 0 : i32
      %dma_wait3A_86 = tpu.memref_slice %arg10[%add3A_15, %dma_wait3A_85] : memref<10112x128xf32, #tpu.memory_space<vmem_shared>> -> memref<128x128xf32, #tpu.memory_space<vmem_shared>>
      %dma_wait3A_87 = arith.constant 0 : i32
      %dma_wait3A_88 = tpu.memref_slice %arg10[%add3A_15, %dma_wait3A_87] : memref<10112x128xf32, #tpu.memory_space<vmem_shared>> -> memref<128x128xf32, #tpu.memory_space<vmem_shared>>
      tpu.wait_dma2 semaphore(%run_scoped3A : memref<!tpu.dma_semaphore, #tpu.memory_space<semaphore_mem>>) src(%arg8 : memref<128x128xf32, #tpu.memory_space<vmem>>) dst(%dma_wait3A_88 : memref<128x128xf32, #tpu.memory_space<vmem_shared>>)
      tpu.yield
    }) : () -> ()
    %add3A_16 = arith.constant 256 : i32
    %add3A_17 = arith.addi %mul3A_0, %add3A_16 : i32
    "tpu.region"() ({
      %run_scoped3A = tpu.sem_alloc : memref<!tpu.dma_semaphore, #tpu.memory_space<semaphore_mem>>
      %dma_start3A_81 = arith.constant 0 : i32
      %dma_start3A_82 = tpu.memref_slice %arg10[%add3A_17, %dma_start3A_81] : memref<10112x128xf32, #tpu.memory_space<vmem_shared>> -> memref<128x128xf32, #tpu.memory_space<vmem_shared>>
      %dma_start3A_83 = arith.constant 0 : i32
      %dma_start3A_84 = tpu.memref_slice %arg10[%add3A_17, %dma_start3A_83] : memref<10112x128xf32, #tpu.memory_space<vmem_shared>> -> memref<128x128xf32, #tpu.memory_space<vmem_shared>>
      tpu.enqueue_dma source(%arg8 : memref<128x128xf32, #tpu.memory_space<vmem>>) target(%dma_start3A_84 : memref<128x128xf32, #tpu.memory_space<vmem_shared>>) target_semaphore(%run_scoped3A : memref<!tpu.dma_semaphore, #tpu.memory_space<semaphore_mem>>)
      %dma_wait3A_85 = arith.constant 0 : i32
      %dma_wait3A_86 = tpu.memref_slice %arg10[%add3A_17, %dma_wait3A_85] : memref<10112x128xf32, #tpu.memory_space<vmem_shared>> -> memref<128x128xf32, #tpu.memory_space<vmem_shared>>
      %dma_wait3A_87 = arith.constant 0 : i32
      %dma_wait3A_88 = tpu.memref_slice %arg10[%add3A_17, %dma_wait3A_87] : memref<10112x128xf32, #tpu.memory_space<vmem_shared>> -> memref<128x128xf32, #tpu.memory_space<vmem_shared>>
      tpu.wait_dma2 semaphore(%run_scoped3A : memref<!tpu.dma_semaphore, #tpu.memory_space<semaphore_mem>>) src(%arg8 : memref<128x128xf32, #tpu.memory_space<vmem>>) dst(%dma_wait3A_88 : memref<128x128xf32, #tpu.memory_space<vmem_shared>>)
      tpu.yield
    }) : () -> ()
    %add3A_18 = arith.constant 384 : i32
    %add3A_19 = arith.addi %mul3A_0, %add3A_18 : i32
    "tpu.region"() ({
      %run_scoped3A = tpu.sem_alloc : memref<!tpu.dma_semaphore, #tpu.memory_space<semaphore_mem>>
      %dma_start3A_81 = arith.constant 0 : i32
      %dma_start3A_82 = tpu.memref_slice %arg10[%add3A_19, %dma_start3A_81] : memref<10112x128xf32, #tpu.memory_space<vmem_shared>> -> memref<128x128xf32, #tpu.memory_space<vmem_shared>>
      %dma_start3A_83 = arith.constant 0 : i32
      %dma_start3A_84 = tpu.memref_slice %arg10[%add3A_19, %dma_start3A_83] : memref<10112x128xf32, #tpu.memory_space<vmem_shared>> -> memref<128x128xf32, #tpu.memory_space<vmem_shared>>
      tpu.enqueue_dma source(%arg8 : memref<128x128xf32, #tpu.memory_space<vmem>>) target(%dma_start3A_84 : memref<128x128xf32, #tpu.memory_space<vmem_shared>>) target_semaphore(%run_scoped3A : memref<!tpu.dma_semaphore, #tpu.memory_space<semaphore_mem>>)
      %dma_wait3A_85 = arith.constant 0 : i32
      %dma_wait3A_86 = tpu.memref_slice %arg10[%add3A_19, %dma_wait3A_85] : memref<10112x128xf32, #tpu.memory_space<vmem_shared>> -> memref<128x128xf32, #tpu.memory_space<vmem_shared>>
      %dma_wait3A_87 = arith.constant 0 : i32
      %dma_wait3A_88 = tpu.memref_slice %arg10[%add3A_19, %dma_wait3A_87] : memref<10112x128xf32, #tpu.memory_space<vmem_shared>> -> memref<128x128xf32, #tpu.memory_space<vmem_shared>>
      tpu.wait_dma2 semaphore(%run_scoped3A : memref<!tpu.dma_semaphore, #tpu.memory_space<semaphore_mem>>) src(%arg8 : memref<128x128xf32, #tpu.memory_space<vmem>>) dst(%dma_wait3A_88 : memref<128x128xf32, #tpu.memory_space<vmem_shared>>)
      tpu.yield
    }) : () -> ()
    %add3A_20 = arith.constant 512 : i32
    %add3A_21 = arith.addi %mul3A_0, %add3A_20 : i32
    "tpu.region"() ({
      %run_scoped3A = tpu.sem_alloc : memref<!tpu.dma_semaphore, #tpu.memory_space<semaphore_mem>>
      %dma_start3A_81 = arith.constant 0 : i32
      %dma_start3A_82 = arith.constant 0 : i32
      %dma_start3A_83 = tpu.memref_slice %arg8[%dma_start3A_81, %dma_start3A_82] : memref<128x128xf32, #tpu.memory_space<vmem>> -> memref<120x128xf32, #tpu.memory_space<vmem>>
      %dma_start3A_84 = arith.constant 0 : i32
      %dma_start3A_85 = tpu.memref_slice %arg10[%add3A_21, %dma_start3A_84] : memref<10112x128xf32, #tpu.memory_space<vmem_shared>> -> memref<120x128xf32, #tpu.memory_space<vmem_shared>>
      %dma_start3A_86 = arith.constant 0 : i32
      %dma_start3A_87 = tpu.memref_slice %arg10[%add3A_21, %dma_start3A_86] : memref<10112x128xf32, #tpu.memory_space<vmem_shared>> -> memref<120x128xf32, #tpu.memory_space<vmem_shared>>
      %dma_start3A_88 = arith.constant 0 : i32
      %dma_start3A_89 = arith.constant 0 : i32
      %dma_start3A_90 = tpu.memref_slice %arg8[%dma_start3A_88, %dma_start3A_89] : memref<128x128xf32, #tpu.memory_space<vmem>> -> memref<120x128xf32, #tpu.memory_space<vmem>>
      tpu.enqueue_dma source(%dma_start3A_90 : memref<120x128xf32, #tpu.memory_space<vmem>>) target(%dma_start3A_87 : memref<120x128xf32, #tpu.memory_space<vmem_shared>>) target_semaphore(%run_scoped3A : memref<!tpu.dma_semaphore, #tpu.memory_space<semaphore_mem>>)
      %dma_wait3A_91 = arith.constant 0 : i32
      %dma_wait3A_92 = arith.constant 0 : i32
      %dma_wait3A_93 = tpu.memref_slice %arg8[%dma_wait3A_91, %dma_wait3A_92] : memref<128x128xf32, #tpu.memory_space<vmem>> -> memref<120x128xf32, #tpu.memory_space<vmem>>
      %dma_wait3A_94 = arith.constant 0 : i32
      %dma_wait3A_95 = tpu.memref_slice %arg10[%add3A_21, %dma_wait3A_94] : memref<10112x128xf32, #tpu.memory_space<vmem_shared>> -> memref<120x128xf32, #tpu.memory_space<vmem_shared>>
      %dma_wait3A_96 = arith.constant 0 : i32
      %dma_wait3A_97 = tpu.memref_slice %arg10[%add3A_21, %dma_wait3A_96] : memref<10112x128xf32, #tpu.memory_space<vmem_shared>> -> memref<120x128xf32, #tpu.memory_space<vmem_shared>>
      %dma_wait3A_98 = arith.constant 0 : i32
      %dma_wait3A_99 = arith.constant 0 : i32
      %dma_wait3A_100 = tpu.memref_slice %arg8[%dma_wait3A_98, %dma_wait3A_99] : memref<128x128xf32, #tpu.memory_space<vmem>> -> memref<120x128xf32, #tpu.memory_space<vmem>>
      tpu.wait_dma2 semaphore(%run_scoped3A : memref<!tpu.dma_semaphore, #tpu.memory_space<semaphore_mem>>) src(%dma_wait3A_100 : memref<120x128xf32, #tpu.memory_space<vmem>>) dst(%dma_wait3A_97 : memref<120x128xf32, #tpu.memory_space<vmem_shared>>)
      tpu.yield
    }) : () -> ()
    %barrier3A = arith.constant 0 : index
    tpu.barrier barrier_id(%barrier3A)
    "tpu.region"() ({
      %run_scoped3A = tpu.sem_alloc : memref<!tpu.dma_semaphore, #tpu.memory_space<semaphore_mem>>
      %dma_start3A_81 = arith.constant 0 : i32
      %dma_start3A_82 = tpu.memref_slice %arg4[%add3A, %dma_start3A_81] : memref<2664x128xi32, #tpu.memory_space<hbm>> -> memref<128x128xi32, #tpu.memory_space<hbm>>
      %dma_start3A_83 = arith.constant 0 : i32
      %dma_start3A_84 = tpu.memref_slice %arg4[%add3A, %dma_start3A_83] : memref<2664x128xi32, #tpu.memory_space<hbm>> -> memref<128x128xi32, #tpu.memory_space<hbm>>
      tpu.enqueue_dma source(%dma_start3A_84 : memref<128x128xi32, #tpu.memory_space<hbm>>) target(%arg7 : memref<128x128xi32, #tpu.memory_space<vmem>>) target_semaphore(%run_scoped3A : memref<!tpu.dma_semaphore, #tpu.memory_space<semaphore_mem>>)
      %dma_wait3A_85 = arith.constant 0 : i32
      %dma_wait3A_86 = tpu.memref_slice %arg4[%add3A, %dma_wait3A_85] : memref<2664x128xi32, #tpu.memory_space<hbm>> -> memref<128x128xi32, #tpu.memory_space<hbm>>
      %dma_wait3A_87 = arith.constant 0 : i32
      %dma_wait3A_88 = tpu.memref_slice %arg4[%add3A, %dma_wait3A_87] : memref<2664x128xi32, #tpu.memory_space<hbm>> -> memref<128x128xi32, #tpu.memory_space<hbm>>
      tpu.wait_dma2 semaphore(%run_scoped3A : memref<!tpu.dma_semaphore, #tpu.memory_space<semaphore_mem>>) src(%dma_wait3A_88 : memref<128x128xi32, #tpu.memory_space<hbm>>) dst(%arg7 : memref<128x128xi32, #tpu.memory_space<vmem>>)
      tpu.yield
    }) : () -> ()
    "tpu.region"() ({
      %run_scoped3A = tpu.sem_alloc : memref<!tpu.dma_semaphore, #tpu.memory_space<semaphore_mem>>
      %dma_start3A_81 = arith.constant 0 : i32
      %dma_start3A_82 = tpu.memref_slice %arg3[%add3A, %dma_start3A_81] : memref<2664x128xi32, #tpu.memory_space<hbm>> -> memref<2x128xi32, #tpu.memory_space<hbm>>
      %dma_start3A_83 = arith.constant 0 : i32
      %dma_start3A_84 = tpu.memref_slice %arg3[%add3A, %dma_start3A_83] : memref<2664x128xi32, #tpu.memory_space<hbm>> -> memref<2x128xi32, #tpu.memory_space<hbm>>
      tpu.enqueue_dma source(%dma_start3A_84 : memref<2x128xi32, #tpu.memory_space<hbm>>) target(%arg6 : memref<2x128xi32, #tpu.memory_space<vmem>>) target_semaphore(%run_scoped3A : memref<!tpu.dma_semaphore, #tpu.memory_space<semaphore_mem>>)
      %dma_wait3A_85 = arith.constant 0 : i32
      %dma_wait3A_86 = tpu.memref_slice %arg3[%add3A, %dma_wait3A_85] : memref<2664x128xi32, #tpu.memory_space<hbm>> -> memref<2x128xi32, #tpu.memory_space<hbm>>
      %dma_wait3A_87 = arith.constant 0 : i32
      %dma_wait3A_88 = tpu.memref_slice %arg3[%add3A, %dma_wait3A_87] : memref<2664x128xi32, #tpu.memory_space<hbm>> -> memref<2x128xi32, #tpu.memory_space<hbm>>
      tpu.wait_dma2 semaphore(%run_scoped3A : memref<!tpu.dma_semaphore, #tpu.memory_space<semaphore_mem>>) src(%dma_wait3A_88 : memref<2x128xi32, #tpu.memory_space<hbm>>) dst(%arg6 : memref<2x128xi32, #tpu.memory_space<vmem>>)
      tpu.yield
    }) : () -> ()
    %dma_start3A = arith.constant 0 : i32
    %dma_start3A_22 = arith.constant 0 : i32
    %dma_start3A_23 = tpu.memref_slice %arg6[%dma_start3A, %dma_start3A_22] : memref<2x128xi32, #tpu.memory_space<vmem>> -> memref<1x128xi32, #tpu.memory_space<vmem>>
    %dma_start3A_24 = tpu.memref_squeeze %dma_start3A_23 : memref<1x128xi32, #tpu.memory_space<vmem>> -> memref<128xi32, #tpu.memory_space<vmem>>
    %dma_start3A_25 = arith.constant 0 : i32
    %dma_start3A_26 = arith.constant 0 : i32
    %dma_start3A_27 = tpu.memref_slice %arg2[%dma_start3A_25, %dma_start3A_26] : memref<10000x128xf32, #tpu.memory_space<hbm>> -> memref<10000x128xf32, #tpu.memory_space<hbm>>
    tpu.enqueue_indirect_dma source(%dma_start3A_27 : memref<10000x128xf32, #tpu.memory_space<hbm>>) target(%arg8 : memref<128x128xf32, #tpu.memory_space<vmem>>) offsets(%dma_start3A_24 : memref<128xi32, #tpu.memory_space<vmem>>) semaphore(%arg11 : memref<!tpu.dma_semaphore, #tpu.memory_space<semaphore_mem>>)
    %jit3A_28 = arith.constant 2 : i32
    %div3A = arith.divsi %select_n3A, %jit3A_28 : i32
    %sign3A = arith.constant 0 : i32
    %sign3A_29 = arith.cmpi sgt, %select_n3A, %sign3A : i32
    %sign3A_30 = arith.extui %sign3A_29 : i1 to i32
    %sign3A_31 = arith.constant 0 : i32
    %sign3A_32 = arith.cmpi slt, %select_n3A, %sign3A_31 : i32
    %sign3A_33 = arith.extui %sign3A_32 : i1 to i32
    %sign3A_34 = arith.subi %sign3A_30, %sign3A_33 : i32
    %sign3A_35 = arith.constant 0 : i32
    %sign3A_36 = arith.cmpi sgt, %jit3A_28, %sign3A_35 : i32
    %sign3A_37 = arith.extui %sign3A_36 : i1 to i32
    %sign3A_38 = arith.constant 0 : i32
    %sign3A_39 = arith.cmpi slt, %jit3A_28, %sign3A_38 : i32
    %sign3A_40 = arith.extui %sign3A_39 : i1 to i32
    %sign3A_41 = arith.subi %sign3A_37, %sign3A_40 : i32
    %ne3A = arith.cmpi ne, %sign3A_34, %sign3A_41 : i32
    %rem3A = arith.remsi %select_n3A, %jit3A_28 : i32
    %ne3A_42 = arith.constant 0 : i32
    %ne3A_43 = arith.cmpi ne, %rem3A, %ne3A_42 : i32
    %and3A = arith.andi %ne3A, %ne3A_43 : i1
    %sub3A = arith.constant 1 : i32
    %sub3A_44 = arith.subi %div3A, %sub3A : i32
    %select_n3A_45 = arith.select %and3A, %sub3A_44, %div3A : i32
    %sub3A_46 = arith.constant 0 : i32
    %sub3A_47 = arith.subi %select_n3A_45, %sub3A_46 : i32
    %sub3A_48 = arith.constant 1 : i32
    %sub3A_49 = arith.constant 1 : i32
    %sub3A_50 = arith.subi %sub3A_48, %sub3A_49 : i32
    %add3A_51 = arith.addi %sub3A_47, %sub3A_50 : i32
    %div3A_52 = arith.constant 1 : i32
    %div3A_53 = arith.divsi %add3A_51, %div3A_52 : i32
    %while3A = arith.constant 1 : i32
    %while3A_54 = arith.constant 0 : i32
    %while3A_55 = arith.constant 0 : i32
    %while3A_56 = arith.subi %div3A_53, %while3A_55 : i32
    %while3A_57 = arith.addi %while3A_55, %while3A_56 : i32
    %while3A_58 = arith.constant 1 : i32
    %while3A_59 = arith.divsi %while3A_56, %while3A_58 : i32
    %while3A_60 = arith.muli %while3A_59, %while3A_58 : i32
    %while3A_61 = arith.addi %while3A_55, %while3A_60 : i32
    %while3A_62 = arith.constant 1 : i32
    scf.for %while3A_81 = %while3A_55 to %while3A_61 step %while3A_62  : i32 {
      %mul3A_82 = arith.muli %while3A_81, %while3A : i32
      %add3A_83 = arith.addi %while3A_54, %mul3A_82 : i32
      %mul3A_84 = arith.constant 2 : i32
      %mul3A_85 = arith.muli %mul3A_84, %add3A_83 : i32
      %dma_wait3A_86 = arith.constant 0 : i32
      %dma_wait3A_87 = arith.constant 0 : i32
      %dma_wait3A_88 = tpu.memref_slice %arg6[%dma_wait3A_86, %dma_wait3A_87] : memref<2x128xi32, #tpu.memory_space<vmem>> -> memref<1x128xi32, #tpu.memory_space<vmem>>
      %dma_wait3A_89 = tpu.memref_squeeze %dma_wait3A_88 : memref<1x128xi32, #tpu.memory_space<vmem>> -> memref<128xi32, #tpu.memory_space<vmem>>
      %dma_wait3A_90 = arith.constant 0 : i32
      %dma_wait3A_91 = arith.constant 0 : i32
      %dma_wait3A_92 = tpu.memref_slice %arg2[%dma_wait3A_90, %dma_wait3A_91] : memref<10000x128xf32, #tpu.memory_space<hbm>> -> memref<10000x128xf32, #tpu.memory_space<hbm>>
      tpu.wait_indirect_dma semaphore(%arg11 : memref<!tpu.dma_semaphore, #tpu.memory_space<semaphore_mem>>) src(%dma_wait3A_92 : memref<10000x128xf32, #tpu.memory_space<hbm>>) dst(%arg8 : memref<128x128xf32, #tpu.memory_space<vmem>>)
      %dma_start3A_93 = arith.constant 1 : i32
      %dma_start3A_94 = arith.constant 0 : i32
      %dma_start3A_95 = tpu.memref_slice %arg6[%dma_start3A_93, %dma_start3A_94] : memref<2x128xi32, #tpu.memory_space<vmem>> -> memref<1x128xi32, #tpu.memory_space<vmem>>
      %dma_start3A_96 = tpu.memref_squeeze %dma_start3A_95 : memref<1x128xi32, #tpu.memory_space<vmem>> -> memref<128xi32, #tpu.memory_space<vmem>>
      %dma_start3A_97 = arith.constant 0 : i32
      %dma_start3A_98 = arith.constant 0 : i32
      %dma_start3A_99 = tpu.memref_slice %arg2[%dma_start3A_97, %dma_start3A_98] : memref<10000x128xf32, #tpu.memory_space<hbm>> -> memref<10000x128xf32, #tpu.memory_space<hbm>>
      tpu.enqueue_indirect_dma source(%dma_start3A_99 : memref<10000x128xf32, #tpu.memory_space<hbm>>) target(%arg9 : memref<128x128xf32, #tpu.memory_space<vmem>>) offsets(%dma_start3A_96 : memref<128xi32, #tpu.memory_space<vmem>>) semaphore(%arg12 : memref<!tpu.dma_semaphore, #tpu.memory_space<semaphore_mem>>)
      %add3A_100 = arith.addi %add3A, %mul3A_85 : i32
      %add3A_101 = arith.constant 2 : i32
      %add3A_102 = arith.addi %add3A_100, %add3A_101 : i32
      %dma_start3A_103 = arith.constant 0 : i32
      %dma_start3A_104 = arith.constant 0 : i32
      %dma_start3A_105 = tpu.memref_slice %arg6[%dma_start3A_103, %dma_start3A_104] : memref<2x128xi32, #tpu.memory_space<vmem>> -> memref<1x128xi32, #tpu.memory_space<vmem>>
      %dma_start3A_106 = arith.constant 0 : i32
      %dma_start3A_107 = tpu.memref_slice %arg3[%add3A_102, %dma_start3A_106] : memref<2664x128xi32, #tpu.memory_space<hbm>> -> memref<1x128xi32, #tpu.memory_space<hbm>>
      %dma_start3A_108 = arith.constant 0 : i32
      %dma_start3A_109 = arith.constant 0 : i32
      %dma_start3A_110 = tpu.memref_slice %arg6[%dma_start3A_108, %dma_start3A_109] : memref<2x128xi32, #tpu.memory_space<vmem>> -> memref<1x128xi32, #tpu.memory_space<vmem>>
      %dma_start3A_111 = arith.constant 0 : i32
      %dma_start3A_112 = tpu.memref_slice %arg3[%add3A_102, %dma_start3A_111] : memref<2664x128xi32, #tpu.memory_space<hbm>> -> memref<1x128xi32, #tpu.memory_space<hbm>>
      tpu.enqueue_dma source(%dma_start3A_112 : memref<1x128xi32, #tpu.memory_space<hbm>>) target(%dma_start3A_110 : memref<1x128xi32, #tpu.memory_space<vmem>>) target_semaphore(%arg13 : memref<!tpu.dma_semaphore, #tpu.memory_space<semaphore_mem>>)
      %dma_start3A_113 = arith.constant 0 : i32
      %dma_start3A_114 = tpu.memref_slice %arg7[%mul3A_85, %dma_start3A_113] : memref<128x128xi32, #tpu.memory_space<vmem>> -> memref<1x128xi32, #tpu.memory_space<vmem>>
      %dma_start3A_115 = tpu.memref_squeeze %dma_start3A_114 : memref<1x128xi32, #tpu.memory_space<vmem>> -> memref<128xi32, #tpu.memory_space<vmem>>
      %dma_start3A_116 = arith.constant 0 : i32
      %dma_start3A_117 = arith.constant 0 : i32
      %dma_start3A_118 = tpu.memref_slice %arg10[%dma_start3A_116, %dma_start3A_117] : memref<10112x128xf32, #tpu.memory_space<vmem_shared>> -> memref<10112x128xf32, #tpu.memory_space<vmem_shared>>
      tpu.enqueue_indirect_dma source(%arg8 : memref<128x128xf32, #tpu.memory_space<vmem>>) target(%dma_start3A_118 : memref<10112x128xf32, #tpu.memory_space<vmem_shared>>) offsets(%dma_start3A_115 : memref<128xi32, #tpu.memory_space<vmem>>) semaphore(%arg15 : memref<!tpu.dma_semaphore, #tpu.memory_space<semaphore_mem>>) {add = true}
      %dma_wait3A_119 = arith.constant 1 : i32
      %dma_wait3A_120 = arith.constant 0 : i32
      %dma_wait3A_121 = tpu.memref_slice %arg6[%dma_wait3A_119, %dma_wait3A_120] : memref<2x128xi32, #tpu.memory_space<vmem>> -> memref<1x128xi32, #tpu.memory_space<vmem>>
      %dma_wait3A_122 = tpu.memref_squeeze %dma_wait3A_121 : memref<1x128xi32, #tpu.memory_space<vmem>> -> memref<128xi32, #tpu.memory_space<vmem>>
      %dma_wait3A_123 = arith.constant 0 : i32
      %dma_wait3A_124 = arith.constant 0 : i32
      %dma_wait3A_125 = tpu.memref_slice %arg2[%dma_wait3A_123, %dma_wait3A_124] : memref<10000x128xf32, #tpu.memory_space<hbm>> -> memref<10000x128xf32, #tpu.memory_space<hbm>>
      tpu.wait_indirect_dma semaphore(%arg12 : memref<!tpu.dma_semaphore, #tpu.memory_space<semaphore_mem>>) src(%dma_wait3A_125 : memref<10000x128xf32, #tpu.memory_space<hbm>>) dst(%arg9 : memref<128x128xf32, #tpu.memory_space<vmem>>)
      %add3A_126 = arith.constant 1 : i32
      %add3A_127 = arith.addi %mul3A_85, %add3A_126 : i32
      %dma_start3A_128 = arith.constant 0 : i32
      %dma_start3A_129 = tpu.memref_slice %arg7[%add3A_127, %dma_start3A_128] : memref<128x128xi32, #tpu.memory_space<vmem>> -> memref<1x128xi32, #tpu.memory_space<vmem>>
      %dma_start3A_130 = tpu.memref_squeeze %dma_start3A_129 : memref<1x128xi32, #tpu.memory_space<vmem>> -> memref<128xi32, #tpu.memory_space<vmem>>
      %dma_start3A_131 = arith.constant 0 : i32
      %dma_start3A_132 = arith.constant 0 : i32
      %dma_start3A_133 = tpu.memref_slice %arg10[%dma_start3A_131, %dma_start3A_132] : memref<10112x128xf32, #tpu.memory_space<vmem_shared>> -> memref<10112x128xf32, #tpu.memory_space<vmem_shared>>
      tpu.enqueue_indirect_dma source(%arg9 : memref<128x128xf32, #tpu.memory_space<vmem>>) target(%dma_start3A_133 : memref<10112x128xf32, #tpu.memory_space<vmem_shared>>) offsets(%dma_start3A_130 : memref<128xi32, #tpu.memory_space<vmem>>) semaphore(%arg16 : memref<!tpu.dma_semaphore, #tpu.memory_space<semaphore_mem>>) {add = true}
      %add3A_134 = arith.addi %add3A, %mul3A_85 : i32
      %add3A_135 = arith.constant 2 : i32
      %add3A_136 = arith.addi %add3A_134, %add3A_135 : i32
      %dma_wait3A_137 = arith.constant 0 : i32
      %dma_wait3A_138 = arith.constant 0 : i32
      %dma_wait3A_139 = tpu.memref_slice %arg6[%dma_wait3A_137, %dma_wait3A_138] : memref<2x128xi32, #tpu.memory_space<vmem>> -> memref<1x128xi32, #tpu.memory_space<vmem>>
      %dma_wait3A_140 = arith.constant 0 : i32
      %dma_wait3A_141 = tpu.memref_slice %arg3[%add3A_136, %dma_wait3A_140] : memref<2664x128xi32, #tpu.memory_space<hbm>> -> memref<1x128xi32, #tpu.memory_space<hbm>>
      %dma_wait3A_142 = arith.constant 0 : i32
      %dma_wait3A_143 = arith.constant 0 : i32
      %dma_wait3A_144 = tpu.memref_slice %arg6[%dma_wait3A_142, %dma_wait3A_143] : memref<2x128xi32, #tpu.memory_space<vmem>> -> memref<1x128xi32, #tpu.memory_space<vmem>>
      %dma_wait3A_145 = arith.constant 0 : i32
      %dma_wait3A_146 = tpu.memref_slice %arg3[%add3A_136, %dma_wait3A_145] : memref<2664x128xi32, #tpu.memory_space<hbm>> -> memref<1x128xi32, #tpu.memory_space<hbm>>
      tpu.wait_dma2 semaphore(%arg13 : memref<!tpu.dma_semaphore, #tpu.memory_space<semaphore_mem>>) src(%dma_wait3A_146 : memref<1x128xi32, #tpu.memory_space<hbm>>) dst(%dma_wait3A_144 : memref<1x128xi32, #tpu.memory_space<vmem>>)
      %dma_wait3A_147 = arith.constant 0 : i32
      %dma_wait3A_148 = tpu.memref_slice %arg7[%mul3A_85, %dma_wait3A_147] : memref<128x128xi32, #tpu.memory_space<vmem>> -> memref<1x128xi32, #tpu.memory_space<vmem>>
      %dma_wait3A_149 = tpu.memref_squeeze %dma_wait3A_148 : memref<1x128xi32, #tpu.memory_space<vmem>> -> memref<128xi32, #tpu.memory_space<vmem>>
      %dma_wait3A_150 = arith.constant 0 : i32
      %dma_wait3A_151 = arith.constant 0 : i32
      %dma_wait3A_152 = tpu.memref_slice %arg10[%dma_wait3A_150, %dma_wait3A_151] : memref<10112x128xf32, #tpu.memory_space<vmem_shared>> -> memref<10112x128xf32, #tpu.memory_space<vmem_shared>>
      tpu.wait_indirect_dma semaphore(%arg15 : memref<!tpu.dma_semaphore, #tpu.memory_space<semaphore_mem>>) src(%arg8 : memref<128x128xf32, #tpu.memory_space<vmem>>) dst(%dma_wait3A_152 : memref<10112x128xf32, #tpu.memory_space<vmem_shared>>)
      %dma_start3A_153 = arith.constant 0 : i32
      %dma_start3A_154 = arith.constant 0 : i32
      %dma_start3A_155 = tpu.memref_slice %arg6[%dma_start3A_153, %dma_start3A_154] : memref<2x128xi32, #tpu.memory_space<vmem>> -> memref<1x128xi32, #tpu.memory_space<vmem>>
      %dma_start3A_156 = tpu.memref_squeeze %dma_start3A_155 : memref<1x128xi32, #tpu.memory_space<vmem>> -> memref<128xi32, #tpu.memory_space<vmem>>
      %dma_start3A_157 = arith.constant 0 : i32
      %dma_start3A_158 = arith.constant 0 : i32
      %dma_start3A_159 = tpu.memref_slice %arg2[%dma_start3A_157, %dma_start3A_158] : memref<10000x128xf32, #tpu.memory_space<hbm>> -> memref<10000x128xf32, #tpu.memory_space<hbm>>
      tpu.enqueue_indirect_dma source(%dma_start3A_159 : memref<10000x128xf32, #tpu.memory_space<hbm>>) target(%arg8 : memref<128x128xf32, #tpu.memory_space<vmem>>) offsets(%dma_start3A_156 : memref<128xi32, #tpu.memory_space<vmem>>) semaphore(%arg11 : memref<!tpu.dma_semaphore, #tpu.memory_space<semaphore_mem>>)
      %add3A_160 = arith.addi %add3A, %mul3A_85 : i32
      %add3A_161 = arith.constant 3 : i32
      %add3A_162 = arith.addi %add3A_160, %add3A_161 : i32
      %dma_start3A_163 = arith.constant 1 : i32
      %dma_start3A_164 = arith.constant 0 : i32
      %dma_start3A_165 = tpu.memref_slice %arg6[%dma_start3A_163, %dma_start3A_164] : memref<2x128xi32, #tpu.memory_space<vmem>> -> memref<1x128xi32, #tpu.memory_space<vmem>>
      %dma_start3A_166 = arith.constant 0 : i32
      %dma_start3A_167 = tpu.memref_slice %arg3[%add3A_162, %dma_start3A_166] : memref<2664x128xi32, #tpu.memory_space<hbm>> -> memref<1x128xi32, #tpu.memory_space<hbm>>
      %dma_start3A_168 = arith.constant 1 : i32
      %dma_start3A_169 = arith.constant 0 : i32
      %dma_start3A_170 = tpu.memref_slice %arg6[%dma_start3A_168, %dma_start3A_169] : memref<2x128xi32, #tpu.memory_space<vmem>> -> memref<1x128xi32, #tpu.memory_space<vmem>>
      %dma_start3A_171 = arith.constant 0 : i32
      %dma_start3A_172 = tpu.memref_slice %arg3[%add3A_162, %dma_start3A_171] : memref<2664x128xi32, #tpu.memory_space<hbm>> -> memref<1x128xi32, #tpu.memory_space<hbm>>
      tpu.enqueue_dma source(%dma_start3A_172 : memref<1x128xi32, #tpu.memory_space<hbm>>) target(%dma_start3A_170 : memref<1x128xi32, #tpu.memory_space<vmem>>) target_semaphore(%arg14 : memref<!tpu.dma_semaphore, #tpu.memory_space<semaphore_mem>>)
      %add3A_173 = arith.constant 1 : i32
      %add3A_174 = arith.addi %mul3A_85, %add3A_173 : i32
      %dma_wait3A_175 = arith.constant 0 : i32
      %dma_wait3A_176 = tpu.memref_slice %arg7[%add3A_174, %dma_wait3A_175] : memref<128x128xi32, #tpu.memory_space<vmem>> -> memref<1x128xi32, #tpu.memory_space<vmem>>
      %dma_wait3A_177 = tpu.memref_squeeze %dma_wait3A_176 : memref<1x128xi32, #tpu.memory_space<vmem>> -> memref<128xi32, #tpu.memory_space<vmem>>
      %dma_wait3A_178 = arith.constant 0 : i32
      %dma_wait3A_179 = arith.constant 0 : i32
      %dma_wait3A_180 = tpu.memref_slice %arg10[%dma_wait3A_178, %dma_wait3A_179] : memref<10112x128xf32, #tpu.memory_space<vmem_shared>> -> memref<10112x128xf32, #tpu.memory_space<vmem_shared>>
      tpu.wait_indirect_dma semaphore(%arg16 : memref<!tpu.dma_semaphore, #tpu.memory_space<semaphore_mem>>) src(%arg9 : memref<128x128xf32, #tpu.memory_space<vmem>>) dst(%dma_wait3A_180 : memref<10112x128xf32, #tpu.memory_space<vmem_shared>>)
      %add3A_181 = arith.addi %add3A, %mul3A_85 : i32
      %add3A_182 = arith.constant 3 : i32
      %add3A_183 = arith.addi %add3A_181, %add3A_182 : i32
      %dma_wait3A_184 = arith.constant 1 : i32
      %dma_wait3A_185 = arith.constant 0 : i32
      %dma_wait3A_186 = tpu.memref_slice %arg6[%dma_wait3A_184, %dma_wait3A_185] : memref<2x128xi32, #tpu.memory_space<vmem>> -> memref<1x128xi32, #tpu.memory_space<vmem>>
      %dma_wait3A_187 = arith.constant 0 : i32
      %dma_wait3A_188 = tpu.memref_slice %arg3[%add3A_183, %dma_wait3A_187] : memref<2664x128xi32, #tpu.memory_space<hbm>> -> memref<1x128xi32, #tpu.memory_space<hbm>>
      %dma_wait3A_189 = arith.constant 1 : i32
      %dma_wait3A_190 = arith.constant 0 : i32
      %dma_wait3A_191 = tpu.memref_slice %arg6[%dma_wait3A_189, %dma_wait3A_190] : memref<2x128xi32, #tpu.memory_space<vmem>> -> memref<1x128xi32, #tpu.memory_space<vmem>>
      %dma_wait3A_192 = arith.constant 0 : i32
      %dma_wait3A_193 = tpu.memref_slice %arg3[%add3A_183, %dma_wait3A_192] : memref<2664x128xi32, #tpu.memory_space<hbm>> -> memref<1x128xi32, #tpu.memory_space<hbm>>
      tpu.wait_dma2 semaphore(%arg14 : memref<!tpu.dma_semaphore, #tpu.memory_space<semaphore_mem>>) src(%dma_wait3A_193 : memref<1x128xi32, #tpu.memory_space<hbm>>) dst(%dma_wait3A_191 : memref<1x128xi32, #tpu.memory_space<vmem>>)
    }
    %while3A_63 = arith.constant 1 : i32
    scf.for %while3A_81 = %while3A_61 to %while3A_57 step %while3A_63  : i32 {
      %mul3A_82 = arith.muli %while3A_81, %while3A : i32
      %add3A_83 = arith.addi %while3A_54, %mul3A_82 : i32
      %mul3A_84 = arith.constant 2 : i32
      %mul3A_85 = arith.muli %mul3A_84, %add3A_83 : i32
      %dma_wait3A_86 = arith.constant 0 : i32
      %dma_wait3A_87 = arith.constant 0 : i32
      %dma_wait3A_88 = tpu.memref_slice %arg6[%dma_wait3A_86, %dma_wait3A_87] : memref<2x128xi32, #tpu.memory_space<vmem>> -> memref<1x128xi32, #tpu.memory_space<vmem>>
      %dma_wait3A_89 = tpu.memref_squeeze %dma_wait3A_88 : memref<1x128xi32, #tpu.memory_space<vmem>> -> memref<128xi32, #tpu.memory_space<vmem>>
      %dma_wait3A_90 = arith.constant 0 : i32
      %dma_wait3A_91 = arith.constant 0 : i32
      %dma_wait3A_92 = tpu.memref_slice %arg2[%dma_wait3A_90, %dma_wait3A_91] : memref<10000x128xf32, #tpu.memory_space<hbm>> -> memref<10000x128xf32, #tpu.memory_space<hbm>>
      tpu.wait_indirect_dma semaphore(%arg11 : memref<!tpu.dma_semaphore, #tpu.memory_space<semaphore_mem>>) src(%dma_wait3A_92 : memref<10000x128xf32, #tpu.memory_space<hbm>>) dst(%arg8 : memref<128x128xf32, #tpu.memory_space<vmem>>)
      %dma_start3A_93 = arith.constant 1 : i32
      %dma_start3A_94 = arith.constant 0 : i32
      %dma_start3A_95 = tpu.memref_slice %arg6[%dma_start3A_93, %dma_start3A_94] : memref<2x128xi32, #tpu.memory_space<vmem>> -> memref<1x128xi32, #tpu.memory_space<vmem>>
      %dma_start3A_96 = tpu.memref_squeeze %dma_start3A_95 : memref<1x128xi32, #tpu.memory_space<vmem>> -> memref<128xi32, #tpu.memory_space<vmem>>
      %dma_start3A_97 = arith.constant 0 : i32
      %dma_start3A_98 = arith.constant 0 : i32
      %dma_start3A_99 = tpu.memref_slice %arg2[%dma_start3A_97, %dma_start3A_98] : memref<10000x128xf32, #tpu.memory_space<hbm>> -> memref<10000x128xf32, #tpu.memory_space<hbm>>
      tpu.enqueue_indirect_dma source(%dma_start3A_99 : memref<10000x128xf32, #tpu.memory_space<hbm>>) target(%arg9 : memref<128x128xf32, #tpu.memory_space<vmem>>) offsets(%dma_start3A_96 : memref<128xi32, #tpu.memory_space<vmem>>) semaphore(%arg12 : memref<!tpu.dma_semaphore, #tpu.memory_space<semaphore_mem>>)
      %add3A_100 = arith.addi %add3A, %mul3A_85 : i32
      %add3A_101 = arith.constant 2 : i32
      %add3A_102 = arith.addi %add3A_100, %add3A_101 : i32
      %dma_start3A_103 = arith.constant 0 : i32
      %dma_start3A_104 = arith.constant 0 : i32
      %dma_start3A_105 = tpu.memref_slice %arg6[%dma_start3A_103, %dma_start3A_104] : memref<2x128xi32, #tpu.memory_space<vmem>> -> memref<1x128xi32, #tpu.memory_space<vmem>>
      %dma_start3A_106 = arith.constant 0 : i32
      %dma_start3A_107 = tpu.memref_slice %arg3[%add3A_102, %dma_start3A_106] : memref<2664x128xi32, #tpu.memory_space<hbm>> -> memref<1x128xi32, #tpu.memory_space<hbm>>
      %dma_start3A_108 = arith.constant 0 : i32
      %dma_start3A_109 = arith.constant 0 : i32
      %dma_start3A_110 = tpu.memref_slice %arg6[%dma_start3A_108, %dma_start3A_109] : memref<2x128xi32, #tpu.memory_space<vmem>> -> memref<1x128xi32, #tpu.memory_space<vmem>>
      %dma_start3A_111 = arith.constant 0 : i32
      %dma_start3A_112 = tpu.memref_slice %arg3[%add3A_102, %dma_start3A_111] : memref<2664x128xi32, #tpu.memory_space<hbm>> -> memref<1x128xi32, #tpu.memory_space<hbm>>
      tpu.enqueue_dma source(%dma_start3A_112 : memref<1x128xi32, #tpu.memory_space<hbm>>) target(%dma_start3A_110 : memref<1x128xi32, #tpu.memory_space<vmem>>) target_semaphore(%arg13 : memref<!tpu.dma_semaphore, #tpu.memory_space<semaphore_mem>>)
      %dma_start3A_113 = arith.constant 0 : i32
      %dma_start3A_114 = tpu.memref_slice %arg7[%mul3A_85, %dma_start3A_113] : memref<128x128xi32, #tpu.memory_space<vmem>> -> memref<1x128xi32, #tpu.memory_space<vmem>>
      %dma_start3A_115 = tpu.memref_squeeze %dma_start3A_114 : memref<1x128xi32, #tpu.memory_space<vmem>> -> memref<128xi32, #tpu.memory_space<vmem>>
      %dma_start3A_116 = arith.constant 0 : i32
      %dma_start3A_117 = arith.constant 0 : i32
      %dma_start3A_118 = tpu.memref_slice %arg10[%dma_start3A_116, %dma_start3A_117] : memref<10112x128xf32, #tpu.memory_space<vmem_shared>> -> memref<10112x128xf32, #tpu.memory_space<vmem_shared>>
      tpu.enqueue_indirect_dma source(%arg8 : memref<128x128xf32, #tpu.memory_space<vmem>>) target(%dma_start3A_118 : memref<10112x128xf32, #tpu.memory_space<vmem_shared>>) offsets(%dma_start3A_115 : memref<128xi32, #tpu.memory_space<vmem>>) semaphore(%arg15 : memref<!tpu.dma_semaphore, #tpu.memory_space<semaphore_mem>>) {add = true}
      %dma_wait3A_119 = arith.constant 1 : i32
      %dma_wait3A_120 = arith.constant 0 : i32
      %dma_wait3A_121 = tpu.memref_slice %arg6[%dma_wait3A_119, %dma_wait3A_120] : memref<2x128xi32, #tpu.memory_space<vmem>> -> memref<1x128xi32, #tpu.memory_space<vmem>>
      %dma_wait3A_122 = tpu.memref_squeeze %dma_wait3A_121 : memref<1x128xi32, #tpu.memory_space<vmem>> -> memref<128xi32, #tpu.memory_space<vmem>>
      %dma_wait3A_123 = arith.constant 0 : i32
      %dma_wait3A_124 = arith.constant 0 : i32
      %dma_wait3A_125 = tpu.memref_slice %arg2[%dma_wait3A_123, %dma_wait3A_124] : memref<10000x128xf32, #tpu.memory_space<hbm>> -> memref<10000x128xf32, #tpu.memory_space<hbm>>
      tpu.wait_indirect_dma semaphore(%arg12 : memref<!tpu.dma_semaphore, #tpu.memory_space<semaphore_mem>>) src(%dma_wait3A_125 : memref<10000x128xf32, #tpu.memory_space<hbm>>) dst(%arg9 : memref<128x128xf32, #tpu.memory_space<vmem>>)
      %add3A_126 = arith.constant 1 : i32
      %add3A_127 = arith.addi %mul3A_85, %add3A_126 : i32
      %dma_start3A_128 = arith.constant 0 : i32
      %dma_start3A_129 = tpu.memref_slice %arg7[%add3A_127, %dma_start3A_128] : memref<128x128xi32, #tpu.memory_space<vmem>> -> memref<1x128xi32, #tpu.memory_space<vmem>>
      %dma_start3A_130 = tpu.memref_squeeze %dma_start3A_129 : memref<1x128xi32, #tpu.memory_space<vmem>> -> memref<128xi32, #tpu.memory_space<vmem>>
      %dma_start3A_131 = arith.constant 0 : i32
      %dma_start3A_132 = arith.constant 0 : i32
      %dma_start3A_133 = tpu.memref_slice %arg10[%dma_start3A_131, %dma_start3A_132] : memref<10112x128xf32, #tpu.memory_space<vmem_shared>> -> memref<10112x128xf32, #tpu.memory_space<vmem_shared>>
      tpu.enqueue_indirect_dma source(%arg9 : memref<128x128xf32, #tpu.memory_space<vmem>>) target(%dma_start3A_133 : memref<10112x128xf32, #tpu.memory_space<vmem_shared>>) offsets(%dma_start3A_130 : memref<128xi32, #tpu.memory_space<vmem>>) semaphore(%arg16 : memref<!tpu.dma_semaphore, #tpu.memory_space<semaphore_mem>>) {add = true}
      %add3A_134 = arith.addi %add3A, %mul3A_85 : i32
      %add3A_135 = arith.constant 2 : i32
      %add3A_136 = arith.addi %add3A_134, %add3A_135 : i32
      %dma_wait3A_137 = arith.constant 0 : i32
      %dma_wait3A_138 = arith.constant 0 : i32
      %dma_wait3A_139 = tpu.memref_slice %arg6[%dma_wait3A_137, %dma_wait3A_138] : memref<2x128xi32, #tpu.memory_space<vmem>> -> memref<1x128xi32, #tpu.memory_space<vmem>>
      %dma_wait3A_140 = arith.constant 0 : i32
      %dma_wait3A_141 = tpu.memref_slice %arg3[%add3A_136, %dma_wait3A_140] : memref<2664x128xi32, #tpu.memory_space<hbm>> -> memref<1x128xi32, #tpu.memory_space<hbm>>
      %dma_wait3A_142 = arith.constant 0 : i32
      %dma_wait3A_143 = arith.constant 0 : i32
      %dma_wait3A_144 = tpu.memref_slice %arg6[%dma_wait3A_142, %dma_wait3A_143] : memref<2x128xi32, #tpu.memory_space<vmem>> -> memref<1x128xi32, #tpu.memory_space<vmem>>
      %dma_wait3A_145 = arith.constant 0 : i32
      %dma_wait3A_146 = tpu.memref_slice %arg3[%add3A_136, %dma_wait3A_145] : memref<2664x128xi32, #tpu.memory_space<hbm>> -> memref<1x128xi32, #tpu.memory_space<hbm>>
      tpu.wait_dma2 semaphore(%arg13 : memref<!tpu.dma_semaphore, #tpu.memory_space<semaphore_mem>>) src(%dma_wait3A_146 : memref<1x128xi32, #tpu.memory_space<hbm>>) dst(%dma_wait3A_144 : memref<1x128xi32, #tpu.memory_space<vmem>>)
      %dma_wait3A_147 = arith.constant 0 : i32
      %dma_wait3A_148 = tpu.memref_slice %arg7[%mul3A_85, %dma_wait3A_147] : memref<128x128xi32, #tpu.memory_space<vmem>> -> memref<1x128xi32, #tpu.memory_space<vmem>>
      %dma_wait3A_149 = tpu.memref_squeeze %dma_wait3A_148 : memref<1x128xi32, #tpu.memory_space<vmem>> -> memref<128xi32, #tpu.memory_space<vmem>>
      %dma_wait3A_150 = arith.constant 0 : i32
      %dma_wait3A_151 = arith.constant 0 : i32
      %dma_wait3A_152 = tpu.memref_slice %arg10[%dma_wait3A_150, %dma_wait3A_151] : memref<10112x128xf32, #tpu.memory_space<vmem_shared>> -> memref<10112x128xf32, #tpu.memory_space<vmem_shared>>
      tpu.wait_indirect_dma semaphore(%arg15 : memref<!tpu.dma_semaphore, #tpu.memory_space<semaphore_mem>>) src(%arg8 : memref<128x128xf32, #tpu.memory_space<vmem>>) dst(%dma_wait3A_152 : memref<10112x128xf32, #tpu.memory_space<vmem_shared>>)
      %dma_start3A_153 = arith.constant 0 : i32
      %dma_start3A_154 = arith.constant 0 : i32
      %dma_start3A_155 = tpu.memref_slice %arg6[%dma_start3A_153, %dma_start3A_154] : memref<2x128xi32, #tpu.memory_space<vmem>> -> memref<1x128xi32, #tpu.memory_space<vmem>>
      %dma_start3A_156 = tpu.memref_squeeze %dma_start3A_155 : memref<1x128xi32, #tpu.memory_space<vmem>> -> memref<128xi32, #tpu.memory_space<vmem>>
      %dma_start3A_157 = arith.constant 0 : i32
      %dma_start3A_158 = arith.constant 0 : i32
      %dma_start3A_159 = tpu.memref_slice %arg2[%dma_start3A_157, %dma_start3A_158] : memref<10000x128xf32, #tpu.memory_space<hbm>> -> memref<10000x128xf32, #tpu.memory_space<hbm>>
      tpu.enqueue_indirect_dma source(%dma_start3A_159 : memref<10000x128xf32, #tpu.memory_space<hbm>>) target(%arg8 : memref<128x128xf32, #tpu.memory_space<vmem>>) offsets(%dma_start3A_156 : memref<128xi32, #tpu.memory_space<vmem>>) semaphore(%arg11 : memref<!tpu.dma_semaphore, #tpu.memory_space<semaphore_mem>>)
      %add3A_160 = arith.addi %add3A, %mul3A_85 : i32
      %add3A_161 = arith.constant 3 : i32
      %add3A_162 = arith.addi %add3A_160, %add3A_161 : i32
      %dma_start3A_163 = arith.constant 1 : i32
      %dma_start3A_164 = arith.constant 0 : i32
      %dma_start3A_165 = tpu.memref_slice %arg6[%dma_start3A_163, %dma_start3A_164] : memref<2x128xi32, #tpu.memory_space<vmem>> -> memref<1x128xi32, #tpu.memory_space<vmem>>
      %dma_start3A_166 = arith.constant 0 : i32
      %dma_start3A_167 = tpu.memref_slice %arg3[%add3A_162, %dma_start3A_166] : memref<2664x128xi32, #tpu.memory_space<hbm>> -> memref<1x128xi32, #tpu.memory_space<hbm>>
      %dma_start3A_168 = arith.constant 1 : i32
      %dma_start3A_169 = arith.constant 0 : i32
      %dma_start3A_170 = tpu.memref_slice %arg6[%dma_start3A_168, %dma_start3A_169] : memref<2x128xi32, #tpu.memory_space<vmem>> -> memref<1x128xi32, #tpu.memory_space<vmem>>
      %dma_start3A_171 = arith.constant 0 : i32
      %dma_start3A_172 = tpu.memref_slice %arg3[%add3A_162, %dma_start3A_171] : memref<2664x128xi32, #tpu.memory_space<hbm>> -> memref<1x128xi32, #tpu.memory_space<hbm>>
      tpu.enqueue_dma source(%dma_start3A_172 : memref<1x128xi32, #tpu.memory_space<hbm>>) target(%dma_start3A_170 : memref<1x128xi32, #tpu.memory_space<vmem>>) target_semaphore(%arg14 : memref<!tpu.dma_semaphore, #tpu.memory_space<semaphore_mem>>)
      %add3A_173 = arith.constant 1 : i32
      %add3A_174 = arith.addi %mul3A_85, %add3A_173 : i32
      %dma_wait3A_175 = arith.constant 0 : i32
      %dma_wait3A_176 = tpu.memref_slice %arg7[%add3A_174, %dma_wait3A_175] : memref<128x128xi32, #tpu.memory_space<vmem>> -> memref<1x128xi32, #tpu.memory_space<vmem>>
      %dma_wait3A_177 = tpu.memref_squeeze %dma_wait3A_176 : memref<1x128xi32, #tpu.memory_space<vmem>> -> memref<128xi32, #tpu.memory_space<vmem>>
      %dma_wait3A_178 = arith.constant 0 : i32
      %dma_wait3A_179 = arith.constant 0 : i32
      %dma_wait3A_180 = tpu.memref_slice %arg10[%dma_wait3A_178, %dma_wait3A_179] : memref<10112x128xf32, #tpu.memory_space<vmem_shared>> -> memref<10112x128xf32, #tpu.memory_space<vmem_shared>>
      tpu.wait_indirect_dma semaphore(%arg16 : memref<!tpu.dma_semaphore, #tpu.memory_space<semaphore_mem>>) src(%arg9 : memref<128x128xf32, #tpu.memory_space<vmem>>) dst(%dma_wait3A_180 : memref<10112x128xf32, #tpu.memory_space<vmem_shared>>)
      %add3A_181 = arith.addi %add3A, %mul3A_85 : i32
      %add3A_182 = arith.constant 3 : i32
      %add3A_183 = arith.addi %add3A_181, %add3A_182 : i32
      %dma_wait3A_184 = arith.constant 1 : i32
      %dma_wait3A_185 = arith.constant 0 : i32
      %dma_wait3A_186 = tpu.memref_slice %arg6[%dma_wait3A_184, %dma_wait3A_185] : memref<2x128xi32, #tpu.memory_space<vmem>> -> memref<1x128xi32, #tpu.memory_space<vmem>>
      %dma_wait3A_187 = arith.constant 0 : i32
      %dma_wait3A_188 = tpu.memref_slice %arg3[%add3A_183, %dma_wait3A_187] : memref<2664x128xi32, #tpu.memory_space<hbm>> -> memref<1x128xi32, #tpu.memory_space<hbm>>
      %dma_wait3A_189 = arith.constant 1 : i32
      %dma_wait3A_190 = arith.constant 0 : i32
      %dma_wait3A_191 = tpu.memref_slice %arg6[%dma_wait3A_189, %dma_wait3A_190] : memref<2x128xi32, #tpu.memory_space<vmem>> -> memref<1x128xi32, #tpu.memory_space<vmem>>
      %dma_wait3A_192 = arith.constant 0 : i32
      %dma_wait3A_193 = tpu.memref_slice %arg3[%add3A_183, %dma_wait3A_192] : memref<2664x128xi32, #tpu.memory_space<hbm>> -> memref<1x128xi32, #tpu.memory_space<hbm>>
      tpu.wait_dma2 semaphore(%arg14 : memref<!tpu.dma_semaphore, #tpu.memory_space<semaphore_mem>>) src(%dma_wait3A_193 : memref<1x128xi32, #tpu.memory_space<hbm>>) dst(%dma_wait3A_191 : memref<1x128xi32, #tpu.memory_space<vmem>>)
    }
    %dma_wait3A = arith.constant 0 : i32
    %dma_wait3A_64 = arith.constant 0 : i32
    %dma_wait3A_65 = tpu.memref_slice %arg6[%dma_wait3A, %dma_wait3A_64] : memref<2x128xi32, #tpu.memory_space<vmem>> -> memref<1x128xi32, #tpu.memory_space<vmem>>
    %dma_wait3A_66 = tpu.memref_squeeze %dma_wait3A_65 : memref<1x128xi32, #tpu.memory_space<vmem>> -> memref<128xi32, #tpu.memory_space<vmem>>
    %dma_wait3A_67 = arith.constant 0 : i32
    %dma_wait3A_68 = arith.constant 0 : i32
    %dma_wait3A_69 = tpu.memref_slice %arg2[%dma_wait3A_67, %dma_wait3A_68] : memref<10000x128xf32, #tpu.memory_space<hbm>> -> memref<10000x128xf32, #tpu.memory_space<hbm>>
    tpu.wait_indirect_dma semaphore(%arg11 : memref<!tpu.dma_semaphore, #tpu.memory_space<semaphore_mem>>) src(%dma_wait3A_69 : memref<10000x128xf32, #tpu.memory_space<hbm>>) dst(%arg8 : memref<128x128xf32, #tpu.memory_space<vmem>>)
    %barrier3A_70 = arith.constant 0 : index
    tpu.barrier barrier_id(%barrier3A_70)
    %add3A_71 = arith.constant 0 : i32
    %add3A_72 = arith.addi %mul3A_0, %add3A_71 : i32
    "tpu.region"() ({
      %run_scoped3A = tpu.sem_alloc : memref<!tpu.dma_semaphore, #tpu.memory_space<semaphore_mem>>
      %dma_start3A_81 = arith.constant 0 : i32
      %dma_start3A_82 = tpu.memref_slice %arg10[%add3A_72, %dma_start3A_81] : memref<10112x128xf32, #tpu.memory_space<vmem_shared>> -> memref<128x128xf32, #tpu.memory_space<vmem_shared>>
      %dma_start3A_83 = arith.constant 0 : i32
      %dma_start3A_84 = tpu.memref_slice %arg10[%add3A_72, %dma_start3A_83] : memref<10112x128xf32, #tpu.memory_space<vmem_shared>> -> memref<128x128xf32, #tpu.memory_space<vmem_shared>>
      tpu.enqueue_dma source(%dma_start3A_84 : memref<128x128xf32, #tpu.memory_space<vmem_shared>>) target(%arg8 : memref<128x128xf32, #tpu.memory_space<vmem>>) target_semaphore(%run_scoped3A : memref<!tpu.dma_semaphore, #tpu.memory_space<semaphore_mem>>)
      %dma_wait3A_85 = arith.constant 0 : i32
      %dma_wait3A_86 = tpu.memref_slice %arg10[%add3A_72, %dma_wait3A_85] : memref<10112x128xf32, #tpu.memory_space<vmem_shared>> -> memref<128x128xf32, #tpu.memory_space<vmem_shared>>
      %dma_wait3A_87 = arith.constant 0 : i32
      %dma_wait3A_88 = tpu.memref_slice %arg10[%add3A_72, %dma_wait3A_87] : memref<10112x128xf32, #tpu.memory_space<vmem_shared>> -> memref<128x128xf32, #tpu.memory_space<vmem_shared>>
      tpu.wait_dma2 semaphore(%run_scoped3A : memref<!tpu.dma_semaphore, #tpu.memory_space<semaphore_mem>>) src(%dma_wait3A_88 : memref<128x128xf32, #tpu.memory_space<vmem_shared>>) dst(%arg8 : memref<128x128xf32, #tpu.memory_space<vmem>>)
      tpu.yield
    }) : () -> ()
    "tpu.region"() ({
      %run_scoped3A = tpu.sem_alloc : memref<!tpu.dma_semaphore, #tpu.memory_space<semaphore_mem>>
      %dma_start3A_81 = arith.constant 0 : i32
      %dma_start3A_82 = tpu.memref_slice %arg5[%arg0, %add3A_72, %dma_start3A_81] : memref<2x10112x128xf32, #tpu.memory_space<hbm>> -> memref<1x128x128xf32, #tpu.memory_space<hbm>>
      %dma_start3A_83 = tpu.memref_squeeze %dma_start3A_82 : memref<1x128x128xf32, #tpu.memory_space<hbm>> -> memref<128x128xf32, #tpu.memory_space<hbm>>
      %dma_start3A_84 = arith.constant 0 : i32
      %dma_start3A_85 = tpu.memref_slice %arg5[%arg0, %add3A_72, %dma_start3A_84] : memref<2x10112x128xf32, #tpu.memory_space<hbm>> -> memref<1x128x128xf32, #tpu.memory_space<hbm>>
      %dma_start3A_86 = tpu.memref_squeeze %dma_start3A_85 : memref<1x128x128xf32, #tpu.memory_space<hbm>> -> memref<128x128xf32, #tpu.memory_space<hbm>>
      tpu.enqueue_dma source(%arg8 : memref<128x128xf32, #tpu.memory_space<vmem>>) target(%dma_start3A_86 : memref<128x128xf32, #tpu.memory_space<hbm>>) target_semaphore(%run_scoped3A : memref<!tpu.dma_semaphore, #tpu.memory_space<semaphore_mem>>)
      %dma_wait3A_87 = arith.constant 0 : i32
      %dma_wait3A_88 = tpu.memref_slice %arg5[%arg0, %add3A_72, %dma_wait3A_87] : memref<2x10112x128xf32, #tpu.memory_space<hbm>> -> memref<1x128x128xf32, #tpu.memory_space<hbm>>
      %dma_wait3A_89 = tpu.memref_squeeze %dma_wait3A_88 : memref<1x128x128xf32, #tpu.memory_space<hbm>> -> memref<128x128xf32, #tpu.memory_space<hbm>>
      %dma_wait3A_90 = arith.constant 0 : i32
      %dma_wait3A_91 = tpu.memref_slice %arg5[%arg0, %add3A_72, %dma_wait3A_90] : memref<2x10112x128xf32, #tpu.memory_space<hbm>> -> memref<1x128x128xf32, #tpu.memory_space<hbm>>
      %dma_wait3A_92 = tpu.memref_squeeze %dma_wait3A_91 : memref<1x128x128xf32, #tpu.memory_space<hbm>> -> memref<128x128xf32, #tpu.memory_space<hbm>>
      tpu.wait_dma2 semaphore(%run_scoped3A : memref<!tpu.dma_semaphore, #tpu.memory_space<semaphore_mem>>) src(%arg8 : memref<128x128xf32, #tpu.memory_space<vmem>>) dst(%dma_wait3A_92 : memref<128x128xf32, #tpu.memory_space<hbm>>)
      tpu.yield
    }) : () -> ()
    %add3A_73 = arith.constant 128 : i32
    %add3A_74 = arith.addi %mul3A_0, %add3A_73 : i32
    "tpu.region"() ({
      %run_scoped3A = tpu.sem_alloc : memref<!tpu.dma_semaphore, #tpu.memory_space<semaphore_mem>>
      %dma_start3A_81 = arith.constant 0 : i32
      %dma_start3A_82 = tpu.memref_slice %arg10[%add3A_74, %dma_start3A_81] : memref<10112x128xf32, #tpu.memory_space<vmem_shared>> -> memref<128x128xf32, #tpu.memory_space<vmem_shared>>
      %dma_start3A_83 = arith.constant 0 : i32
      %dma_start3A_84 = tpu.memref_slice %arg10[%add3A_74, %dma_start3A_83] : memref<10112x128xf32, #tpu.memory_space<vmem_shared>> -> memref<128x128xf32, #tpu.memory_space<vmem_shared>>
      tpu.enqueue_dma source(%dma_start3A_84 : memref<128x128xf32, #tpu.memory_space<vmem_shared>>) target(%arg8 : memref<128x128xf32, #tpu.memory_space<vmem>>) target_semaphore(%run_scoped3A : memref<!tpu.dma_semaphore, #tpu.memory_space<semaphore_mem>>)
      %dma_wait3A_85 = arith.constant 0 : i32
      %dma_wait3A_86 = tpu.memref_slice %arg10[%add3A_74, %dma_wait3A_85] : memref<10112x128xf32, #tpu.memory_space<vmem_shared>> -> memref<128x128xf32, #tpu.memory_space<vmem_shared>>
      %dma_wait3A_87 = arith.constant 0 : i32
      %dma_wait3A_88 = tpu.memref_slice %arg10[%add3A_74, %dma_wait3A_87] : memref<10112x128xf32, #tpu.memory_space<vmem_shared>> -> memref<128x128xf32, #tpu.memory_space<vmem_shared>>
      tpu.wait_dma2 semaphore(%run_scoped3A : memref<!tpu.dma_semaphore, #tpu.memory_space<semaphore_mem>>) src(%dma_wait3A_88 : memref<128x128xf32, #tpu.memory_space<vmem_shared>>) dst(%arg8 : memref<128x128xf32, #tpu.memory_space<vmem>>)
      tpu.yield
    }) : () -> ()
    "tpu.region"() ({
      %run_scoped3A = tpu.sem_alloc : memref<!tpu.dma_semaphore, #tpu.memory_space<semaphore_mem>>
      %dma_start3A_81 = arith.constant 0 : i32
      %dma_start3A_82 = tpu.memref_slice %arg5[%arg0, %add3A_74, %dma_start3A_81] : memref<2x10112x128xf32, #tpu.memory_space<hbm>> -> memref<1x128x128xf32, #tpu.memory_space<hbm>>
      %dma_start3A_83 = tpu.memref_squeeze %dma_start3A_82 : memref<1x128x128xf32, #tpu.memory_space<hbm>> -> memref<128x128xf32, #tpu.memory_space<hbm>>
      %dma_start3A_84 = arith.constant 0 : i32
      %dma_start3A_85 = tpu.memref_slice %arg5[%arg0, %add3A_74, %dma_start3A_84] : memref<2x10112x128xf32, #tpu.memory_space<hbm>> -> memref<1x128x128xf32, #tpu.memory_space<hbm>>
      %dma_start3A_86 = tpu.memref_squeeze %dma_start3A_85 : memref<1x128x128xf32, #tpu.memory_space<hbm>> -> memref<128x128xf32, #tpu.memory_space<hbm>>
      tpu.enqueue_dma source(%arg8 : memref<128x128xf32, #tpu.memory_space<vmem>>) target(%dma_start3A_86 : memref<128x128xf32, #tpu.memory_space<hbm>>) target_semaphore(%run_scoped3A : memref<!tpu.dma_semaphore, #tpu.memory_space<semaphore_mem>>)
      %dma_wait3A_87 = arith.constant 0 : i32
      %dma_wait3A_88 = tpu.memref_slice %arg5[%arg0, %add3A_74, %dma_wait3A_87] : memref<2x10112x128xf32, #tpu.memory_space<hbm>> -> memref<1x128x128xf32, #tpu.memory_space<hbm>>
      %dma_wait3A_89 = tpu.memref_squeeze %dma_wait3A_88 : memref<1x128x128xf32, #tpu.memory_space<hbm>> -> memref<128x128xf32, #tpu.memory_space<hbm>>
      %dma_wait3A_90 = arith.constant 0 : i32
      %dma_wait3A_91 = tpu.memref_slice %arg5[%arg0, %add3A_74, %dma_wait3A_90] : memref<2x10112x128xf32, #tpu.memory_space<hbm>> -> memref<1x128x128xf32, #tpu.memory_space<hbm>>
      %dma_wait3A_92 = tpu.memref_squeeze %dma_wait3A_91 : memref<1x128x128xf32, #tpu.memory_space<hbm>> -> memref<128x128xf32, #tpu.memory_space<hbm>>
      tpu.wait_dma2 semaphore(%run_scoped3A : memref<!tpu.dma_semaphore, #tpu.memory_space<semaphore_mem>>) src(%arg8 : memref<128x128xf32, #tpu.memory_space<vmem>>) dst(%dma_wait3A_92 : memref<128x128xf32, #tpu.memory_space<hbm>>)
      tpu.yield
    }) : () -> ()
    %add3A_75 = arith.constant 256 : i32
    %add3A_76 = arith.addi %mul3A_0, %add3A_75 : i32
    "tpu.region"() ({
      %run_scoped3A = tpu.sem_alloc : memref<!tpu.dma_semaphore, #tpu.memory_space<semaphore_mem>>
      %dma_start3A_81 = arith.constant 0 : i32
      %dma_start3A_82 = tpu.memref_slice %arg10[%add3A_76, %dma_start3A_81] : memref<10112x128xf32, #tpu.memory_space<vmem_shared>> -> memref<128x128xf32, #tpu.memory_space<vmem_shared>>
      %dma_start3A_83 = arith.constant 0 : i32
      %dma_start3A_84 = tpu.memref_slice %arg10[%add3A_76, %dma_start3A_83] : memref<10112x128xf32, #tpu.memory_space<vmem_shared>> -> memref<128x128xf32, #tpu.memory_space<vmem_shared>>
      tpu.enqueue_dma source(%dma_start3A_84 : memref<128x128xf32, #tpu.memory_space<vmem_shared>>) target(%arg8 : memref<128x128xf32, #tpu.memory_space<vmem>>) target_semaphore(%run_scoped3A : memref<!tpu.dma_semaphore, #tpu.memory_space<semaphore_mem>>)
      %dma_wait3A_85 = arith.constant 0 : i32
      %dma_wait3A_86 = tpu.memref_slice %arg10[%add3A_76, %dma_wait3A_85] : memref<10112x128xf32, #tpu.memory_space<vmem_shared>> -> memref<128x128xf32, #tpu.memory_space<vmem_shared>>
      %dma_wait3A_87 = arith.constant 0 : i32
      %dma_wait3A_88 = tpu.memref_slice %arg10[%add3A_76, %dma_wait3A_87] : memref<10112x128xf32, #tpu.memory_space<vmem_shared>> -> memref<128x128xf32, #tpu.memory_space<vmem_shared>>
      tpu.wait_dma2 semaphore(%run_scoped3A : memref<!tpu.dma_semaphore, #tpu.memory_space<semaphore_mem>>) src(%dma_wait3A_88 : memref<128x128xf32, #tpu.memory_space<vmem_shared>>) dst(%arg8 : memref<128x128xf32, #tpu.memory_space<vmem>>)
      tpu.yield
    }) : () -> ()
    "tpu.region"() ({
      %run_scoped3A = tpu.sem_alloc : memref<!tpu.dma_semaphore, #tpu.memory_space<semaphore_mem>>
      %dma_start3A_81 = arith.constant 0 : i32
      %dma_start3A_82 = tpu.memref_slice %arg5[%arg0, %add3A_76, %dma_start3A_81] : memref<2x10112x128xf32, #tpu.memory_space<hbm>> -> memref<1x128x128xf32, #tpu.memory_space<hbm>>
      %dma_start3A_83 = tpu.memref_squeeze %dma_start3A_82 : memref<1x128x128xf32, #tpu.memory_space<hbm>> -> memref<128x128xf32, #tpu.memory_space<hbm>>
      %dma_start3A_84 = arith.constant 0 : i32
      %dma_start3A_85 = tpu.memref_slice %arg5[%arg0, %add3A_76, %dma_start3A_84] : memref<2x10112x128xf32, #tpu.memory_space<hbm>> -> memref<1x128x128xf32, #tpu.memory_space<hbm>>
      %dma_start3A_86 = tpu.memref_squeeze %dma_start3A_85 : memref<1x128x128xf32, #tpu.memory_space<hbm>> -> memref<128x128xf32, #tpu.memory_space<hbm>>
      tpu.enqueue_dma source(%arg8 : memref<128x128xf32, #tpu.memory_space<vmem>>) target(%dma_start3A_86 : memref<128x128xf32, #tpu.memory_space<hbm>>) target_semaphore(%run_scoped3A : memref<!tpu.dma_semaphore, #tpu.memory_space<semaphore_mem>>)
      %dma_wait3A_87 = arith.constant 0 : i32
      %dma_wait3A_88 = tpu.memref_slice %arg5[%arg0, %add3A_76, %dma_wait3A_87] : memref<2x10112x128xf32, #tpu.memory_space<hbm>> -> memref<1x128x128xf32, #tpu.memory_space<hbm>>
      %dma_wait3A_89 = tpu.memref_squeeze %dma_wait3A_88 : memref<1x128x128xf32, #tpu.memory_space<hbm>> -> memref<128x128xf32, #tpu.memory_space<hbm>>
      %dma_wait3A_90 = arith.constant 0 : i32
      %dma_wait3A_91 = tpu.memref_slice %arg5[%arg0, %add3A_76, %dma_wait3A_90] : memref<2x10112x128xf32, #tpu.memory_space<hbm>> -> memref<1x128x128xf32, #tpu.memory_space<hbm>>
      %dma_wait3A_92 = tpu.memref_squeeze %dma_wait3A_91 : memref<1x128x128xf32, #tpu.memory_space<hbm>> -> memref<128x128xf32, #tpu.memory_space<hbm>>
      tpu.wait_dma2 semaphore(%run_scoped3A : memref<!tpu.dma_semaphore, #tpu.memory_space<semaphore_mem>>) src(%arg8 : memref<128x128xf32, #tpu.memory_space<vmem>>) dst(%dma_wait3A_92 : memref<128x128xf32, #tpu.memory_space<hbm>>)
      tpu.yield
    }) : () -> ()
    %add3A_77 = arith.constant 384 : i32
    %add3A_78 = arith.addi %mul3A_0, %add3A_77 : i32
    "tpu.region"() ({
      %run_scoped3A = tpu.sem_alloc : memref<!tpu.dma_semaphore, #tpu.memory_space<semaphore_mem>>
      %dma_start3A_81 = arith.constant 0 : i32
      %dma_start3A_82 = tpu.memref_slice %arg10[%add3A_78, %dma_start3A_81] : memref<10112x128xf32, #tpu.memory_space<vmem_shared>> -> memref<128x128xf32, #tpu.memory_space<vmem_shared>>
      %dma_start3A_83 = arith.constant 0 : i32
      %dma_start3A_84 = tpu.memref_slice %arg10[%add3A_78, %dma_start3A_83] : memref<10112x128xf32, #tpu.memory_space<vmem_shared>> -> memref<128x128xf32, #tpu.memory_space<vmem_shared>>
      tpu.enqueue_dma source(%dma_start3A_84 : memref<128x128xf32, #tpu.memory_space<vmem_shared>>) target(%arg8 : memref<128x128xf32, #tpu.memory_space<vmem>>) target_semaphore(%run_scoped3A : memref<!tpu.dma_semaphore, #tpu.memory_space<semaphore_mem>>)
      %dma_wait3A_85 = arith.constant 0 : i32
      %dma_wait3A_86 = tpu.memref_slice %arg10[%add3A_78, %dma_wait3A_85] : memref<10112x128xf32, #tpu.memory_space<vmem_shared>> -> memref<128x128xf32, #tpu.memory_space<vmem_shared>>
      %dma_wait3A_87 = arith.constant 0 : i32
      %dma_wait3A_88 = tpu.memref_slice %arg10[%add3A_78, %dma_wait3A_87] : memref<10112x128xf32, #tpu.memory_space<vmem_shared>> -> memref<128x128xf32, #tpu.memory_space<vmem_shared>>
      tpu.wait_dma2 semaphore(%run_scoped3A : memref<!tpu.dma_semaphore, #tpu.memory_space<semaphore_mem>>) src(%dma_wait3A_88 : memref<128x128xf32, #tpu.memory_space<vmem_shared>>) dst(%arg8 : memref<128x128xf32, #tpu.memory_space<vmem>>)
      tpu.yield
    }) : () -> ()
    "tpu.region"() ({
      %run_scoped3A = tpu.sem_alloc : memref<!tpu.dma_semaphore, #tpu.memory_space<semaphore_mem>>
      %dma_start3A_81 = arith.constant 0 : i32
      %dma_start3A_82 = tpu.memref_slice %arg5[%arg0, %add3A_78, %dma_start3A_81] : memref<2x10112x128xf32, #tpu.memory_space<hbm>> -> memref<1x128x128xf32, #tpu.memory_space<hbm>>
      %dma_start3A_83 = tpu.memref_squeeze %dma_start3A_82 : memref<1x128x128xf32, #tpu.memory_space<hbm>> -> memref<128x128xf32, #tpu.memory_space<hbm>>
      %dma_start3A_84 = arith.constant 0 : i32
      %dma_start3A_85 = tpu.memref_slice %arg5[%arg0, %add3A_78, %dma_start3A_84] : memref<2x10112x128xf32, #tpu.memory_space<hbm>> -> memref<1x128x128xf32, #tpu.memory_space<hbm>>
      %dma_start3A_86 = tpu.memref_squeeze %dma_start3A_85 : memref<1x128x128xf32, #tpu.memory_space<hbm>> -> memref<128x128xf32, #tpu.memory_space<hbm>>
      tpu.enqueue_dma source(%arg8 : memref<128x128xf32, #tpu.memory_space<vmem>>) target(%dma_start3A_86 : memref<128x128xf32, #tpu.memory_space<hbm>>) target_semaphore(%run_scoped3A : memref<!tpu.dma_semaphore, #tpu.memory_space<semaphore_mem>>)
      %dma_wait3A_87 = arith.constant 0 : i32
      %dma_wait3A_88 = tpu.memref_slice %arg5[%arg0, %add3A_78, %dma_wait3A_87] : memref<2x10112x128xf32, #tpu.memory_space<hbm>> -> memref<1x128x128xf32, #tpu.memory_space<hbm>>
      %dma_wait3A_89 = tpu.memref_squeeze %dma_wait3A_88 : memref<1x128x128xf32, #tpu.memory_space<hbm>> -> memref<128x128xf32, #tpu.memory_space<hbm>>
      %dma_wait3A_90 = arith.constant 0 : i32
      %dma_wait3A_91 = tpu.memref_slice %arg5[%arg0, %add3A_78, %dma_wait3A_90] : memref<2x10112x128xf32, #tpu.memory_space<hbm>> -> memref<1x128x128xf32, #tpu.memory_space<hbm>>
      %dma_wait3A_92 = tpu.memref_squeeze %dma_wait3A_91 : memref<1x128x128xf32, #tpu.memory_space<hbm>> -> memref<128x128xf32, #tpu.memory_space<hbm>>
      tpu.wait_dma2 semaphore(%run_scoped3A : memref<!tpu.dma_semaphore, #tpu.memory_space<semaphore_mem>>) src(%arg8 : memref<128x128xf32, #tpu.memory_space<vmem>>) dst(%dma_wait3A_92 : memref<128x128xf32, #tpu.memory_space<hbm>>)
      tpu.yield
    }) : () -> ()
    %add3A_79 = arith.constant 512 : i32
    %add3A_80 = arith.addi %mul3A_0, %add3A_79 : i32
    "tpu.region"() ({
      %run_scoped3A = tpu.sem_alloc : memref<!tpu.dma_semaphore, #tpu.memory_space<semaphore_mem>>
      %dma_start3A_81 = arith.constant 0 : i32
      %dma_start3A_82 = arith.constant 0 : i32
      %dma_start3A_83 = tpu.memref_slice %arg8[%dma_start3A_81, %dma_start3A_82] : memref<128x128xf32, #tpu.memory_space<vmem>> -> memref<120x128xf32, #tpu.memory_space<vmem>>
      %dma_start3A_84 = arith.constant 0 : i32
      %dma_start3A_85 = tpu.memref_slice %arg10[%add3A_80, %dma_start3A_84] : memref<10112x128xf32, #tpu.memory_space<vmem_shared>> -> memref<120x128xf32, #tpu.memory_space<vmem_shared>>
      %dma_start3A_86 = arith.constant 0 : i32
      %dma_start3A_87 = arith.constant 0 : i32
      %dma_start3A_88 = tpu.memref_slice %arg8[%dma_start3A_86, %dma_start3A_87] : memref<128x128xf32, #tpu.memory_space<vmem>> -> memref<120x128xf32, #tpu.memory_space<vmem>>
      %dma_start3A_89 = arith.constant 0 : i32
      %dma_start3A_90 = tpu.memref_slice %arg10[%add3A_80, %dma_start3A_89] : memref<10112x128xf32, #tpu.memory_space<vmem_shared>> -> memref<120x128xf32, #tpu.memory_space<vmem_shared>>
      tpu.enqueue_dma source(%dma_start3A_90 : memref<120x128xf32, #tpu.memory_space<vmem_shared>>) target(%dma_start3A_88 : memref<120x128xf32, #tpu.memory_space<vmem>>) target_semaphore(%run_scoped3A : memref<!tpu.dma_semaphore, #tpu.memory_space<semaphore_mem>>)
      %dma_wait3A_91 = arith.constant 0 : i32
      %dma_wait3A_92 = arith.constant 0 : i32
      %dma_wait3A_93 = tpu.memref_slice %arg8[%dma_wait3A_91, %dma_wait3A_92] : memref<128x128xf32, #tpu.memory_space<vmem>> -> memref<120x128xf32, #tpu.memory_space<vmem>>
      %dma_wait3A_94 = arith.constant 0 : i32
      %dma_wait3A_95 = tpu.memref_slice %arg10[%add3A_80, %dma_wait3A_94] : memref<10112x128xf32, #tpu.memory_space<vmem_shared>> -> memref<120x128xf32, #tpu.memory_space<vmem_shared>>
      %dma_wait3A_96 = arith.constant 0 : i32
      %dma_wait3A_97 = arith.constant 0 : i32
      %dma_wait3A_98 = tpu.memref_slice %arg8[%dma_wait3A_96, %dma_wait3A_97] : memref<128x128xf32, #tpu.memory_space<vmem>> -> memref<120x128xf32, #tpu.memory_space<vmem>>
      %dma_wait3A_99 = arith.constant 0 : i32
      %dma_wait3A_100 = tpu.memref_slice %arg10[%add3A_80, %dma_wait3A_99] : memref<10112x128xf32, #tpu.memory_space<vmem_shared>> -> memref<120x128xf32, #tpu.memory_space<vmem_shared>>
      tpu.wait_dma2 semaphore(%run_scoped3A : memref<!tpu.dma_semaphore, #tpu.memory_space<semaphore_mem>>) src(%dma_wait3A_100 : memref<120x128xf32, #tpu.memory_space<vmem_shared>>) dst(%dma_wait3A_98 : memref<120x128xf32, #tpu.memory_space<vmem>>)
      tpu.yield
    }) : () -> ()
    "tpu.region"() ({
      %run_scoped3A = tpu.sem_alloc : memref<!tpu.dma_semaphore, #tpu.memory_space<semaphore_mem>>
      %dma_start3A_81 = arith.constant 0 : i32
      %dma_start3A_82 = arith.constant 0 : i32
      %dma_start3A_83 = tpu.memref_slice %arg8[%dma_start3A_81, %dma_start3A_82] : memref<128x128xf32, #tpu.memory_space<vmem>> -> memref<120x128xf32, #tpu.memory_space<vmem>>
      %dma_start3A_84 = arith.constant 0 : i32
      %dma_start3A_85 = tpu.memref_slice %arg5[%arg0, %add3A_80, %dma_start3A_84] : memref<2x10112x128xf32, #tpu.memory_space<hbm>> -> memref<1x120x128xf32, #tpu.memory_space<hbm>>
      %dma_start3A_86 = tpu.memref_squeeze %dma_start3A_85 : memref<1x120x128xf32, #tpu.memory_space<hbm>> -> memref<120x128xf32, #tpu.memory_space<hbm>>
      %dma_start3A_87 = arith.constant 0 : i32
      %dma_start3A_88 = tpu.memref_slice %arg5[%arg0, %add3A_80, %dma_start3A_87] : memref<2x10112x128xf32, #tpu.memory_space<hbm>> -> memref<1x120x128xf32, #tpu.memory_space<hbm>>
      %dma_start3A_89 = tpu.memref_squeeze %dma_start3A_88 : memref<1x120x128xf32, #tpu.memory_space<hbm>> -> memref<120x128xf32, #tpu.memory_space<hbm>>
      %dma_start3A_90 = arith.constant 0 : i32
      %dma_start3A_91 = arith.constant 0 : i32
      %dma_start3A_92 = tpu.memref_slice %arg8[%dma_start3A_90, %dma_start3A_91] : memref<128x128xf32, #tpu.memory_space<vmem>> -> memref<120x128xf32, #tpu.memory_space<vmem>>
      tpu.enqueue_dma source(%dma_start3A_92 : memref<120x128xf32, #tpu.memory_space<vmem>>) target(%dma_start3A_89 : memref<120x128xf32, #tpu.memory_space<hbm>>) target_semaphore(%run_scoped3A : memref<!tpu.dma_semaphore, #tpu.memory_space<semaphore_mem>>)
      %dma_wait3A_93 = arith.constant 0 : i32
      %dma_wait3A_94 = arith.constant 0 : i32
      %dma_wait3A_95 = tpu.memref_slice %arg8[%dma_wait3A_93, %dma_wait3A_94] : memref<128x128xf32, #tpu.memory_space<vmem>> -> memref<120x128xf32, #tpu.memory_space<vmem>>
      %dma_wait3A_96 = arith.constant 0 : i32
      %dma_wait3A_97 = tpu.memref_slice %arg5[%arg0, %add3A_80, %dma_wait3A_96] : memref<2x10112x128xf32, #tpu.memory_space<hbm>> -> memref<1x120x128xf32, #tpu.memory_space<hbm>>
      %dma_wait3A_98 = tpu.memref_squeeze %dma_wait3A_97 : memref<1x120x128xf32, #tpu.memory_space<hbm>> -> memref<120x128xf32, #tpu.memory_space<hbm>>
      %dma_wait3A_99 = arith.constant 0 : i32
      %dma_wait3A_100 = tpu.memref_slice %arg5[%arg0, %add3A_80, %dma_wait3A_99] : memref<2x10112x128xf32, #tpu.memory_space<hbm>> -> memref<1x120x128xf32, #tpu.memory_space<hbm>>
      %dma_wait3A_101 = tpu.memref_squeeze %dma_wait3A_100 : memref<1x120x128xf32, #tpu.memory_space<hbm>> -> memref<120x128xf32, #tpu.memory_space<hbm>>
      %dma_wait3A_102 = arith.constant 0 : i32
      %dma_wait3A_103 = arith.constant 0 : i32
      %dma_wait3A_104 = tpu.memref_slice %arg8[%dma_wait3A_102, %dma_wait3A_103] : memref<128x128xf32, #tpu.memory_space<vmem>> -> memref<120x128xf32, #tpu.memory_space<vmem>>
      tpu.wait_dma2 semaphore(%run_scoped3A : memref<!tpu.dma_semaphore, #tpu.memory_space<semaphore_mem>>) src(%dma_wait3A_104 : memref<120x128xf32, #tpu.memory_space<vmem>>) dst(%dma_wait3A_101 : memref<120x128xf32, #tpu.memory_space<hbm>>)
      tpu.yield
    }) : () -> ()
    return
  }
}

#map = affine_map<(d0, d1) -> (0, 0)>
#map1 = affine_map<(d0, d1) -> (0)>
module attributes {stable_mosaic.version = 14 : i64} {
  func.func @_deg_kernel(%arg0: i32, %arg1: i32, %arg2: memref<2664x128xi32, #tpu.memory_space<hbm>>, %arg3: memref<20224xf32, #tpu.memory_space<hbm>>, %arg4: memref<80x128xi32, #tpu.memory_space<vmem>>, %arg5: memref<128xf32, #tpu.memory_space<vmem>>, %arg6: memref<640xf32, #tpu.memory_space<vmem>>, %arg7: memref<10112xf32, #tpu.memory_space<vmem_shared>>, %arg8: memref<!tpu.dma_semaphore, #tpu.memory_space<semaphore_mem>>) attributes {dimension_semantics = [#tpu.dimension_semantics<core_parallel>, #tpu.dimension_semantics<subcore_parallel>], iteration_bounds = array<i64: 2, 16>, scalar_prefetch = 0 : i64, scratch_operands = 5 : i64, tpu.core_type = #tpu.core_type<sc_vector_subcore>, window_params = [{transform_indices = #map}, {transform_indices = #map1}]} {
    %mul3A = arith.constant 16 : i32
    %mul3A_0 = arith.muli %arg0, %mul3A : i32
    %add3A = arith.addi %mul3A_0, %arg1 : i32
    %scan3A = arith.constant 0 : i32
    %scan3A_1 = arith.constant 40 : i32
    %scan3A_2 = arith.addi %scan3A, %scan3A_1 : i32
    %scan3A_3 = arith.constant 1 : i32
    scf.for %scan3A_27 = %scan3A to %scan3A_2 step %scan3A_3  : i32 {
      %mul3A_28 = arith.constant 1 : i32
      %mul3A_29 = arith.muli %scan3A_27, %mul3A_28 : i32
      %add3A_30 = arith.constant 0 : i32
      %add3A_31 = arith.addi %add3A_30, %mul3A_29 : i32
      %broadcast_in_dim3A = arith.constant 0.000000e+00 : f32
      %broadcast_in_dim3A_32 = vector.broadcast %broadcast_in_dim3A : f32 to vector<16xf32>
      %mul3A_33 = arith.constant 16 : i32
      %mul3A_34 = arith.muli %add3A_31, %mul3A_33 : i32
      %swap3A = arith.index_cast %mul3A_34 : i32 to index
      %swap3A_35 = tpu.vector_load %arg6[%swap3A] {strides = array<i32>} : memref<640xf32, #tpu.memory_space<vmem>>, vector<16xf32>,
      %swap3A_36 = vector.shape_cast %swap3A_35 : vector<16xf32> to vector<16xf32>
      %swap3A_37 = vector.shape_cast %broadcast_in_dim3A_32 : vector<16xf32> to vector<16xf32>
      tpu.vector_store %arg6[%swap3A], %swap3A_37 {strides = array<i32>} : memref<640xf32, #tpu.memory_space<vmem>>, vector<16xf32>,
    }
    %scan3A_4 = arith.constant 40 : i32
    %scan3A_5 = arith.constant 0 : i32
    %scan3A_6 = arith.constant 8 : i32
    %scan3A_7 = arith.addi %scan3A_5, %scan3A_6 : i32
    %scan3A_8 = arith.constant 1 : i32
    scf.for %scan3A_27 = %scan3A_5 to %scan3A_7 step %scan3A_8  : i32 {
      %mul3A_28 = arith.constant 1 : i32
      %mul3A_29 = arith.muli %scan3A_27, %mul3A_28 : i32
      %add3A_30 = arith.constant 0 : i32
      %add3A_31 = arith.addi %add3A_30, %mul3A_29 : i32
      %broadcast_in_dim3A = arith.constant 1.000000e+00 : f32
      %broadcast_in_dim3A_32 = vector.broadcast %broadcast_in_dim3A : f32 to vector<16xf32>
      %mul3A_33 = arith.constant 16 : i32
      %mul3A_34 = arith.muli %add3A_31, %mul3A_33 : i32
      %swap3A = arith.index_cast %mul3A_34 : i32 to index
      %swap3A_35 = tpu.vector_load %arg5[%swap3A] {strides = array<i32>} : memref<128xf32, #tpu.memory_space<vmem>>, vector<16xf32>,
      %swap3A_36 = vector.shape_cast %swap3A_35 : vector<16xf32> to vector<16xf32>
      %swap3A_37 = vector.shape_cast %broadcast_in_dim3A_32 : vector<16xf32> to vector<16xf32>
      tpu.vector_store %arg5[%swap3A], %swap3A_37 {strides = array<i32>} : memref<128xf32, #tpu.memory_space<vmem>>, vector<16xf32>,
    }
    %scan3A_9 = arith.constant 8 : i32
    %mul3A_10 = arith.constant 632 : i32
    %mul3A_11 = arith.muli %arg1, %mul3A_10 : i32
    "tpu.region"() ({
      %run_scoped3A = tpu.sem_alloc : memref<!tpu.dma_semaphore, #tpu.memory_space<semaphore_mem>>
      %dma_start3A = arith.constant 0 : i32
      %dma_start3A_27 = tpu.memref_slice %arg6[%dma_start3A] : memref<640xf32, #tpu.memory_space<vmem>> -> memref<632xf32, #tpu.memory_space<vmem>>
      %dma_start3A_28 = tpu.memref_slice %arg7[%mul3A_11] : memref<10112xf32, #tpu.memory_space<vmem_shared>> -> memref<632xf32, #tpu.memory_space<vmem_shared>>
      %dma_start3A_29 = tpu.memref_slice %arg7[%mul3A_11] : memref<10112xf32, #tpu.memory_space<vmem_shared>> -> memref<632xf32, #tpu.memory_space<vmem_shared>>
      %dma_start3A_30 = arith.constant 0 : i32
      %dma_start3A_31 = tpu.memref_slice %arg6[%dma_start3A_30] : memref<640xf32, #tpu.memory_space<vmem>> -> memref<632xf32, #tpu.memory_space<vmem>>
      tpu.enqueue_dma source(%dma_start3A_31 : memref<632xf32, #tpu.memory_space<vmem>>) target(%dma_start3A_29 : memref<632xf32, #tpu.memory_space<vmem_shared>>) target_semaphore(%run_scoped3A : memref<!tpu.dma_semaphore, #tpu.memory_space<semaphore_mem>>)
      %dma_wait3A = arith.constant 0 : i32
      %dma_wait3A_32 = tpu.memref_slice %arg6[%dma_wait3A] : memref<640xf32, #tpu.memory_space<vmem>> -> memref<632xf32, #tpu.memory_space<vmem>>
      %dma_wait3A_33 = tpu.memref_slice %arg7[%mul3A_11] : memref<10112xf32, #tpu.memory_space<vmem_shared>> -> memref<632xf32, #tpu.memory_space<vmem_shared>>
      %dma_wait3A_34 = tpu.memref_slice %arg7[%mul3A_11] : memref<10112xf32, #tpu.memory_space<vmem_shared>> -> memref<632xf32, #tpu.memory_space<vmem_shared>>
      %dma_wait3A_35 = arith.constant 0 : i32
      %dma_wait3A_36 = tpu.memref_slice %arg6[%dma_wait3A_35] : memref<640xf32, #tpu.memory_space<vmem>> -> memref<632xf32, #tpu.memory_space<vmem>>
      tpu.wait_dma2 semaphore(%run_scoped3A : memref<!tpu.dma_semaphore, #tpu.memory_space<semaphore_mem>>) src(%dma_wait3A_36 : memref<632xf32, #tpu.memory_space<vmem>>) dst(%dma_wait3A_34 : memref<632xf32, #tpu.memory_space<vmem_shared>>)
      tpu.yield
    }) : () -> ()
    %barrier3A = arith.constant 0 : index
    tpu.barrier barrier_id(%barrier3A)
    %mul3A_12 = arith.constant 80 : i32
    %mul3A_13 = arith.muli %add3A, %mul3A_12 : i32
    "tpu.region"() ({
      %run_scoped3A = tpu.sem_alloc : memref<!tpu.dma_semaphore, #tpu.memory_space<semaphore_mem>>
      %dma_start3A = arith.constant 0 : i32
      %dma_start3A_27 = tpu.memref_slice %arg2[%mul3A_13, %dma_start3A] : memref<2664x128xi32, #tpu.memory_space<hbm>> -> memref<80x128xi32, #tpu.memory_space<hbm>>
      %dma_start3A_28 = arith.constant 0 : i32
      %dma_start3A_29 = tpu.memref_slice %arg2[%mul3A_13, %dma_start3A_28] : memref<2664x128xi32, #tpu.memory_space<hbm>> -> memref<80x128xi32, #tpu.memory_space<hbm>>
      tpu.enqueue_dma source(%dma_start3A_29 : memref<80x128xi32, #tpu.memory_space<hbm>>) target(%arg4 : memref<80x128xi32, #tpu.memory_space<vmem>>) target_semaphore(%run_scoped3A : memref<!tpu.dma_semaphore, #tpu.memory_space<semaphore_mem>>)
      %dma_wait3A = arith.constant 0 : i32
      %dma_wait3A_30 = tpu.memref_slice %arg2[%mul3A_13, %dma_wait3A] : memref<2664x128xi32, #tpu.memory_space<hbm>> -> memref<80x128xi32, #tpu.memory_space<hbm>>
      %dma_wait3A_31 = arith.constant 0 : i32
      %dma_wait3A_32 = tpu.memref_slice %arg2[%mul3A_13, %dma_wait3A_31] : memref<2664x128xi32, #tpu.memory_space<hbm>> -> memref<80x128xi32, #tpu.memory_space<hbm>>
      tpu.wait_dma2 semaphore(%run_scoped3A : memref<!tpu.dma_semaphore, #tpu.memory_space<semaphore_mem>>) src(%dma_wait3A_32 : memref<80x128xi32, #tpu.memory_space<hbm>>) dst(%arg4 : memref<80x128xi32, #tpu.memory_space<vmem>>)
      tpu.yield
    }) : () -> ()
    %scan3A_14 = arith.constant 0 : i32
    %scan3A_15 = arith.constant 80 : i32
    %scan3A_16 = arith.addi %scan3A_14, %scan3A_15 : i32
    %scan3A_17 = arith.constant 1 : i32
    scf.for %scan3A_27 = %scan3A_14 to %scan3A_16 step %scan3A_17  : i32 {
      %mul3A_28 = arith.constant 1 : i32
      %mul3A_29 = arith.muli %scan3A_27, %mul3A_28 : i32
      %add3A_30 = arith.constant 0 : i32
      %add3A_31 = arith.addi %add3A_30, %mul3A_29 : i32
      "tpu.region"() ({
        %run_scoped3A = tpu.sem_alloc : memref<!tpu.dma_semaphore, #tpu.memory_space<semaphore_mem>>
        %dma_start3A = arith.constant 0 : i32
        %dma_start3A_32 = tpu.memref_slice %arg4[%add3A_31, %dma_start3A] : memref<80x128xi32, #tpu.memory_space<vmem>> -> memref<1x128xi32, #tpu.memory_space<vmem>>
        %dma_start3A_33 = tpu.memref_squeeze %dma_start3A_32 : memref<1x128xi32, #tpu.memory_space<vmem>> -> memref<128xi32, #tpu.memory_space<vmem>>
        %dma_start3A_34 = arith.constant 0 : i32
        %dma_start3A_35 = tpu.memref_slice %arg7[%dma_start3A_34] : memref<10112xf32, #tpu.memory_space<vmem_shared>> -> memref<10112xf32, #tpu.memory_space<vmem_shared>>
        tpu.enqueue_indirect_dma source(%arg5 : memref<128xf32, #tpu.memory_space<vmem>>) target(%dma_start3A_35 : memref<10112xf32, #tpu.memory_space<vmem_shared>>) offsets(%dma_start3A_33 : memref<128xi32, #tpu.memory_space<vmem>>) semaphore(%run_scoped3A : memref<!tpu.dma_semaphore, #tpu.memory_space<semaphore_mem>>) {add = true}
        %dma_wait3A = arith.constant 0 : i32
        %dma_wait3A_36 = tpu.memref_slice %arg4[%add3A_31, %dma_wait3A] : memref<80x128xi32, #tpu.memory_space<vmem>> -> memref<1x128xi32, #tpu.memory_space<vmem>>
        %dma_wait3A_37 = tpu.memref_squeeze %dma_wait3A_36 : memref<1x128xi32, #tpu.memory_space<vmem>> -> memref<128xi32, #tpu.memory_space<vmem>>
        %dma_wait3A_38 = arith.constant 0 : i32
        %dma_wait3A_39 = tpu.memref_slice %arg7[%dma_wait3A_38] : memref<10112xf32, #tpu.memory_space<vmem_shared>> -> memref<10112xf32, #tpu.memory_space<vmem_shared>>
        tpu.wait_indirect_dma semaphore(%run_scoped3A : memref<!tpu.dma_semaphore, #tpu.memory_space<semaphore_mem>>) src(%arg5 : memref<128xf32, #tpu.memory_space<vmem>>) dst(%dma_wait3A_39 : memref<10112xf32, #tpu.memory_space<vmem_shared>>)
        tpu.yield
      }) : () -> ()
    }
    %scan3A_18 = arith.constant 80 : i32
    %barrier3A_19 = arith.constant 0 : index
    tpu.barrier barrier_id(%barrier3A_19)
    %mul3A_20 = arith.constant 632 : i32
    %mul3A_21 = arith.muli %arg1, %mul3A_20 : i32
    "tpu.region"() ({
      %run_scoped3A = tpu.sem_alloc : memref<!tpu.dma_semaphore, #tpu.memory_space<semaphore_mem>>
      %dma_start3A = arith.constant 0 : i32
      %dma_start3A_27 = tpu.memref_slice %arg6[%dma_start3A] : memref<640xf32, #tpu.memory_space<vmem>> -> memref<632xf32, #tpu.memory_space<vmem>>
      %dma_start3A_28 = tpu.memref_slice %arg7[%mul3A_21] : memref<10112xf32, #tpu.memory_space<vmem_shared>> -> memref<632xf32, #tpu.memory_space<vmem_shared>>
      %dma_start3A_29 = arith.constant 0 : i32
      %dma_start3A_30 = tpu.memref_slice %arg6[%dma_start3A_29] : memref<640xf32, #tpu.memory_space<vmem>> -> memref<632xf32, #tpu.memory_space<vmem>>
      %dma_start3A_31 = tpu.memref_slice %arg7[%mul3A_21] : memref<10112xf32, #tpu.memory_space<vmem_shared>> -> memref<632xf32, #tpu.memory_space<vmem_shared>>
      tpu.enqueue_dma source(%dma_start3A_31 : memref<632xf32, #tpu.memory_space<vmem_shared>>) target(%dma_start3A_30 : memref<632xf32, #tpu.memory_space<vmem>>) target_semaphore(%run_scoped3A : memref<!tpu.dma_semaphore, #tpu.memory_space<semaphore_mem>>)
      %dma_wait3A = arith.constant 0 : i32
      %dma_wait3A_32 = tpu.memref_slice %arg6[%dma_wait3A] : memref<640xf32, #tpu.memory_space<vmem>> -> memref<632xf32, #tpu.memory_space<vmem>>
      %dma_wait3A_33 = tpu.memref_slice %arg7[%mul3A_21] : memref<10112xf32, #tpu.memory_space<vmem_shared>> -> memref<632xf32, #tpu.memory_space<vmem_shared>>
      %dma_wait3A_34 = arith.constant 0 : i32
      %dma_wait3A_35 = tpu.memref_slice %arg6[%dma_wait3A_34] : memref<640xf32, #tpu.memory_space<vmem>> -> memref<632xf32, #tpu.memory_space<vmem>>
      %dma_wait3A_36 = tpu.memref_slice %arg7[%mul3A_21] : memref<10112xf32, #tpu.memory_space<vmem_shared>> -> memref<632xf32, #tpu.memory_space<vmem_shared>>
      tpu.wait_dma2 semaphore(%run_scoped3A : memref<!tpu.dma_semaphore, #tpu.memory_space<semaphore_mem>>) src(%dma_wait3A_36 : memref<632xf32, #tpu.memory_space<vmem_shared>>) dst(%dma_wait3A_35 : memref<632xf32, #tpu.memory_space<vmem>>)
      tpu.yield
    }) : () -> ()
    %mul3A_22 = arith.constant 10112 : i32
    %mul3A_23 = arith.muli %arg0, %mul3A_22 : i32
    %mul3A_24 = arith.constant 632 : i32
    %mul3A_25 = arith.muli %arg1, %mul3A_24 : i32
    %add3A_26 = arith.addi %mul3A_23, %mul3A_25 : i32
    "tpu.region"() ({
      %run_scoped3A = tpu.sem_alloc : memref<!tpu.dma_semaphore, #tpu.memory_space<semaphore_mem>>
      %dma_start3A = arith.constant 0 : i32
      %dma_start3A_27 = tpu.memref_slice %arg6[%dma_start3A] : memref<640xf32, #tpu.memory_space<vmem>> -> memref<632xf32, #tpu.memory_space<vmem>>
      %dma_start3A_28 = tpu.memref_slice %arg3[%add3A_26] : memref<20224xf32, #tpu.memory_space<hbm>> -> memref<632xf32, #tpu.memory_space<hbm>>
      %dma_start3A_29 = tpu.memref_slice %arg3[%add3A_26] : memref<20224xf32, #tpu.memory_space<hbm>> -> memref<632xf32, #tpu.memory_space<hbm>>
      %dma_start3A_30 = arith.constant 0 : i32
      %dma_start3A_31 = tpu.memref_slice %arg6[%dma_start3A_30] : memref<640xf32, #tpu.memory_space<vmem>> -> memref<632xf32, #tpu.memory_space<vmem>>
      tpu.enqueue_dma source(%dma_start3A_31 : memref<632xf32, #tpu.memory_space<vmem>>) target(%dma_start3A_29 : memref<632xf32, #tpu.memory_space<hbm>>) target_semaphore(%run_scoped3A : memref<!tpu.dma_semaphore, #tpu.memory_space<semaphore_mem>>)
      %dma_wait3A = arith.constant 0 : i32
      %dma_wait3A_32 = tpu.memref_slice %arg6[%dma_wait3A] : memref<640xf32, #tpu.memory_space<vmem>> -> memref<632xf32, #tpu.memory_space<vmem>>
      %dma_wait3A_33 = tpu.memref_slice %arg3[%add3A_26] : memref<20224xf32, #tpu.memory_space<hbm>> -> memref<632xf32, #tpu.memory_space<hbm>>
      %dma_wait3A_34 = tpu.memref_slice %arg3[%add3A_26] : memref<20224xf32, #tpu.memory_space<hbm>> -> memref<632xf32, #tpu.memory_space<hbm>>
      %dma_wait3A_35 = arith.constant 0 : i32
      %dma_wait3A_36 = tpu.memref_slice %arg6[%dma_wait3A_35] : memref<640xf32, #tpu.memory_space<vmem>> -> memref<632xf32, #tpu.memory_space<vmem>>
      tpu.wait_dma2 semaphore(%run_scoped3A : memref<!tpu.dma_semaphore, #tpu.memory_space<semaphore_mem>>) src(%dma_wait3A_36 : memref<632xf32, #tpu.memory_space<vmem>>) dst(%dma_wait3A_34 : memref<632xf32, #tpu.memory_space<hbm>>)
      tpu.yield
    }) : () -> ()
    return
  }
}

module attributes {stable_mosaic.version = 14 : i64} {
  func.func @_tc1_body(%arg0: i32, %arg1: memref<1000x512xf32, #tpu.memory_space<vmem>>, %arg2: memref<128x512xf32, #tpu.memory_space<vmem>>, %arg3: memref<1x128xf32, #tpu.memory_space<vmem>>, %arg4: memref<128x128xf32, #tpu.memory_space<vmem>>, %arg5: memref<1000x1xf32, #tpu.memory_space<vmem>>, %arg6: memref<1000x1xf32, #tpu.memory_space<vmem>>, %arg7: memref<1000x128xf32, #tpu.memory_space<vmem>>, %arg8: memref<1000x1xf32, #tpu.memory_space<vmem>>) attributes {dimension_semantics = [#tpu.dimension_semantics<arbitrary>], iteration_bounds = array<i64: 10>, scalar_prefetch = 0 : i64, scratch_operands = 0 : i64, tpu.core_type = #tpu.core_type<tc>, window_params = [{transform_indices = @transform_0, window_bounds = array<i64: 1000, 512>}, {pipeline_mode = #tpu.pipeline_mode<synchronous>, transform_indices = @transform_1, window_bounds = array<i64: 128, 512>}, {pipeline_mode = #tpu.pipeline_mode<synchronous>, transform_indices = @transform_2, window_bounds = array<i64: 1, 128>}, {pipeline_mode = #tpu.pipeline_mode<synchronous>, transform_indices = @transform_3, window_bounds = array<i64: 128, 128>}, {transform_indices = @transform_4, window_bounds = array<i64: 1000, 1>}, {transform_indices = @transform_5, window_bounds = array<i64: 1000, 1>}, {transform_indices = @transform_6, window_bounds = array<i64: 1000, 128>}, {transform_indices = @transform_7, window_bounds = array<i64: 1000, 1>}]} {
    %get3A = arith.constant 0 : index
    %get3A_0 = arith.constant 0 : index
    %get3A_1 = vector.load %arg5[%get3A, %get3A_0] : memref<1000x1xf32, #tpu.memory_space<vmem>>, vector<1000x1xf32>
    %get3A_2 = arith.constant 0 : index
    %get3A_3 = arith.constant 0 : index
    %get3A_4 = vector.load %arg6[%get3A_2, %get3A_3] : memref<1000x1xf32, #tpu.memory_space<vmem>>, vector<1000x1xf32>
    %add3A = arith.addf %get3A_1, %get3A_4 : vector<1000x1xf32>
    %add3A_5 = arith.constant 1.000000e+00 : f32
    %add3A_6 = vector.broadcast %add3A_5 : f32 to vector<1000x1xf32>
    %add3A_7 = arith.addf %add3A, %add3A_6 : vector<1000x1xf32>
    %rsqrt3A = math.rsqrt %add3A_7 : vector<1000x1xf32>
    %get3A_8 = arith.constant 0 : index
    %get3A_9 = arith.constant 0 : index
    %get3A_10 = vector.load %arg1[%get3A_8, %get3A_9] : memref<1000x512xf32, #tpu.memory_space<vmem>>, vector<1000x512xf32>
    %get3A_11 = arith.constant 0 : index
    %get3A_12 = arith.constant 0 : index
    %get3A_13 = vector.load %arg2[%get3A_11, %get3A_12] : memref<128x512xf32, #tpu.memory_space<vmem>>, vector<128x512xf32>
    %dot_general3A = arith.constant dense<0.000000e+00> : vector<1000x128xf32>
    %dot_general3A_14 = tpu.matmul %get3A_10, %get3A_13, %dot_general3A {dimension_numbers = #tpu.dot_dimension_numbers<[1], [1], [0], [0], [0, 0, 1, 0], [], []>, transpose_lhs_hint = false} : vector<1000x512xf32>, vector<128x512xf32>, vector<1000x128xf32> -> vector<1000x128xf32>
    %get3A_15 = arith.constant 0 : index
    %get3A_16 = arith.constant 0 : index
    %get3A_17 = vector.load %arg3[%get3A_15, %get3A_16] : memref<1x128xf32, #tpu.memory_space<vmem>>, vector<1x128xf32>
    %add3A_18 = vector.broadcast %get3A_17 : vector<1x128xf32> to vector<1000x128xf32>
    %add3A_19 = arith.addf %dot_general3A_14, %add3A_18 : vector<1000x128xf32>
    %max3A = arith.constant 0.000000e+00 : f32
    %max3A_20 = vector.broadcast %max3A : f32 to vector<1000x128xf32>
    %max3A_21 = arith.maximumf %add3A_19, %max3A_20 : vector<1000x128xf32>
    %get3A_22 = arith.constant 0 : index
    %get3A_23 = arith.constant 0 : index
    %get3A_24 = vector.load %arg4[%get3A_22, %get3A_23] : memref<128x128xf32, #tpu.memory_space<vmem>>, vector<128x128xf32>
    %dot_general3A_25 = arith.constant dense<0.000000e+00> : vector<1000x128xf32>
    %dot_general3A_26 = tpu.matmul %max3A_21, %get3A_24, %dot_general3A_25 {dimension_numbers = #tpu.dot_dimension_numbers<[1], [1], [0], [0], [0, 0, 1, 0], [], []>, transpose_lhs_hint = false} : vector<1000x128xf32>, vector<128x128xf32>, vector<1000x128xf32> -> vector<1000x128xf32>
    %mul3A = vector.broadcast %rsqrt3A : vector<1000x1xf32> to vector<1000x128xf32>
    %mul3A_27 = arith.mulf %dot_general3A_26, %mul3A : vector<1000x128xf32>
    %swap3A = arith.constant 0 : index
    %swap3A_28 = arith.constant 0 : index
    %swap3A_29 = vector.load %arg7[%swap3A, %swap3A_28] : memref<1000x128xf32, #tpu.memory_space<vmem>>, vector<1000x128xf32>
    tpu.vector_store %arg7[%swap3A, %swap3A_28], %mul3A_27 {strides = array<i32>} : memref<1000x128xf32, #tpu.memory_space<vmem>>, vector<1000x128xf32>,
    %swap3A_30 = arith.constant 0 : index
    %swap3A_31 = arith.constant 0 : index
    %swap3A_32 = vector.load %arg8[%swap3A_30, %swap3A_31] : memref<1000x1xf32, #tpu.memory_space<vmem>>, vector<1000x1xf32>
    tpu.vector_store %arg8[%swap3A_30, %swap3A_31], %rsqrt3A {strides = array<i32>} : memref<1000x1xf32, #tpu.memory_space<vmem>>, vector<1000x1xf32>,
    return
  }
  func.func @transform_0(%arg0: i32) -> (i32, i32) {
    %c0_i32 = arith.constant 0 : i32
    %c0_i32_0 = arith.constant 0 : i32
    return %arg0, %c0_i32 : i32, i32
  }
  func.func @transform_1(%arg0: i32) -> (i32, i32) {
    %c0_i32 = arith.constant 0 : i32
    %c0_i32_0 = arith.constant 0 : i32
    %c0_i32_1 = arith.constant 0 : i32
    return %c0_i32, %c0_i32_0 : i32, i32
  }
  func.func @transform_2(%arg0: i32) -> (i32, i32) {
    %c0_i32 = arith.constant 0 : i32
    %c0_i32_0 = arith.constant 0 : i32
    %c0_i32_1 = arith.constant 0 : i32
    return %c0_i32, %c0_i32_0 : i32, i32
  }
  func.func @transform_3(%arg0: i32) -> (i32, i32) {
    %c0_i32 = arith.constant 0 : i32
    %c0_i32_0 = arith.constant 0 : i32
    %c0_i32_1 = arith.constant 0 : i32
    return %c0_i32, %c0_i32_0 : i32, i32
  }
  func.func @transform_4(%arg0: i32) -> (i32, i32) {
    %c0_i32 = arith.constant 0 : i32
    %c0_i32_0 = arith.constant 0 : i32
    return %arg0, %c0_i32 : i32, i32
  }
  func.func @transform_5(%arg0: i32) -> (i32, i32) {
    %c0_i32 = arith.constant 0 : i32
    %c0_i32_0 = arith.constant 0 : i32
    return %arg0, %c0_i32 : i32, i32
  }
  func.func @transform_6(%arg0: i32) -> (i32, i32) {
    %c0_i32 = arith.constant 0 : i32
    %c0_i32_0 = arith.constant 0 : i32
    return %arg0, %c0_i32 : i32, i32
  }
  func.func @transform_7(%arg0: i32) -> (i32, i32) {
    %c0_i32 = arith.constant 0 : i32
    %c0_i32_0 = arith.constant 0 : i32
    return %arg0, %c0_i32 : i32, i32
  }
}

module attributes {stable_mosaic.version = 14 : i64} {
  func.func @_tc2_body(%arg0: i32, %arg1: memref<1000x128xf32, #tpu.memory_space<vmem>>, %arg2: memref<1000x128xf32, #tpu.memory_space<vmem>>, %arg3: memref<1000x128xf32, #tpu.memory_space<vmem>>, %arg4: memref<1000x1xf32, #tpu.memory_space<vmem>>, %arg5: memref<1x128xf32, #tpu.memory_space<vmem>>, %arg6: memref<128x128xf32, #tpu.memory_space<vmem>>, %arg7: memref<1000x128xf32, #tpu.memory_space<vmem>>) attributes {dimension_semantics = [#tpu.dimension_semantics<arbitrary>], iteration_bounds = array<i64: 10>, scalar_prefetch = 0 : i64, scratch_operands = 0 : i64, tpu.core_type = #tpu.core_type<tc>, window_params = [{transform_indices = @transform_0, window_bounds = array<i64: 1000, 128>}, {transform_indices = @transform_1, window_bounds = array<i64: 1000, 128>}, {transform_indices = @transform_2, window_bounds = array<i64: 1000, 128>}, {transform_indices = @transform_3, window_bounds = array<i64: 1000, 1>}, {pipeline_mode = #tpu.pipeline_mode<synchronous>, transform_indices = @transform_4, window_bounds = array<i64: 1, 128>}, {pipeline_mode = #tpu.pipeline_mode<synchronous>, transform_indices = @transform_5, window_bounds = array<i64: 128, 128>}, {transform_indices = @transform_6, window_bounds = array<i64: 1000, 128>}]} {
    %get3A = arith.constant 0 : index
    %get3A_0 = arith.constant 0 : index
    %get3A_1 = vector.load %arg4[%get3A, %get3A_0] : memref<1000x1xf32, #tpu.memory_space<vmem>>, vector<1000x1xf32>
    %get3A_2 = arith.constant 0 : index
    %get3A_3 = arith.constant 0 : index
    %get3A_4 = vector.load %arg1[%get3A_2, %get3A_3] : memref<1000x128xf32, #tpu.memory_space<vmem>>, vector<1000x128xf32>
    %get3A_5 = arith.constant 0 : index
    %get3A_6 = arith.constant 0 : index
    %get3A_7 = vector.load %arg2[%get3A_5, %get3A_6] : memref<1000x128xf32, #tpu.memory_space<vmem>>, vector<1000x128xf32>
    %add3A = arith.addf %get3A_4, %get3A_7 : vector<1000x128xf32>
    %get3A_8 = arith.constant 0 : index
    %get3A_9 = arith.constant 0 : index
    %get3A_10 = vector.load %arg3[%get3A_8, %get3A_9] : memref<1000x128xf32, #tpu.memory_space<vmem>>, vector<1000x128xf32>
    %add3A_11 = arith.addf %add3A, %get3A_10 : vector<1000x128xf32>
    %mul3A = vector.broadcast %get3A_1 : vector<1000x1xf32> to vector<1000x128xf32>
    %mul3A_12 = arith.mulf %mul3A, %add3A_11 : vector<1000x128xf32>
    %get3A_13 = arith.constant 0 : index
    %get3A_14 = arith.constant 0 : index
    %get3A_15 = vector.load %arg5[%get3A_13, %get3A_14] : memref<1x128xf32, #tpu.memory_space<vmem>>, vector<1x128xf32>
    %add3A_16 = vector.broadcast %get3A_15 : vector<1x128xf32> to vector<1000x128xf32>
    %add3A_17 = arith.addf %mul3A_12, %add3A_16 : vector<1000x128xf32>
    %get3A_18 = arith.constant 0 : index
    %get3A_19 = arith.constant 0 : index
    %get3A_20 = vector.load %arg6[%get3A_18, %get3A_19] : memref<128x128xf32, #tpu.memory_space<vmem>>, vector<128x128xf32>
    %dot_general3A = arith.constant dense<0.000000e+00> : vector<1000x128xf32>
    %dot_general3A_21 = tpu.matmul %add3A_17, %get3A_20, %dot_general3A {dimension_numbers = #tpu.dot_dimension_numbers<[1], [1], [0], [0], [0, 0, 1, 0], [], []>, transpose_lhs_hint = false} : vector<1000x128xf32>, vector<128x128xf32>, vector<1000x128xf32> -> vector<1000x128xf32>
    %mul3A_22 = vector.broadcast %get3A_1 : vector<1000x1xf32> to vector<1000x128xf32>
    %mul3A_23 = arith.mulf %dot_general3A_21, %mul3A_22 : vector<1000x128xf32>
    %swap3A = arith.constant 0 : index
    %swap3A_24 = arith.constant 0 : index
    %swap3A_25 = vector.load %arg7[%swap3A, %swap3A_24] : memref<1000x128xf32, #tpu.memory_space<vmem>>, vector<1000x128xf32>
    tpu.vector_store %arg7[%swap3A, %swap3A_24], %mul3A_23 {strides = array<i32>} : memref<1000x128xf32, #tpu.memory_space<vmem>>, vector<1000x128xf32>,
    return
  }
  func.func @transform_0(%arg0: i32) -> (i32, i32) {
    %c0_i32 = arith.constant 0 : i32
    %c0_i32_0 = arith.constant 0 : i32
    return %arg0, %c0_i32 : i32, i32
  }
  func.func @transform_1(%arg0: i32) -> (i32, i32) {
    %c0_i32 = arith.constant 0 : i32
    %c0_i32_0 = arith.constant 0 : i32
    return %arg0, %c0_i32 : i32, i32
  }
  func.func @transform_2(%arg0: i32) -> (i32, i32) {
    %c0_i32 = arith.constant 0 : i32
    %c0_i32_0 = arith.constant 0 : i32
    return %arg0, %c0_i32 : i32, i32
  }
  func.func @transform_3(%arg0: i32) -> (i32, i32) {
    %c0_i32 = arith.constant 0 : i32
    %c0_i32_0 = arith.constant 0 : i32
    return %arg0, %c0_i32 : i32, i32
  }
  func.func @transform_4(%arg0: i32) -> (i32, i32) {
    %c0_i32 = arith.constant 0 : i32
    %c0_i32_0 = arith.constant 0 : i32
    %c0_i32_1 = arith.constant 0 : i32
    return %c0_i32, %c0_i32_0 : i32, i32
  }
  func.func @transform_5(%arg0: i32) -> (i32, i32) {
    %c0_i32 = arith.constant 0 : i32
    %c0_i32_0 = arith.constant 0 : i32
    %c0_i32_1 = arith.constant 0 : i32
    return %c0_i32, %c0_i32_0 : i32, i32
  }
  func.func @transform_6(%arg0: i32) -> (i32, i32) {
    %c0_i32 = arith.constant 0 : i32
    %c0_i32_0 = arith.constant 0 : i32
    return %arg0, %c0_i32 : i32, i32
  }
}

module attributes {stable_mosaic.version = 14 : i64} {
  func.func @_tc3_body(%arg0: memref<1024x128xf32, #tpu.memory_space<vmem>>, %arg1: memref<1024x128xf32, #tpu.memory_space<vmem>>, %arg2: memref<1024x128xf32, #tpu.memory_space<vmem>>, %arg3: memref<1024x1xf32, #tpu.memory_space<vmem>>, %arg4: memref<1x128xf32, #tpu.memory_space<vmem>>, %arg5: memref<128x128xf32, #tpu.memory_space<vmem>>, %arg6: memref<1x128xf32, #tpu.memory_space<vmem>>, %arg7: memref<2x128xf32, #tpu.memory_space<vmem>>, %arg8: memref<1x2xf32, #tpu.memory_space<vmem>>, %arg9: memref<1024x2xf32, #tpu.memory_space<vmem>>) attributes {dimension_semantics = [], scalar_prefetch = 0 : i64, scratch_operands = 0 : i64, tpu.core_type = #tpu.core_type<tc>} {
    %get3A = arith.constant 0 : index
    %get3A_0 = arith.constant 0 : index
    %get3A_1 = vector.load %arg3[%get3A, %get3A_0] : memref<1024x1xf32, #tpu.memory_space<vmem>>, vector<1024x1xf32>
    %get3A_2 = arith.constant 0 : index
    %get3A_3 = arith.constant 0 : index
    %get3A_4 = vector.load %arg0[%get3A_2, %get3A_3] : memref<1024x128xf32, #tpu.memory_space<vmem>>, vector<1024x128xf32>
    %get3A_5 = arith.constant 0 : index
    %get3A_6 = arith.constant 0 : index
    %get3A_7 = vector.load %arg1[%get3A_5, %get3A_6] : memref<1024x128xf32, #tpu.memory_space<vmem>>, vector<1024x128xf32>
    %add3A = arith.addf %get3A_4, %get3A_7 : vector<1024x128xf32>
    %get3A_8 = arith.constant 0 : index
    %get3A_9 = arith.constant 0 : index
    %get3A_10 = vector.load %arg2[%get3A_8, %get3A_9] : memref<1024x128xf32, #tpu.memory_space<vmem>>, vector<1024x128xf32>
    %add3A_11 = arith.addf %add3A, %get3A_10 : vector<1024x128xf32>
    %mul3A = vector.broadcast %get3A_1 : vector<1024x1xf32> to vector<1024x128xf32>
    %mul3A_12 = arith.mulf %mul3A, %add3A_11 : vector<1024x128xf32>
    %get3A_13 = arith.constant 0 : index
    %get3A_14 = arith.constant 0 : index
    %get3A_15 = vector.load %arg4[%get3A_13, %get3A_14] : memref<1x128xf32, #tpu.memory_space<vmem>>, vector<1x128xf32>
    %add3A_16 = vector.broadcast %get3A_15 : vector<1x128xf32> to vector<1024x128xf32>
    %add3A_17 = arith.addf %mul3A_12, %add3A_16 : vector<1024x128xf32>
    %get3A_18 = arith.constant 0 : index
    %get3A_19 = arith.constant 0 : index
    %get3A_20 = vector.load %arg5[%get3A_18, %get3A_19] : memref<128x128xf32, #tpu.memory_space<vmem>>, vector<128x128xf32>
    %dot_general3A = arith.constant dense<0.000000e+00> : vector<1024x128xf32>
    %dot_general3A_21 = tpu.matmul %add3A_17, %get3A_20, %dot_general3A {dimension_numbers = #tpu.dot_dimension_numbers<[1], [1], [0], [0], [0, 0, 1, 0], [], []>, transpose_lhs_hint = false} : vector<1024x128xf32>, vector<128x128xf32>, vector<1024x128xf32> -> vector<1024x128xf32>
    %get3A_22 = arith.constant 0 : index
    %get3A_23 = arith.constant 0 : index
    %get3A_24 = vector.load %arg6[%get3A_22, %get3A_23] : memref<1x128xf32, #tpu.memory_space<vmem>>, vector<1x128xf32>
    %add3A_25 = vector.broadcast %get3A_24 : vector<1x128xf32> to vector<1024x128xf32>
    %add3A_26 = arith.addf %dot_general3A_21, %add3A_25 : vector<1024x128xf32>
    %max3A = arith.constant 0.000000e+00 : f32
    %max3A_27 = vector.broadcast %max3A : f32 to vector<1024x128xf32>
    %max3A_28 = arith.maximumf %add3A_26, %max3A_27 : vector<1024x128xf32>
    %get3A_29 = arith.constant 0 : index
    %get3A_30 = arith.constant 0 : index
    %get3A_31 = vector.load %arg7[%get3A_29, %get3A_30] : memref<2x128xf32, #tpu.memory_space<vmem>>, vector<2x128xf32>
    %dot_general3A_32 = arith.constant dense<0.000000e+00> : vector<1024x2xf32>
    %dot_general3A_33 = tpu.matmul %max3A_28, %get3A_31, %dot_general3A_32 {dimension_numbers = #tpu.dot_dimension_numbers<[1], [1], [0], [0], [0, 0, 1, 0], [], []>, transpose_lhs_hint = false} : vector<1024x128xf32>, vector<2x128xf32>, vector<1024x2xf32> -> vector<1024x2xf32>
    %get3A_34 = arith.constant 0 : index
    %get3A_35 = arith.constant 0 : index
    %get3A_36 = vector.load %arg8[%get3A_34, %get3A_35] : memref<1x2xf32, #tpu.memory_space<vmem>>, vector<1x2xf32>
    %add3A_37 = vector.broadcast %get3A_36 : vector<1x2xf32> to vector<1024x2xf32>
    %add3A_38 = arith.addf %dot_general3A_33, %add3A_37 : vector<1024x2xf32>
    %swap3A = arith.constant 0 : index
    %swap3A_39 = arith.constant 0 : index
    %swap3A_40 = vector.load %arg9[%swap3A, %swap3A_39] : memref<1024x2xf32, #tpu.memory_space<vmem>>, vector<1024x2xf32>
    tpu.vector_store %arg9[%swap3A, %swap3A_39], %add3A_38 {strides = array<i32>} : memref<1024x2xf32, #tpu.memory_space<vmem>>, vector<1024x2xf32>,
    return
  }
}

</mosaic_0001>

<sc_bundles>
// kernel: kernel.11.cloned.1.call-start
scs
__scs_entry_jumppad:
0x0: {  	(pc) =	sbr.rel $0x88, $3  }
0x1: {  	(tag) =	ssettag $0x0;
	lr =	simm.s32 $0x1  }
0x2: {  	[smem:$0x3F94] =	sst lr;
	_ =	strace $0xD0000000  }
0x3: {  	_ = 	snop  }
0x4: {  	_ = 	snop  }
0x5: {  	_ = 	snop  }
0x6: {  	_ = 	snop  }
0x7: {  	_ = 	snop  }
__scs_overlays_trampoline_lowered:
0x8: {  	[smem:$0x3FA3] =	sst s0  }
0x9: {  	[smem:$0x3FA4] =	sst s1  }
0xa: {  	[smem:$0x3FA5] =	sst s2  }
0xb: {  	[smem:$0x3FA6] =	sst s3  }
0xc: {  	[smem:$0x3FA7] =	sst s4  }
0xd: {  	[smem:$0x3FA8] =	sst s5  }
0xe: {  	[smem:$0x3FA9] =	sst s6  }
0xf: {  	[smem:$0x3FAA] =	sst s7  }
0x10: {  	[smem:$0x3FAB] =	sst s8  }
0x11: {  	[smem:$0x3FAC] =	sst s9;
	s0 =	simm.s32 @!p0 $0x0  }
0x12: {  	s1 =	sld [smem:$0x3F92];
	s0 =	simm.s32 @p0 $0x1  }
0x13: {  	[smem:$0x3FAD] =	sst s0;
	s0 =	simm.s32 @!p1 $0x0  }
0x14: {  	s2 =	sld [smem:$0x3F91];
	s0 =	simm.s32 @p1 $0x1  }
0x15: {  	[smem:$0x3FAE] =	sst s0;
	s0 =	simm.s32 @!p2 $0x0  }
0x16: {  	s3 =	sld [smem:$0x3FDB];
	s0 =	simm.s32 @p2 $0x1  }
0x17: {  	s4 =	simm.s32 $0x1BF5;
	[smem:$0x3FB0] =	sst s0  }
0x18: {  	s0 =	sld [smem:$0x3F93];
	_ =	swait.ge [sflag:s4], $0x0  }
0x19: {  	s7 =	sld [smem:$0x3F94]  }
0x1a: {  	s8 =	sadd.s32 $0xFFFFE003, lr  }
0x1b: {  	s9 =	sadd.s32 $0xFFFFFEF7, lr;
	s5 =	simm.s32 $0xFFFFFFFF;
	p2 =	slt.u32 s8, $0xFFFFF086  }
0x1c: {  	p1 =	slt.u32 s9, $0xF7A;
	s5 =	simm.s32 @!p2 $0x0  }
0x1d: {  	s5 =	simm.s32 @p1 $0x1;
	p0 =	seq.s32 s7, s2  }
0x1e: {  	s7 =	smul.u32 @!p0 $0xF7A, s2;
	p2 =	seq.s32 @!p0 s5, $0x0  }
0x1f: {  	s9 =	smul.u32 $0xF7A, s1;
	s8 =	simm.s32 @!p0 $0x1BF5;
	p2 =	por !p2, p0  }
0x20: {  	[sflag:s8] =	ssyncset.s32 @!p0 $0xFFFFF086;
	s6 =	sadd.s32 @!p0 s3, s7;
	s7 =	simm.s32 @!p0 $0x108  }
0x21: {  	s3 =	sadd.s32 s3, s9;
	s6 =	sadd.s32 @!p0 $0x88, s6;
	s7 =	simm.s32 @p2 $0x1082  }
0x22: {  	[simem:s7], [sflag:s8] =	dma.local @!p0 [hbm:s6], $0xF7A  }
0x23: {  	s9 =	sor.u32 $0xD0000000, s2;
	s6 =	simm.s32 $0x108;
	_ =	swait.ge @!p0 [sflag:s8], $0x0  }
0x24: {  	s3 =	sadd.s32 $0x88, s3;
	s6 =	simm.s32 @!p1 $0x1082;
	[sflag:s4] =	ssyncset.s32 $0xFFFFF086  }
0x25: {  	[simem:s6], [sflag:s4] =	dma.local [hbm:s3], $0xF7A  }
0x26: {  	[smem:$0x3F94] =	sst s1;
	(tag) =	ssettag s2;
	_ =	strace s9  }
0x27: {  	s1 =	sld [smem:$0x3FA4]  }
0x28: {  	s2 =	sld [smem:$0x3FA5]  }
0x29: {  	s4 =	sld [smem:$0x3FA7]  }
0x2a: {  	p0 =	seq.s32 s5, $0x0;
	s5 =	sld [smem:$0x3FA8]  }
0x2b: {  	s6 =	sld [smem:$0x3FA9]  }
0x2c: {  	s7 =	sld [smem:$0x3FAA]  }
0x2d: {  	s3 =	simm.s32 $0x108;
	s8 =	sld [smem:$0x3FAB]  }
0x2e: {  	s3 =	simm.s32 @!p0 $0x1082;
	s9 =	sld [smem:$0x3FAC]  }
0x2f: {  	lr =	sadd.s32 s0, s3;
	s0 =	sld [smem:$0x3FA3]  }
0x30: {  	s3 =	sld [smem:$0x3FA6]  }
0x31: {  	[smem:$0x3FAF] =	sst s10  }
0x32: {  	s10 =	sld [smem:$0x3FAD];
	_ =	sdelay $0x3  }
0x33: {  	p0 =	seq.s32 s10, $0x1;
	s10 =	sld [smem:$0x3FAF];
	_ =	sdelay $0x3  }
0x34: {  	[smem:$0x3FAF] =	sst s10  }
0x35: {  	s10 =	sld [smem:$0x3FAE];
	_ =	sdelay $0x3  }
0x36: {  	p1 =	seq.s32 s10, $0x1;
	s10 =	sld [smem:$0x3FAF];
	_ =	sdelay $0x3  }
0x37: {  	[smem:$0x3FAF] =	sst s10  }
0x38: {  	s10 =	sld [smem:$0x3FB0]  }
0x39: {  	_ = 	snop;
	(pc) =	sbr.ind lr, $3  }
0x3a: {  	_ = 	snop  }
0x3b: {  	_ = 	snop  }
0x3c: {  	p2 =	seq.s32 s10, $0x1;
	s10 =	sld [smem:$0x3FAF]  }
0x3d: {  	_ =	shalt  }
0x3e: {  	_ =	shalt  }
0x3f: {  	_ =	shalt  }
0x40: {  	_ =	shalt  }
0x41: {  	_ =	shalt  }
0x42: {  	_ =	shalt  }
0x43: {  	_ =	shalt  }
0x44: {  	_ =	shalt  }
0x45: {  	_ =	shalt  }
0x46: {  	_ =	shalt  }
0x47: {  	_ =	shalt  }
0x48: {  	_ =	shalt  }
0x49: {  	_ =	shalt  }
0x4a: {  	_ =	shalt  }
0x4b: {  	_ =	shalt  }
0x4c: {  	_ =	shalt  }
0x4d: {  	_ =	shalt  }
0x4e: {  	_ =	shalt  }
0x4f: {  	_ =	shalt  }
0x50: {  	_ =	shalt  }
0x51: {  	_ =	shalt  }
0x52: {  	_ =	shalt  }
0x53: {  	_ =	shalt  }
0x54: {  	_ =	shalt  }
0x55: {  	_ =	shalt  }
0x56: {  	_ =	shalt  }
0x57: {  	_ =	shalt  }
0x58: {  	_ =	shalt  }
0x59: {  	_ =	shalt  }
0x5a: {  	_ =	shalt  }
0x5b: {  	_ =	shalt  }
0x5c: {  	_ =	shalt  }
0x5d: {  	_ =	shalt  }
0x5e: {  	_ =	shalt  }
0x5f: {  	_ =	shalt  }
0x60: {  	_ =	shalt  }
0x61: {  	_ =	shalt  }
0x62: {  	_ =	shalt  }
0x63: {  	_ =	shalt  }
0x64: {  	_ =	shalt  }
0x65: {  	_ =	shalt  }
0x66: {  	_ =	shalt  }
0x67: {  	_ =	shalt  }
0x68: {  	_ =	shalt  }
0x69: {  	_ =	shalt  }
0x6a: {  	_ =	shalt  }
0x6b: {  	_ =	shalt  }
0x6c: {  	_ =	shalt  }
0x6d: {  	_ =	shalt  }
0x6e: {  	_ =	shalt  }
0x6f: {  	_ =	shalt  }
0x70: {  	_ =	shalt  }
0x71: {  	_ =	shalt  }
0x72: {  	_ =	shalt  }
0x73: {  	_ =	shalt  }
0x74: {  	_ =	shalt  }
0x75: {  	_ =	shalt  }
0x76: {  	_ =	shalt  }
0x77: {  	_ =	shalt  }
0x78: {  	_ =	shalt  }
0x79: {  	_ =	shalt  }
0x7a: {  	_ =	shalt  }
0x7b: {  	_ =	shalt  }
0x7c: {  	_ =	shalt  }
0x7d: {  	_ =	shalt  }
0x7e: {  	_ =	shalt  }
0x7f: {  	_ =	shalt  }
0x80: {  	_ =	shalt  }
0x81: {  	_ =	shalt  }
0x82: {  	_ =	shalt  }
0x83: {  	_ =	shalt  }
0x84: {  	_ =	shalt  }
0x85: {  	_ =	shalt  }
0x86: {  	_ =	shalt  }
0x87: {  	_ =	shalt  }
.Lfunc_end0:
.L_simem_size_0:
called_computation.1_lowered:
.L_overlay_start_0:
0x88: {  	s2 =	sld [smem:$0x3FD9]  }
0x89: {  	s3 =	sld [smem:$0x3FFE];
	_ =	sdelay $0x1  }
0x8a: {  	s1 =	srdreg.scid  }
0x8b: {  	s0 =	sand.u32 $0x1, s1  }
0x8c: {  	s16 =	sshll.u32 s0, $0xA;
	s2 =	sadd.s32 s3, s2  }
0x8d: {  	s2 =	sadd.s32 s2, s16  }
0x8e: {  	[smem:$0x3FBB] =	sst s2  }
0x8f: {  	_ = 	snop  }
0x90: {  	(tm) =	ssettm $0x1  }
0x91: {  	s17 =	sld [smem:$0x3FFB];
	_ =	sdelay $0x3  }
0x92: {  	_ =	strace s17  }
0x93: {  	s2 =	sld [smem:$0x3FFC];
	_ =	sdelay $0x3  }
0x94: {  	_ =	strace s2  }
0x95: {  	s2 =	sld [smem:$0x3FFD];
	_ =	sdelay $0x3  }
0x96: {  	_ =	strace s2  }
0x97: {  	_ =	strace $0x8FFFFFFF  }
0x98: {  	s18 =	sld [smem:$0x3FDB];
	_ =	sdelay $0x1  }
0x99: {  	s19 =	simm.s32 $_scs_section_size  }
0x9a: {  	s4 =	simm.s32 $_size__tile_overlayer_lowered;
	s5 =	simm.s32 $_tile_overlayer_lowered  }
0x9b: {  	s22 =	simm.s32 $0x1BFF;
	s21 =	sshll.u32 s5, $0x1;
	s2 =	sadd.s32 s19, s18  }
0x9c: {  	s6 =	simm.s32 $0x0;
	s20 =	sshll.u32 s4, $0x1;
	s4 =	sadd.s32 s21, s2  }
0x9d: {  	[timem:s6], [sflag:s22] =	dma.local [hbm:s4], s20  }
0x9e: {  	_ =	swait.ge [sflag:s22], s20  }
0x9f: {  	s3 =	ssub.s32 $0x0, s20;
	[sflag:s22] =	ssyncset.done $0x0  }
0xa0: {  	[sflag:s22] =	ssyncadd.s32 s3;
	_ =	sdelay $0x1  }
0xa1: {  	s23 =	simm.s32 $0x1B8B  }
0xa2: {  	_ =	swait.ge [sflag:s23], $0x1  }
0xa3: {  	[sflag:s23] =	ssyncset.done $0x0  }
0xa4: {  	s25 =	simm.s32 $0x1B8E;
	s24 =	sld [smem:$0x3FFE];
	[sflag:s23] =	ssyncadd.s32 $0xFFFFFFFF  }
0xa5: {  	s26 =	simm.s32 $execute0_lowered;
	[smem:$0x3FD2] =	sst s25  }
0xa6: {  	s4 =	sshll.u32 s26, $0x1;
	_ =	strace $0x80000049;
	[dreg:$0x1] =	wrdreg $0xFFFFFFFF  }
0xa7: {  	s28 =	simm.s32 $_size_execute0_lowered;
	s2 =	sadd.s32 s2, s4;
	[dreg:$0x0] =	wrdreg $0x0  }
0xa8: {  	s4 =	sshll.u32 s28, $0x1;
	[dreg:$0x2] =	wrdreg s2  }
0xa9: {  	[dreg:$0x3] =	wrdreg s4  }
0xaa: {  	[dreg:$0x4] =	wrdreg $0xC0  }
0xab: {  	_ =	task [dreg:s6], $0x5FFFF  }
0xac: {  	[dreg:$0x1] =	wrdreg $0xFFFFFFFF  }
0xad: {  	[dreg:$0x0] =	wrdreg $0x60  }
0xae: {  	[dreg:$0x2] =	wrdreg s24  }
0xaf: {  	[dreg:$0x3] =	wrdreg $0xC1000  }
0xb0: {  	[dreg:$0x4] =	wrdreg $0x9  }
0xb1: {  	_ =	task.clear_ibuf [dreg:s6], $0x5FFFF;
	_ =	strace $0x90000049  }
0xb2: {  	s29 =	simm.s32 $0x9;
	_ =	strace $0x8000004B  }
0xb3: {  	_ =	swait.ge [sflag:s29], $0x1  }
0xb4: {  	[sflag:s29] =	ssyncadd.s32 $0xFFFFFFFF  }
0xb5: {  	_ =	strace $0x9000004B  }
0xb6: {  	_ =	sfence  }
0xb7: {  	s30 =	sld [smem:$0x0];
	_ =	sdelay $0x2  }
0xb8: {  	s31 =	sshll.u32 s1, $0xD;
	s1 =	sshrl.u32 s1, $0x2  }
0xb9: {  	s3 =	sand.u32 $0x4000, s31;
	s1 =	sadd.s32 s1, s30  }
0xba: {  	s0 =	sor.u32 s3, s0;
	s1 =	sshll.u32 s1, $0x11  }
0xbb: {  	s0 =	sor.u32 s1, s0  }
0xbc: {  	s0 =	sadd.s32 $0x8F2B, s0  }
0xbd: {  	[sflag:s0] =	ssyncadd.remote.s32 $0x1  }
0xbe: {  	_ =	sfence.sel $0xFFFF  }
0xbf: {  	[dreg:$0x0] =	wrdreg $0xFFFFFFFF;
	(pc) =	sbr.abs _section_cstart, $3  }
0xc0: {  	[dreg:$0x1] =	wrdreg $0xFFFFFFFF  }
0xc1: {  	_ =	task.clear_ibuf [dreg:s6], $0x2FFFF;
	_ =	strace $0x9FFFFFFF  }
0xc2: {  	(tm) =	ssettm $0x7FFFFFFF  }
0xc3: {  	_ =	shalt  }
tec
execute0_lowered:
.L_overlay_start_1:
0x0: {  	(tag) =	ssettag $0x1  }
0x1: {  	s0 =	rddreg [dreg:$0x0]  }
0x2: {  	s1 =	rddreg [dreg:$0x1];
	s3 =	srdreg.scid;
	s2 =	simm.s32 $0x0  }
0x3: {  	s6 =	simm.s32 $0x7;
	s10 =	stileid.u32;
	s28 =	simm.s32 $0x2  }
0x4: {  	s29 =	simm.s32 $0x3;
	s30 =	simm.s32 $0x5;
	s31 =	simm.s32 $0x6  }
0x5: {  	s3 =	sand.u32 $0x1, s3;
	[smem:$0x7FF] =	sst s2;
	s9 =	smul.u32 $0x4F000, s10  }
0x6: {  	s4 =	sadd.s32 $0x18000, s0;
	s5 =	sadd.s32 $0x3000, s0;
	s14 =	smul.u32 $0x13C00, s10  }
0x7: {  	p0 =	seq.s32 s3, $0x0;
	_ =	strace $0x8000004A;
	s8 =	sshll.u32 s3, $0xF  }
0x8: {  	s24 =	ssub.s32 $0x2, s3;
	s19 =	smul.u32 $0x13C000, s3;
	s3 =	sshll.u32 s3, $0x12  }
0x9: {  	s6 =	simm.s32 @!p0 $0x5;
	s25 =	sshrl.u32 s24, $0x1;
	s9 =	sshrl.u32 s9, $0x2  }
0xa: {  	s16 =	sadd.s32 $0x4000, s14;
	s17 =	sadd.s32 $0x8000, s14;
	s18 =	sadd.s32 $0xC000, s14  }
0xb: {  	s21 =	sadd.s32 $0x10000, s14;
	s12 =	sshll.u32 s10, s6;
	s6 =	simm.s32 $0x7  }
0xc: {  	s20 =	ssub.s32 s24, s25;
	s10 =	sadd.s32 s18, s1;
	s11 =	sadd.s32 s21, s1  }
0xd: {  	s26 =	sadd.s32 s14, s19;
	s14 =	simm.s32 $0x40;
	s23 =	sadd.s32 s19, s16  }
0xe: {  	s18 =	sadd.s32 s19, s18;
	s25 =	sadd.s32 s19, s21;
	s7 =	sshll.u32 s12, $0x4  }
0xf: {  	s22 =	sshrl.u32 s26, $0x3;
	s14 =	simm.s32 @!p0 $0x10;
	s18 =	sshrl.u32 s18, $0x3  }
0x10: {  	s12 =	sshll.u32 s12, $0x7;
	s20 =	smax.u32 s20, $0x1;
	s13 =	sor.u32 s7, s8  }
0x11: {  	s7 =	sadd.s32 s9, s1;
	s8 =	sadd.s32 s16, s1;
	s9 =	sadd.s32 s17, s1  }
0x12: {  	s17 =	sadd.s32 s19, s17;
	s26 =	sor.u32 s12, s3;
	s3 =	simm.s32 $0x0  }
0x13: {  	s15 =	sadd.s32 s13, s0;
	s0 =	sadd.s32 $0x66400, s0;
	s13 =	sadd.s32 s5, s13  }
0x14: {  	s24 =	sshrl.u32 s17, $0x3;
	s15 =	sadd.s32 $0xD800, s15;
	[dreg:$0x4] =	wrdreg s13  }
0x15: {  	s13 =	sadd.s32 s0, s22;
	s17 =	sadd.s32 s0, s24;
	s18 =	sadd.s32 s0, s18  }
0x16: {  	s22 =	simm.s32 $0x4100;
	[dreg:$0x5] =	wrdreg s13;
	s13 =	sshrl.u32 s23, $0x3  }
0x17: {  	s24 =	simm.s32 $0x80;
	s16 =	sadd.s32 s0, s13;
	s13 =	sshrl.u32 s25, $0x3  }
0x18: {  	[dreg:$0x3] =	wrdreg s15;
	s25 =	simm.s32 $0x1;
	s19 =	sadd.s32 s0, s13  }
0x19: {  	v0 =	vimm.f32 $0.0e+00;
	s13 =	sor.u32 $0x100, s26;
	s26 =	simm.s32 $0x8100;
	s0 =	simm.s32 $0x4  }
.LBB2_1:
0x1a: {  	s12 =	simm.s32 $0x0;
	s21 =	simm.s32 $0x200  }
.LBB2_2:
0x1b: {  	p0 =	sne.s32 s21, $0xFE00;
	[tilespmem:s12+$0x4170] =	vst v0  }
0x1c: {  	[tilespmem:s12+$0x4100] =	vst v0  }
0x1d: {  	[tilespmem:s12+$0x4110] =	vst v0  }
.Ltmp0:
0x1e: {  	[tilespmem:s12+$0x4120] =	vst v0;
	(pc) =	sbr.rel @p0 .LBB2_2-.Ltmp0, $4  }
0x1f: {  	[tilespmem:s12+$0x4130] =	vst v0  }
0x20: {  	[tilespmem:s12+$0x4140] =	vst v0  }
0x21: {  	[tilespmem:s12+$0x4150] =	vst v0  }
0x22: {  	[tilespmem:s12+$0x4160] =	vst v0;
	s12 =	sshra.s32 s21, $0x2;
	s21 =	sadd.s32 $0x200, s21  }
0x23: {  	[tilespmem:s12+$0x4170] =	vst v0  }
0x24: {  	[tilespmem:s12+$0x4100] =	vst v0  }
0x25: {  	[tilespmem:s12+$0x4110] =	vst v0  }
0x26: {  	[tilespmem:s12+$0x4120] =	vst v0  }
0x27: {  	[tilespmem:s12+$0x4130] =	vst v0  }
0x28: {  	[tilespmem:s12+$0x4140] =	vst v0  }
0x29: {  	[tilespmem:s12+$0x4150] =	vst v0  }
0x2a: {  	[tilespmem:s12+$0x4160] =	vst v0  }
0x2b: {  	[spmem:s7] =	stream.linear.scatter [tilespmem:s22], [sflag:$0x7], $0x4000, $0x38;
	[tilespmem:$0x1FD00] =	vst v63  }
0x2c: {  	_ =	swait.ge [sflag:s6], $0x4000  }
0x2d: {  	[sflag:s6] =	ssyncset.done $0x0  }
0x2e: {  	[sflag:s6] =	ssyncadd.s32 $0xFFFFC000  }
0x2f: {  	[spmem:s8] =	stream.linear.scatter [tilespmem:s22], [sflag:$0x7], $0x4000, $0x38;
	[tilespmem:$0x1FD00] =	vst v63  }
0x30: {  	_ =	swait.ge [sflag:s6], $0x4000  }
0x31: {  	[sflag:s6] =	ssyncset.done $0x0  }
0x32: {  	[sflag:s6] =	ssyncadd.s32 $0xFFFFC000  }
0x33: {  	[spmem:s9] =	stream.linear.scatter [tilespmem:s22], [sflag:$0x7], $0x4000, $0x38;
	[tilespmem:$0x1FD00] =	vst v63  }
0x34: {  	_ =	swait.ge [sflag:s6], $0x4000  }
0x35: {  	[sflag:s6] =	ssyncset.done $0x0  }
0x36: {  	[sflag:s6] =	ssyncadd.s32 $0xFFFFC000  }
0x37: {  	[spmem:s10] =	stream.linear.scatter [tilespmem:s22], [sflag:$0x7], $0x4000, $0x38;
	[tilespmem:$0x1FD00] =	vst v63  }
0x38: {  	_ =	swait.ge [sflag:s6], $0x4000  }
0x39: {  	[sflag:s6] =	ssyncset.done $0x0  }
0x3a: {  	[sflag:s6] =	ssyncadd.s32 $0xFFFFC000  }
0x3b: {  	[spmem:s11] =	stream.linear.scatter [tilespmem:s22], [sflag:$0x7], $0x3C00, $0x38;
	[tilespmem:$0x1FD00] =	vst v63  }
0x3c: {  	_ =	swait.ge [sflag:s6], $0x3C00  }
0x3d: {  	[sflag:s6] =	ssyncset.done $0x0  }
0x3e: {  	[sflag:s6] =	ssyncadd.s32 $0xFFFFC400  }
0x3f: {  	[bflag:$0x0] =	sbarrier.arrive $0xFFFF  }
0x40: {  	s15 =	simm.s32 $0x100;
	s23 =	rddreg [dreg:$0x3]  }
0x41: {  	[tilespmem:s15], [sflag:$0x7] =	stream.linear.gather [hbm4b:s23+s2], $0x4000, $0x38;
	[tilespmem:$0x1FD00] =	vst v63  }
0x42: {  	_ =	swait.ge [sflag:s6], $0x4000  }
0x43: {  	[sflag:s6] =	ssyncset.done $0x0  }
0x44: {  	s21 =	rddreg [dreg:$0x4];
	[sflag:s6] =	ssyncadd.s32 $0xFFFFC000  }
0x45: {  	[tilespmem:s2], [sflag:$0x7] =	stream.linear.gather [hbm4b:s21+s2], $0x100, $0x38;
	[tilespmem:$0x1FD00] =	vst v63  }
0x46: {  	_ =	swait.ge [sflag:s6], $0x100  }
0x47: {  	[sflag:s6] =	ssyncset.done $0x0  }
0x48: {  	[sflag:s6] =	ssyncadd.s32 $0xFFFFFF00  }
0x49: {  	[tilespmem:s22], [sflag:$0x1] =	stream.indirect.gather [hbm4b:s4+s24], $0x80, s2, s24, $0xb8;
	[tilespmem:$0x1FD00] =	vst v63  }
0x4a: {  	_ =	swait.ge [sflag:s25], $0x4000  }
0x4b: {  	[sflag:s25] =	ssyncset.done $0x0  }
0x4c: {  	s23 =	sshrl.u32 s13, $0x3;
	[sflag:s25] =	ssyncadd.s32 $0xFFFFC000  }
0x4d: {  	[tilespmem:s26], [sflag:$0x2] =	stream.indirect.gather [hbm4b:s4+s24], $0x80, s24, s24, $0xb8;
	[tilespmem:$0x1FD00] =	vst v63  }
0x4e: {  	s12 =	sadd.s32 s5, s23  }
0x4f: {  	[tilespmem:s2], [sflag:$0x3] =	stream.linear.gather [hbm4b:s12+s2], $0x80, $0x38;
	[tilespmem:$0x1FD00] =	vst v63  }
0x50: {  	s15 =	simm.s32 $0x100  }
0x51: {  	[spmem:s1] =	stream.indirect.scatter.add.f32 [tilespmem:s22], [sflag:$0x5], $0x80, s15, s24, $0xb8;
	[tilespmem:$0x1FD00] =	vst v63  }
0x52: {  	_ =	swait.ge [sflag:s28], $0x4000  }
0x53: {  	[sflag:s28] =	ssyncset.done $0x0  }
0x54: {  	s23 =	simm.s32 $0x180;
	[sflag:s28] =	ssyncadd.s32 $0xFFFFC000  }
0x55: {  	[spmem:s1] =	stream.indirect.scatter.add.f32 [tilespmem:s26], [sflag:$0x6], $0x80, s23, s24, $0xb8;
	[tilespmem:$0x1FD00] =	vst v63  }
0x56: {  	_ =	swait.ge [sflag:s29], $0x80  }
0x57: {  	[sflag:s29] =	ssyncset.done $0x0  }
0x58: {  	[sflag:s29] =	ssyncadd.s32 $0xFFFFFF80  }
0x59: {  	_ =	swait.ge [sflag:s30], $0x4000  }
0x5a: {  	s21 =	sadd.s32 $0x80, s13;
	[sflag:s30] =	ssyncset.done $0x0  }
0x5b: {  	s12 =	sshrl.u32 s21, $0x3;
	[sflag:s30] =	ssyncadd.s32 $0xFFFFC000  }
0x5c: {  	[tilespmem:s22], [sflag:$0x1] =	stream.indirect.gather [hbm4b:s4+s24], $0x80, s2, s24, $0xb8;
	[tilespmem:$0x1FD00] =	vst v63  }
0x5d: {  	p0 =	sne.s32 s14, $0x1;
	s12 =	sadd.s32 s5, s12  }
0x5e: {  	[tilespmem:s24], [sflag:$0x4] =	stream.linear.gather [hbm4b:s12+s2], $0x80, $0x38;
	[tilespmem:$0x1FD00] =	vst v63  }
.Ltmp1:
0x5f: {  	_ = 	snop;
	(pc) =	sbr.rel @!p0 .LBB2_5-.Ltmp1, $4  }
0x60: {  	_ =	swait.ge [sflag:s31], $0x4000  }
0x61: {  	[sflag:s31] =	ssyncset.done $0x0  }
0x62: {  	[sflag:s31] =	ssyncadd.s32 $0xFFFFC000  }
0x63: {  	s21 =	smov.u32 s13;
	s12 =	sadd.s32 $0xFFFFFFFF, s14;
	_ =	swait.ge [sflag:s0], $0x80  }
.LBB2_4:
0x64: {  	[sflag:s0] =	ssyncset.done $0x0;
	s21 =	sadd.s32 $0x100, s21;
	s23 =	sadd.s32 $0x100, s23  }
0x65: {  	p0 =	sne.s32 s12, $0x1;
	s12 =	sadd.s32 $0xFFFFFFFF, s12;
	[sflag:s0] =	ssyncadd.s32 $0xFFFFFF80  }
0x66: {  	_ =	swait.ge [sflag:s25], $0x4000  }
0x67: {  	[sflag:s25] =	ssyncset.done $0x0  }
0x68: {  	s15 =	sshrl.u32 s21, $0x3;
	[sflag:s25] =	ssyncadd.s32 $0xFFFFC000  }
0x69: {  	[tilespmem:s26], [sflag:$0x2] =	stream.indirect.gather [hbm4b:s4+s24], $0x80, s24, s24, $0xb8;
	[tilespmem:$0x1FD00] =	vst v63  }
0x6a: {  	s15 =	sadd.s32 s5, s15  }
0x6b: {  	[tilespmem:s2], [sflag:$0x3] =	stream.linear.gather [hbm4b:s15+s2], $0x80, $0x38;
	[tilespmem:$0x1FD00] =	vst v63  }
0x6c: {  	s15 =	sadd.s32 $0xFFFFFF80, s23  }
0x6d: {  	[spmem:s1] =	stream.indirect.scatter.add.f32 [tilespmem:s22], [sflag:$0x5], $0x80, s15, s24, $0xb8;
	[tilespmem:$0x1FD00] =	vst v63  }
0x6e: {  	_ =	swait.ge [sflag:s28], $0x4000  }
0x6f: {  	[sflag:s28] =	ssyncset.done $0x0  }
0x70: {  	[sflag:s28] =	ssyncadd.s32 $0xFFFFC000  }
0x71: {  	[spmem:s1] =	stream.indirect.scatter.add.f32 [tilespmem:s26], [sflag:$0x6], $0x80, s23, s24, $0xb8;
	[tilespmem:$0x1FD00] =	vst v63  }
0x72: {  	_ =	swait.ge [sflag:s29], $0x80  }
0x73: {  	[sflag:s29] =	ssyncset.done $0x0  }
0x74: {  	[sflag:s29] =	ssyncadd.s32 $0xFFFFFF80  }
0x75: {  	_ =	swait.ge [sflag:s30], $0x4000  }
0x76: {  	[sflag:s30] =	ssyncset.done $0x0  }
0x77: {  	s15 =	sadd.s32 $0x80, s21;
	[sflag:s30] =	ssyncadd.s32 $0xFFFFC000  }
0x78: {  	[tilespmem:s22], [sflag:$0x1] =	stream.indirect.gather [hbm4b:s4+s24], $0x80, s2, s24, $0xb8;
	[tilespmem:$0x1FD00] =	vst v63  }
0x79: {  	s15 =	sshrl.u32 s15, $0x3  }
0x7a: {  	s15 =	sadd.s32 s5, s15  }
0x7b: {  	[tilespmem:s24], [sflag:$0x4] =	stream.linear.gather [hbm4b:s15+s2], $0x80, $0x38;
	[tilespmem:$0x1FD00] =	vst v63  }
.Ltmp2:
0x7c: {  	_ = 	snop;
	(pc) =	sbr.rel @p0 .LBB2_4-.Ltmp2, $4  }
0x7d: {  	_ =	swait.ge [sflag:s31], $0x4000  }
0x7e: {  	[sflag:s31] =	ssyncset.done $0x0  }
0x7f: {  	[sflag:s31] =	ssyncadd.s32 $0xFFFFC000  }
0x80: {  	_ =	swait.ge [sflag:s0], $0x80  }
.LBB2_5:
0x81: {  	[sflag:s0] =	ssyncset.done $0x0  }
0x82: {  	[sflag:s0] =	ssyncadd.s32 $0xFFFFFF80  }
0x83: {  	_ =	swait.ge [sflag:s25], $0x4000  }
0x84: {  	[sflag:s25] =	ssyncset.done $0x0  }
0x85: {  	[sflag:s25] =	ssyncadd.s32 $0xFFFFC000  }
0x86: {  	[bflag:$0x0] =	sbarrier.arrive $0xFFFF  }
0x87: {  	[tilespmem:s22], [sflag:$0x7] =	stream.linear.gather [spmem:s7], $0x4000, $0x38;
	[tilespmem:$0x1FD00] =	vst v63  }
0x88: {  	_ =	swait.ge [sflag:s6], $0x4000  }
0x89: {  	[sflag:s6] =	ssyncset.done $0x0  }
0x8a: {  	s12 =	rddreg [dreg:$0x5];
	[sflag:s6] =	ssyncadd.s32 $0xFFFFC000  }
0x8b: {  	[hbm4b:s12+s2] =	stream.linear.scatter [tilespmem:s22], [sflag:$0x7], $0x4000, $0x38;
	[tilespmem:$0x1FD00] =	vst v63  }
0x8c: {  	_ =	swait.ge [sflag:s6], $0x4000  }
0x8d: {  	[sflag:s6] =	ssyncset.done $0x0  }
0x8e: {  	[sflag:s6] =	ssyncadd.s32 $0xFFFFC000  }
0x8f: {  	[tilespmem:s22], [sflag:$0x7] =	stream.linear.gather [spmem:s8], $0x4000, $0x38;
	[tilespmem:$0x1FD00] =	vst v63  }
0x90: {  	_ =	swait.ge [sflag:s6], $0x4000  }
0x91: {  	[sflag:s6] =	ssyncset.done $0x0  }
0x92: {  	[sflag:s6] =	ssyncadd.s32 $0xFFFFC000  }
0x93: {  	[hbm4b:s16+s2] =	stream.linear.scatter [tilespmem:s22], [sflag:$0x7], $0x4000, $0x38;
	[tilespmem:$0x1FD00] =	vst v63  }
0x94: {  	_ =	swait.ge [sflag:s6], $0x4000  }
0x95: {  	[sflag:s6] =	ssyncset.done $0x0  }
0x96: {  	[sflag:s6] =	ssyncadd.s32 $0xFFFFC000  }
0x97: {  	[tilespmem:s22], [sflag:$0x7] =	stream.linear.gather [spmem:s9], $0x4000, $0x38;
	[tilespmem:$0x1FD00] =	vst v63  }
0x98: {  	_ =	swait.ge [sflag:s6], $0x4000  }
0x99: {  	[sflag:s6] =	ssyncset.done $0x0  }
0x9a: {  	[sflag:s6] =	ssyncadd.s32 $0xFFFFC000  }
0x9b: {  	[hbm4b:s17+s2] =	stream.linear.scatter [tilespmem:s22], [sflag:$0x7], $0x4000, $0x38;
	[tilespmem:$0x1FD00] =	vst v63  }
0x9c: {  	_ =	swait.ge [sflag:s6], $0x4000  }
0x9d: {  	[sflag:s6] =	ssyncset.done $0x0  }
0x9e: {  	[sflag:s6] =	ssyncadd.s32 $0xFFFFC000  }
0x9f: {  	[tilespmem:s22], [sflag:$0x7] =	stream.linear.gather [spmem:s10], $0x4000, $0x38;
	[tilespmem:$0x1FD00] =	vst v63  }
0xa0: {  	_ =	swait.ge [sflag:s6], $0x4000  }
0xa1: {  	[sflag:s6] =	ssyncset.done $0x0  }
0xa2: {  	[sflag:s6] =	ssyncadd.s32 $0xFFFFC000  }
0xa3: {  	[hbm4b:s18+s2] =	stream.linear.scatter [tilespmem:s22], [sflag:$0x7], $0x4000, $0x38;
	[tilespmem:$0x1FD00] =	vst v63  }
0xa4: {  	_ =	swait.ge [sflag:s6], $0x4000  }
0xa5: {  	[sflag:s6] =	ssyncset.done $0x0  }
0xa6: {  	[sflag:s6] =	ssyncadd.s32 $0xFFFFC000  }
0xa7: {  	[tilespmem:s22], [sflag:$0x7] =	stream.linear.gather [spmem:s11], $0x3C00, $0x38;
	[tilespmem:$0x1FD00] =	vst v63  }
0xa8: {  	s3 =	sadd.s32 $0x1, s3;
	_ =	swait.ge [sflag:s6], $0x3C00  }
0xa9: {  	p0 =	sne.s32 s3, s20;
	[sflag:s6] =	ssyncset.done $0x0  }
.Ltmp3:
0xaa: {  	[sflag:s6] =	ssyncadd.s32 $0xFFFFC400;
	(pc) =	sbr.rel @p0 .LBB2_1-.Ltmp3, $4  }
0xab: {  	[hbm4b:s19+s2] =	stream.linear.scatter [tilespmem:s22], [sflag:$0x7], $0x3C00, $0x38;
	[tilespmem:$0x1FD00] =	vst v63  }
0xac: {  	_ =	swait.ge [sflag:s6], $0x3C00  }
0xad: {  	[sflag:s6] =	ssyncset.done $0x0  }
0xae: {  	[sflag:s6] =	ssyncadd.s32 $0xFFFFC400  }
0xaf: {  	_ =	sfence.sel $0x180000  }
0xb0: {  	[bflag:$0x0] =	sbarrier.arrive $0xFFFF  }
0xb1: {  	_ =	strace $0x9000004A  }
0xb2: {  	s0 =	stileid.u32;
	[bflag:$0x2] =	sbarrier.arrive $0xFFFF  }
0xb3: {  	p0 =	sne.s32 s0, $0x0;
	s0 =	rddreg [dreg:$0x2]  }
0xb4: {  	s0 =	sadd.s32 @!p0 $0x100000, s0  }
0xb5: {  	[sflag:s0] =	ssyncadd.tile.s32 @!p0 $0x1;
	_ =	shalt  }
.Lfunc_end2:
_tile_overlayer_lowered:
.L_overlay_start_2:
0xb6: {  	(tag) =	ssettag $0x2  }
0xb7: {  	s0 =	rddreg [dreg:$0x0];
	s2 =	stileid.u32  }
0xb8: {  	s1 =	rddreg [dreg:$0x1];
	p0 =	sne.s32 s2, $0x0  }
0xb9: {  	s3 =	rddreg [dreg:$0x2];
	[bflag:$0x3] =	sbarrier.arrive $0xFFFF;
	s2 =	simm.s32 @!p0 $0x1C07  }
0xba: {  	[timem:s3], [sflag:s2] =	dma.local @!p0 [hbm:s0], s1  }
0xbb: {  	s0 =	simm.s32 @!p0 $0x7  }
0xbc: {  	_ =	swait.ge @!p0 [sflag:s0], s1  }
0xbd: {  	s1 =	ssub.s32 @!p0 $0x0, s1;
	[sflag:s0] =	ssyncset.done @!p0 $0x0  }
0xbe: {  	[sflag:s0] =	ssyncadd.s32 @!p0 s1  }
0xbf: {  	[bflag:$0x3] =	sbarrier.arrive $0xFFFF  }
0xc0: {  	_ =	shalt  }

// kernel: kernel.14.cloned.1.call-start
scs
__scs_entry_jumppad:
0x0: {  	(pc) =	sbr.rel $0x88, $3  }
0x1: {  	(tag) =	ssettag $0x0;
	lr =	simm.s32 $0x1  }
0x2: {  	[smem:$0x3F94] =	sst lr;
	_ =	strace $0xD0000000  }
0x3: {  	_ = 	snop  }
0x4: {  	_ = 	snop  }
0x5: {  	_ = 	snop  }
0x6: {  	_ = 	snop  }
0x7: {  	_ = 	snop  }
__scs_overlays_trampoline_lowered:
0x8: {  	[smem:$0x3FA3] =	sst s0  }
0x9: {  	[smem:$0x3FA4] =	sst s1  }
0xa: {  	[smem:$0x3FA5] =	sst s2  }
0xb: {  	[smem:$0x3FA6] =	sst s3  }
0xc: {  	[smem:$0x3FA7] =	sst s4  }
0xd: {  	[smem:$0x3FA8] =	sst s5  }
0xe: {  	[smem:$0x3FA9] =	sst s6  }
0xf: {  	[smem:$0x3FAA] =	sst s7  }
0x10: {  	[smem:$0x3FAB] =	sst s8  }
0x11: {  	[smem:$0x3FAC] =	sst s9;
	s0 =	simm.s32 @!p0 $0x0  }
0x12: {  	s1 =	sld [smem:$0x3F92];
	s0 =	simm.s32 @p0 $0x1  }
0x13: {  	[smem:$0x3FAD] =	sst s0;
	s0 =	simm.s32 @!p1 $0x0  }
0x14: {  	s2 =	sld [smem:$0x3F91];
	s0 =	simm.s32 @p1 $0x1  }
0x15: {  	[smem:$0x3FAE] =	sst s0;
	s0 =	simm.s32 @!p2 $0x0  }
0x16: {  	s3 =	sld [smem:$0x3FDB];
	s0 =	simm.s32 @p2 $0x1  }
0x17: {  	s4 =	simm.s32 $0x1BF5;
	[smem:$0x3FB0] =	sst s0  }
0x18: {  	s0 =	sld [smem:$0x3F93];
	_ =	swait.ge [sflag:s4], $0x0  }
0x19: {  	s7 =	sld [smem:$0x3F94]  }
0x1a: {  	s8 =	sadd.s32 $0xFFFFE003, lr  }
0x1b: {  	s9 =	sadd.s32 $0xFFFFFEF7, lr;
	s5 =	simm.s32 $0xFFFFFFFF;
	p2 =	slt.u32 s8, $0xFFFFF086  }
0x1c: {  	p1 =	slt.u32 s9, $0xF7A;
	s5 =	simm.s32 @!p2 $0x0  }
0x1d: {  	s5 =	simm.s32 @p1 $0x1;
	p0 =	seq.s32 s7, s2  }
0x1e: {  	s7 =	smul.u32 @!p0 $0xF7A, s2;
	p2 =	seq.s32 @!p0 s5, $0x0  }
0x1f: {  	s9 =	smul.u32 $0xF7A, s1;
	s8 =	simm.s32 @!p0 $0x1BF5;
	p2 =	por !p2, p0  }
0x20: {  	[sflag:s8] =	ssyncset.s32 @!p0 $0xFFFFF086;
	s6 =	sadd.s32 @!p0 s3, s7;
	s7 =	simm.s32 @!p0 $0x108  }
0x21: {  	s3 =	sadd.s32 s3, s9;
	s6 =	sadd.s32 @!p0 $0x88, s6;
	s7 =	simm.s32 @p2 $0x1082  }
0x22: {  	[simem:s7], [sflag:s8] =	dma.local @!p0 [hbm:s6], $0xF7A  }
0x23: {  	s9 =	sor.u32 $0xD0000000, s2;
	s6 =	simm.s32 $0x108;
	_ =	swait.ge @!p0 [sflag:s8], $0x0  }
0x24: {  	s3 =	sadd.s32 $0x88, s3;
	s6 =	simm.s32 @!p1 $0x1082;
	[sflag:s4] =	ssyncset.s32 $0xFFFFF086  }
0x25: {  	[simem:s6], [sflag:s4] =	dma.local [hbm:s3], $0xF7A  }
0x26: {  	[smem:$0x3F94] =	sst s1;
	(tag) =	ssettag s2;
	_ =	strace s9  }
0x27: {  	s1 =	sld [smem:$0x3FA4]  }
0x28: {  	s2 =	sld [smem:$0x3FA5]  }
0x29: {  	s4 =	sld [smem:$0x3FA7]  }
0x2a: {  	p0 =	seq.s32 s5, $0x0;
	s5 =	sld [smem:$0x3FA8]  }
0x2b: {  	s6 =	sld [smem:$0x3FA9]  }
0x2c: {  	s7 =	sld [smem:$0x3FAA]  }
0x2d: {  	s3 =	simm.s32 $0x108;
	s8 =	sld [smem:$0x3FAB]  }
0x2e: {  	s3 =	simm.s32 @!p0 $0x1082;
	s9 =	sld [smem:$0x3FAC]  }
0x2f: {  	lr =	sadd.s32 s0, s3;
	s0 =	sld [smem:$0x3FA3]  }
0x30: {  	s3 =	sld [smem:$0x3FA6]  }
0x31: {  	[smem:$0x3FAF] =	sst s10  }
0x32: {  	s10 =	sld [smem:$0x3FAD];
	_ =	sdelay $0x3  }
0x33: {  	p0 =	seq.s32 s10, $0x1;
	s10 =	sld [smem:$0x3FAF];
	_ =	sdelay $0x3  }
0x34: {  	[smem:$0x3FAF] =	sst s10  }
0x35: {  	s10 =	sld [smem:$0x3FAE];
	_ =	sdelay $0x3  }
0x36: {  	p1 =	seq.s32 s10, $0x1;
	s10 =	sld [smem:$0x3FAF];
	_ =	sdelay $0x3  }
0x37: {  	[smem:$0x3FAF] =	sst s10  }
0x38: {  	s10 =	sld [smem:$0x3FB0]  }
0x39: {  	_ = 	snop;
	(pc) =	sbr.ind lr, $3  }
0x3a: {  	_ = 	snop  }
0x3b: {  	_ = 	snop  }
0x3c: {  	p2 =	seq.s32 s10, $0x1;
	s10 =	sld [smem:$0x3FAF]  }
0x3d: {  	_ =	shalt  }
0x3e: {  	_ =	shalt  }
0x3f: {  	_ =	shalt  }
0x40: {  	_ =	shalt  }
0x41: {  	_ =	shalt  }
0x42: {  	_ =	shalt  }
0x43: {  	_ =	shalt  }
0x44: {  	_ =	shalt  }
0x45: {  	_ =	shalt  }
0x46: {  	_ =	shalt  }
0x47: {  	_ =	shalt  }
0x48: {  	_ =	shalt  }
0x49: {  	_ =	shalt  }
0x4a: {  	_ =	shalt  }
0x4b: {  	_ =	shalt  }
0x4c: {  	_ =	shalt  }
0x4d: {  	_ =	shalt  }
0x4e: {  	_ =	shalt  }
0x4f: {  	_ =	shalt  }
0x50: {  	_ =	shalt  }
0x51: {  	_ =	shalt  }
0x52: {  	_ =	shalt  }
0x53: {  	_ =	shalt  }
0x54: {  	_ =	shalt  }
0x55: {  	_ =	shalt  }
0x56: {  	_ =	shalt  }
0x57: {  	_ =	shalt  }
0x58: {  	_ =	shalt  }
0x59: {  	_ =	shalt  }
0x5a: {  	_ =	shalt  }
0x5b: {  	_ =	shalt  }
0x5c: {  	_ =	shalt  }
0x5d: {  	_ =	shalt  }
0x5e: {  	_ =	shalt  }
0x5f: {  	_ =	shalt  }
0x60: {  	_ =	shalt  }
0x61: {  	_ =	shalt  }
0x62: {  	_ =	shalt  }
0x63: {  	_ =	shalt  }
0x64: {  	_ =	shalt  }
0x65: {  	_ =	shalt  }
0x66: {  	_ =	shalt  }
0x67: {  	_ =	shalt  }
0x68: {  	_ =	shalt  }
0x69: {  	_ =	shalt  }
0x6a: {  	_ =	shalt  }
0x6b: {  	_ =	shalt  }
0x6c: {  	_ =	shalt  }
0x6d: {  	_ =	shalt  }
0x6e: {  	_ =	shalt  }
0x6f: {  	_ =	shalt  }
0x70: {  	_ =	shalt  }
0x71: {  	_ =	shalt  }
0x72: {  	_ =	shalt  }
0x73: {  	_ =	shalt  }
0x74: {  	_ =	shalt  }
0x75: {  	_ =	shalt  }
0x76: {  	_ =	shalt  }
0x77: {  	_ =	shalt  }
0x78: {  	_ =	shalt  }
0x79: {  	_ =	shalt  }
0x7a: {  	_ =	shalt  }
0x7b: {  	_ =	shalt  }
0x7c: {  	_ =	shalt  }
0x7d: {  	_ =	shalt  }
0x7e: {  	_ =	shalt  }
0x7f: {  	_ =	shalt  }
0x80: {  	_ =	shalt  }
0x81: {  	_ =	shalt  }
0x82: {  	_ =	shalt  }
0x83: {  	_ =	shalt  }
0x84: {  	_ =	shalt  }
0x85: {  	_ =	shalt  }
0x86: {  	_ =	shalt  }
0x87: {  	_ =	shalt  }
.Lfunc_end0:
.L_simem_size_0:
called_computation.2_lowered:
.L_overlay_start_0:
0x88: {  	s2 =	sld [smem:$0x3FD9]  }
0x89: {  	s3 =	sld [smem:$0x3FFE];
	_ =	sdelay $0x1  }
0x8a: {  	s1 =	srdreg.scid  }
0x8b: {  	s0 =	sand.u32 $0x1, s1  }
0x8c: {  	s16 =	sshll.u32 s0, $0xA;
	s2 =	sadd.s32 s3, s2  }
0x8d: {  	s2 =	sadd.s32 s2, s16  }
0x8e: {  	[smem:$0x3FBB] =	sst s2  }
0x8f: {  	_ = 	snop  }
0x90: {  	(tm) =	ssettm $0x1  }
0x91: {  	s17 =	sld [smem:$0x3FFB];
	_ =	sdelay $0x3  }
0x92: {  	_ =	strace s17  }
0x93: {  	s2 =	sld [smem:$0x3FFC];
	_ =	sdelay $0x3  }
0x94: {  	_ =	strace s2  }
0x95: {  	s2 =	sld [smem:$0x3FFD];
	_ =	sdelay $0x3  }
0x96: {  	_ =	strace s2  }
0x97: {  	_ =	strace $0x8FFFFFFF  }
0x98: {  	s18 =	sld [smem:$0x3FDB];
	_ =	sdelay $0x1  }
0x99: {  	s19 =	simm.s32 $_scs_section_size  }
0x9a: {  	s4 =	simm.s32 $_size__tile_overlayer_lowered;
	s5 =	simm.s32 $_tile_overlayer_lowered  }
0x9b: {  	s22 =	simm.s32 $0x1BFF;
	s21 =	sshll.u32 s5, $0x1;
	s2 =	sadd.s32 s19, s18  }
0x9c: {  	s6 =	simm.s32 $0x0;
	s20 =	sshll.u32 s4, $0x1;
	s4 =	sadd.s32 s21, s2  }
0x9d: {  	[timem:s6], [sflag:s22] =	dma.local [hbm:s4], s20  }
0x9e: {  	_ =	swait.ge [sflag:s22], s20  }
0x9f: {  	s3 =	ssub.s32 $0x0, s20;
	[sflag:s22] =	ssyncset.done $0x0  }
0xa0: {  	[sflag:s22] =	ssyncadd.s32 s3;
	_ =	sdelay $0x1  }
0xa1: {  	s23 =	simm.s32 $0x1B8B  }
0xa2: {  	_ =	swait.ge [sflag:s23], $0x1  }
0xa3: {  	[sflag:s23] =	ssyncset.done $0x0  }
0xa4: {  	s25 =	simm.s32 $0x1B8E;
	s24 =	sld [smem:$0x3FFE];
	[sflag:s23] =	ssyncadd.s32 $0xFFFFFFFF  }
0xa5: {  	s26 =	simm.s32 $execute0_lowered;
	[smem:$0x3FD2] =	sst s25  }
0xa6: {  	s4 =	sshll.u32 s26, $0x1;
	_ =	strace $0x8000004C;
	[dreg:$0x1] =	wrdreg $0xFFFFFFFF  }
0xa7: {  	s28 =	simm.s32 $_size_execute0_lowered;
	s2 =	sadd.s32 s2, s4;
	[dreg:$0x0] =	wrdreg $0x0  }
0xa8: {  	s4 =	sshll.u32 s28, $0x1;
	[dreg:$0x2] =	wrdreg s2  }
0xa9: {  	[dreg:$0x3] =	wrdreg s4  }
0xaa: {  	[dreg:$0x4] =	wrdreg $0xC0  }
0xab: {  	_ =	task [dreg:s6], $0x5FFFF  }
0xac: {  	[dreg:$0x1] =	wrdreg $0xFFFFFFFF  }
0xad: {  	[dreg:$0x0] =	wrdreg $0x60  }
0xae: {  	[dreg:$0x2] =	wrdreg s24  }
0xaf: {  	[dreg:$0x3] =	wrdreg $0xC1000  }
0xb0: {  	[dreg:$0x4] =	wrdreg $0x9  }
0xb1: {  	_ =	task.clear_ibuf [dreg:s6], $0x5FFFF;
	_ =	strace $0x9000004C  }
0xb2: {  	s29 =	simm.s32 $0x9;
	_ =	strace $0x8000004E  }
0xb3: {  	_ =	swait.ge [sflag:s29], $0x1  }
0xb4: {  	[sflag:s29] =	ssyncadd.s32 $0xFFFFFFFF  }
0xb5: {  	_ =	strace $0x9000004E  }
0xb6: {  	_ =	sfence  }
0xb7: {  	s30 =	sld [smem:$0x0];
	_ =	sdelay $0x2  }
0xb8: {  	s31 =	sshll.u32 s1, $0xD;
	s1 =	sshrl.u32 s1, $0x2  }
0xb9: {  	s3 =	sand.u32 $0x4000, s31;
	s1 =	sadd.s32 s1, s30  }
0xba: {  	s0 =	sor.u32 s3, s0;
	s1 =	sshll.u32 s1, $0x11  }
0xbb: {  	s0 =	sor.u32 s1, s0  }
0xbc: {  	s0 =	sadd.s32 $0x8F2B, s0  }
0xbd: {  	[sflag:s0] =	ssyncadd.remote.s32 $0x1  }
0xbe: {  	_ =	sfence.sel $0xFFFF  }
0xbf: {  	[dreg:$0x0] =	wrdreg $0xFFFFFFFF;
	(pc) =	sbr.abs _section_cstart, $3  }
0xc0: {  	[dreg:$0x1] =	wrdreg $0xFFFFFFFF  }
0xc1: {  	_ =	task.clear_ibuf [dreg:s6], $0x2FFFF;
	_ =	strace $0x9FFFFFFF  }
0xc2: {  	(tm) =	ssettm $0x7FFFFFFF  }
0xc3: {  	_ =	shalt  }
tec
execute0_lowered:
.L_overlay_start_1:
0x0: {  	(tag) =	ssettag $0x1  }
0x1: {  	s0 =	rddreg [dreg:$0x0]  }
0x2: {  	s1 =	rddreg [dreg:$0x1];
	s3 =	srdreg.scid;
	s2 =	simm.s32 $0x0  }
0x3: {  	s6 =	simm.s32 $0x7;
	s10 =	stileid.u32;
	s28 =	simm.s32 $0x2  }
0x4: {  	s29 =	simm.s32 $0x3;
	s30 =	simm.s32 $0x5;
	s31 =	simm.s32 $0x6  }
0x5: {  	s3 =	sand.u32 $0x1, s3;
	[smem:$0x7FF] =	sst s2;
	s9 =	smul.u32 $0x4F000, s10  }
0x6: {  	s4 =	sadd.s32 $0x18000, s0;
	s5 =	sadd.s32 $0x3000, s0;
	s14 =	smul.u32 $0x13C00, s10  }
0x7: {  	p0 =	seq.s32 s3, $0x0;
	_ =	strace $0x8000004D;
	s8 =	sshll.u32 s3, $0xF  }
0x8: {  	s24 =	ssub.s32 $0x2, s3;
	s19 =	smul.u32 $0x13C000, s3;
	s3 =	sshll.u32 s3, $0x12  }
0x9: {  	s6 =	simm.s32 @!p0 $0x5;
	s25 =	sshrl.u32 s24, $0x1;
	s9 =	sshrl.u32 s9, $0x2  }
0xa: {  	s16 =	sadd.s32 $0x4000, s14;
	s17 =	sadd.s32 $0x8000, s14;
	s18 =	sadd.s32 $0xC000, s14  }
0xb: {  	s21 =	sadd.s32 $0x10000, s14;
	s12 =	sshll.u32 s10, s6;
	s6 =	simm.s32 $0x7  }
0xc: {  	s20 =	ssub.s32 s24, s25;
	s10 =	sadd.s32 s18, s1;
	s11 =	sadd.s32 s21, s1  }
0xd: {  	s26 =	sadd.s32 s14, s19;
	s14 =	simm.s32 $0x40;
	s23 =	sadd.s32 s19, s16  }
0xe: {  	s18 =	sadd.s32 s19, s18;
	s25 =	sadd.s32 s19, s21;
	s7 =	sshll.u32 s12, $0x4  }
0xf: {  	s22 =	sshrl.u32 s26, $0x3;
	s14 =	simm.s32 @!p0 $0x10;
	s18 =	sshrl.u32 s18, $0x3  }
0x10: {  	s12 =	sshll.u32 s12, $0x7;
	s20 =	smax.u32 s20, $0x1;
	s13 =	sor.u32 s7, s8  }
0x11: {  	s7 =	sadd.s32 s9, s1;
	s8 =	sadd.s32 s16, s1;
	s9 =	sadd.s32 s17, s1  }
0x12: {  	s17 =	sadd.s32 s19, s17;
	s26 =	sor.u32 s12, s3;
	s3 =	simm.s32 $0x0  }
0x13: {  	s15 =	sadd.s32 s13, s0;
	s0 =	sadd.s32 $0x66400, s0;
	s13 =	sadd.s32 s5, s13  }
0x14: {  	s24 =	sshrl.u32 s17, $0x3;
	s15 =	sadd.s32 $0xD800, s15;
	[dreg:$0x4] =	wrdreg s13  }
0x15: {  	s13 =	sadd.s32 s0, s22;
	s17 =	sadd.s32 s0, s24;
	s18 =	sadd.s32 s0, s18  }
0x16: {  	s22 =	simm.s32 $0x4100;
	[dreg:$0x5] =	wrdreg s13;
	s13 =	sshrl.u32 s23, $0x3  }
0x17: {  	s24 =	simm.s32 $0x80;
	s16 =	sadd.s32 s0, s13;
	s13 =	sshrl.u32 s25, $0x3  }
0x18: {  	[dreg:$0x3] =	wrdreg s15;
	s25 =	simm.s32 $0x1;
	s19 =	sadd.s32 s0, s13  }
0x19: {  	v0 =	vimm.f32 $0.0e+00;
	s13 =	sor.u32 $0x100, s26;
	s26 =	simm.s32 $0x8100;
	s0 =	simm.s32 $0x4  }
.LBB2_1:
0x1a: {  	s12 =	simm.s32 $0x0;
	s21 =	simm.s32 $0x200  }
.LBB2_2:
0x1b: {  	p0 =	sne.s32 s21, $0xFE00;
	[tilespmem:s12+$0x4170] =	vst v0  }
0x1c: {  	[tilespmem:s12+$0x4100] =	vst v0  }
0x1d: {  	[tilespmem:s12+$0x4110] =	vst v0  }
.Ltmp0:
0x1e: {  	[tilespmem:s12+$0x4120] =	vst v0;
	(pc) =	sbr.rel @p0 .LBB2_2-.Ltmp0, $4  }
0x1f: {  	[tilespmem:s12+$0x4130] =	vst v0  }
0x20: {  	[tilespmem:s12+$0x4140] =	vst v0  }
0x21: {  	[tilespmem:s12+$0x4150] =	vst v0  }
0x22: {  	[tilespmem:s12+$0x4160] =	vst v0;
	s12 =	sshra.s32 s21, $0x2;
	s21 =	sadd.s32 $0x200, s21  }
0x23: {  	[tilespmem:s12+$0x4170] =	vst v0  }
0x24: {  	[tilespmem:s12+$0x4100] =	vst v0  }
0x25: {  	[tilespmem:s12+$0x4110] =	vst v0  }
0x26: {  	[tilespmem:s12+$0x4120] =	vst v0  }
0x27: {  	[tilespmem:s12+$0x4130] =	vst v0  }
0x28: {  	[tilespmem:s12+$0x4140] =	vst v0  }
0x29: {  	[tilespmem:s12+$0x4150] =	vst v0  }
0x2a: {  	[tilespmem:s12+$0x4160] =	vst v0  }
0x2b: {  	[spmem:s7] =	stream.linear.scatter [tilespmem:s22], [sflag:$0x7], $0x4000, $0x38;
	[tilespmem:$0x1FD00] =	vst v63  }
0x2c: {  	_ =	swait.ge [sflag:s6], $0x4000  }
0x2d: {  	[sflag:s6] =	ssyncset.done $0x0  }
0x2e: {  	[sflag:s6] =	ssyncadd.s32 $0xFFFFC000  }
0x2f: {  	[spmem:s8] =	stream.linear.scatter [tilespmem:s22], [sflag:$0x7], $0x4000, $0x38;
	[tilespmem:$0x1FD00] =	vst v63  }
0x30: {  	_ =	swait.ge [sflag:s6], $0x4000  }
0x31: {  	[sflag:s6] =	ssyncset.done $0x0  }
0x32: {  	[sflag:s6] =	ssyncadd.s32 $0xFFFFC000  }
0x33: {  	[spmem:s9] =	stream.linear.scatter [tilespmem:s22], [sflag:$0x7], $0x4000, $0x38;
	[tilespmem:$0x1FD00] =	vst v63  }
0x34: {  	_ =	swait.ge [sflag:s6], $0x4000  }
0x35: {  	[sflag:s6] =	ssyncset.done $0x0  }
0x36: {  	[sflag:s6] =	ssyncadd.s32 $0xFFFFC000  }
0x37: {  	[spmem:s10] =	stream.linear.scatter [tilespmem:s22], [sflag:$0x7], $0x4000, $0x38;
	[tilespmem:$0x1FD00] =	vst v63  }
0x38: {  	_ =	swait.ge [sflag:s6], $0x4000  }
0x39: {  	[sflag:s6] =	ssyncset.done $0x0  }
0x3a: {  	[sflag:s6] =	ssyncadd.s32 $0xFFFFC000  }
0x3b: {  	[spmem:s11] =	stream.linear.scatter [tilespmem:s22], [sflag:$0x7], $0x3C00, $0x38;
	[tilespmem:$0x1FD00] =	vst v63  }
0x3c: {  	_ =	swait.ge [sflag:s6], $0x3C00  }
0x3d: {  	[sflag:s6] =	ssyncset.done $0x0  }
0x3e: {  	[sflag:s6] =	ssyncadd.s32 $0xFFFFC400  }
0x3f: {  	[bflag:$0x0] =	sbarrier.arrive $0xFFFF  }
0x40: {  	s15 =	simm.s32 $0x100;
	s23 =	rddreg [dreg:$0x3]  }
0x41: {  	[tilespmem:s15], [sflag:$0x7] =	stream.linear.gather [hbm4b:s23+s2], $0x4000, $0x38;
	[tilespmem:$0x1FD00] =	vst v63  }
0x42: {  	_ =	swait.ge [sflag:s6], $0x4000  }
0x43: {  	[sflag:s6] =	ssyncset.done $0x0  }
0x44: {  	s21 =	rddreg [dreg:$0x4];
	[sflag:s6] =	ssyncadd.s32 $0xFFFFC000  }
0x45: {  	[tilespmem:s2], [sflag:$0x7] =	stream.linear.gather [hbm4b:s21+s2], $0x100, $0x38;
	[tilespmem:$0x1FD00] =	vst v63  }
0x46: {  	_ =	swait.ge [sflag:s6], $0x100  }
0x47: {  	[sflag:s6] =	ssyncset.done $0x0  }
0x48: {  	[sflag:s6] =	ssyncadd.s32 $0xFFFFFF00  }
0x49: {  	[tilespmem:s22], [sflag:$0x1] =	stream.indirect.gather [hbm4b:s4+s24], $0x80, s2, s24, $0xb8;
	[tilespmem:$0x1FD00] =	vst v63  }
0x4a: {  	_ =	swait.ge [sflag:s25], $0x4000  }
0x4b: {  	[sflag:s25] =	ssyncset.done $0x0  }
0x4c: {  	s23 =	sshrl.u32 s13, $0x3;
	[sflag:s25] =	ssyncadd.s32 $0xFFFFC000  }
0x4d: {  	[tilespmem:s26], [sflag:$0x2] =	stream.indirect.gather [hbm4b:s4+s24], $0x80, s24, s24, $0xb8;
	[tilespmem:$0x1FD00] =	vst v63  }
0x4e: {  	s12 =	sadd.s32 s5, s23  }
0x4f: {  	[tilespmem:s2], [sflag:$0x3] =	stream.linear.gather [hbm4b:s12+s2], $0x80, $0x38;
	[tilespmem:$0x1FD00] =	vst v63  }
0x50: {  	s15 =	simm.s32 $0x100  }
0x51: {  	[spmem:s1] =	stream.indirect.scatter.add.f32 [tilespmem:s22], [sflag:$0x5], $0x80, s15, s24, $0xb8;
	[tilespmem:$0x1FD00] =	vst v63  }
0x52: {  	_ =	swait.ge [sflag:s28], $0x4000  }
0x53: {  	[sflag:s28] =	ssyncset.done $0x0  }
0x54: {  	s23 =	simm.s32 $0x180;
	[sflag:s28] =	ssyncadd.s32 $0xFFFFC000  }
0x55: {  	[spmem:s1] =	stream.indirect.scatter.add.f32 [tilespmem:s26], [sflag:$0x6], $0x80, s23, s24, $0xb8;
	[tilespmem:$0x1FD00] =	vst v63  }
0x56: {  	_ =	swait.ge [sflag:s29], $0x80  }
0x57: {  	[sflag:s29] =	ssyncset.done $0x0  }
0x58: {  	[sflag:s29] =	ssyncadd.s32 $0xFFFFFF80  }
0x59: {  	_ =	swait.ge [sflag:s30], $0x4000  }
0x5a: {  	s21 =	sadd.s32 $0x80, s13;
	[sflag:s30] =	ssyncset.done $0x0  }
0x5b: {  	s12 =	sshrl.u32 s21, $0x3;
	[sflag:s30] =	ssyncadd.s32 $0xFFFFC000  }
0x5c: {  	[tilespmem:s22], [sflag:$0x1] =	stream.indirect.gather [hbm4b:s4+s24], $0x80, s2, s24, $0xb8;
	[tilespmem:$0x1FD00] =	vst v63  }
0x5d: {  	p0 =	sne.s32 s14, $0x1;
	s12 =	sadd.s32 s5, s12  }
0x5e: {  	[tilespmem:s24], [sflag:$0x4] =	stream.linear.gather [hbm4b:s12+s2], $0x80, $0x38;
	[tilespmem:$0x1FD00] =	vst v63  }
.Ltmp1:
0x5f: {  	_ = 	snop;
	(pc) =	sbr.rel @!p0 .LBB2_5-.Ltmp1, $4  }
0x60: {  	_ =	swait.ge [sflag:s31], $0x4000  }
0x61: {  	[sflag:s31] =	ssyncset.done $0x0  }
0x62: {  	[sflag:s31] =	ssyncadd.s32 $0xFFFFC000  }
0x63: {  	s21 =	smov.u32 s13;
	s12 =	sadd.s32 $0xFFFFFFFF, s14;
	_ =	swait.ge [sflag:s0], $0x80  }
.LBB2_4:
0x64: {  	[sflag:s0] =	ssyncset.done $0x0;
	s21 =	sadd.s32 $0x100, s21;
	s23 =	sadd.s32 $0x100, s23  }
0x65: {  	p0 =	sne.s32 s12, $0x1;
	s12 =	sadd.s32 $0xFFFFFFFF, s12;
	[sflag:s0] =	ssyncadd.s32 $0xFFFFFF80  }
0x66: {  	_ =	swait.ge [sflag:s25], $0x4000  }
0x67: {  	[sflag:s25] =	ssyncset.done $0x0  }
0x68: {  	s15 =	sshrl.u32 s21, $0x3;
	[sflag:s25] =	ssyncadd.s32 $0xFFFFC000  }
0x69: {  	[tilespmem:s26], [sflag:$0x2] =	stream.indirect.gather [hbm4b:s4+s24], $0x80, s24, s24, $0xb8;
	[tilespmem:$0x1FD00] =	vst v63  }
0x6a: {  	s15 =	sadd.s32 s5, s15  }
0x6b: {  	[tilespmem:s2], [sflag:$0x3] =	stream.linear.gather [hbm4b:s15+s2], $0x80, $0x38;
	[tilespmem:$0x1FD00] =	vst v63  }
0x6c: {  	s15 =	sadd.s32 $0xFFFFFF80, s23  }
0x6d: {  	[spmem:s1] =	stream.indirect.scatter.add.f32 [tilespmem:s22], [sflag:$0x5], $0x80, s15, s24, $0xb8;
	[tilespmem:$0x1FD00] =	vst v63  }
0x6e: {  	_ =	swait.ge [sflag:s28], $0x4000  }
0x6f: {  	[sflag:s28] =	ssyncset.done $0x0  }
0x70: {  	[sflag:s28] =	ssyncadd.s32 $0xFFFFC000  }
0x71: {  	[spmem:s1] =	stream.indirect.scatter.add.f32 [tilespmem:s26], [sflag:$0x6], $0x80, s23, s24, $0xb8;
	[tilespmem:$0x1FD00] =	vst v63  }
0x72: {  	_ =	swait.ge [sflag:s29], $0x80  }
0x73: {  	[sflag:s29] =	ssyncset.done $0x0  }
0x74: {  	[sflag:s29] =	ssyncadd.s32 $0xFFFFFF80  }
0x75: {  	_ =	swait.ge [sflag:s30], $0x4000  }
0x76: {  	[sflag:s30] =	ssyncset.done $0x0  }
0x77: {  	s15 =	sadd.s32 $0x80, s21;
	[sflag:s30] =	ssyncadd.s32 $0xFFFFC000  }
0x78: {  	[tilespmem:s22], [sflag:$0x1] =	stream.indirect.gather [hbm4b:s4+s24], $0x80, s2, s24, $0xb8;
	[tilespmem:$0x1FD00] =	vst v63  }
0x79: {  	s15 =	sshrl.u32 s15, $0x3  }
0x7a: {  	s15 =	sadd.s32 s5, s15  }
0x7b: {  	[tilespmem:s24], [sflag:$0x4] =	stream.linear.gather [hbm4b:s15+s2], $0x80, $0x38;
	[tilespmem:$0x1FD00] =	vst v63  }
.Ltmp2:
0x7c: {  	_ = 	snop;
	(pc) =	sbr.rel @p0 .LBB2_4-.Ltmp2, $4  }
0x7d: {  	_ =	swait.ge [sflag:s31], $0x4000  }
0x7e: {  	[sflag:s31] =	ssyncset.done $0x0  }
0x7f: {  	[sflag:s31] =	ssyncadd.s32 $0xFFFFC000  }
0x80: {  	_ =	swait.ge [sflag:s0], $0x80  }
.LBB2_5:
0x81: {  	[sflag:s0] =	ssyncset.done $0x0  }
0x82: {  	[sflag:s0] =	ssyncadd.s32 $0xFFFFFF80  }
0x83: {  	_ =	swait.ge [sflag:s25], $0x4000  }
0x84: {  	[sflag:s25] =	ssyncset.done $0x0  }
0x85: {  	[sflag:s25] =	ssyncadd.s32 $0xFFFFC000  }
0x86: {  	[bflag:$0x0] =	sbarrier.arrive $0xFFFF  }
0x87: {  	[tilespmem:s22], [sflag:$0x7] =	stream.linear.gather [spmem:s7], $0x4000, $0x38;
	[tilespmem:$0x1FD00] =	vst v63  }
0x88: {  	_ =	swait.ge [sflag:s6], $0x4000  }
0x89: {  	[sflag:s6] =	ssyncset.done $0x0  }
0x8a: {  	s12 =	rddreg [dreg:$0x5];
	[sflag:s6] =	ssyncadd.s32 $0xFFFFC000  }
0x8b: {  	[hbm4b:s12+s2] =	stream.linear.scatter [tilespmem:s22], [sflag:$0x7], $0x4000, $0x38;
	[tilespmem:$0x1FD00] =	vst v63  }
0x8c: {  	_ =	swait.ge [sflag:s6], $0x4000  }
0x8d: {  	[sflag:s6] =	ssyncset.done $0x0  }
0x8e: {  	[sflag:s6] =	ssyncadd.s32 $0xFFFFC000  }
0x8f: {  	[tilespmem:s22], [sflag:$0x7] =	stream.linear.gather [spmem:s8], $0x4000, $0x38;
	[tilespmem:$0x1FD00] =	vst v63  }
0x90: {  	_ =	swait.ge [sflag:s6], $0x4000  }
0x91: {  	[sflag:s6] =	ssyncset.done $0x0  }
0x92: {  	[sflag:s6] =	ssyncadd.s32 $0xFFFFC000  }
0x93: {  	[hbm4b:s16+s2] =	stream.linear.scatter [tilespmem:s22], [sflag:$0x7], $0x4000, $0x38;
	[tilespmem:$0x1FD00] =	vst v63  }
0x94: {  	_ =	swait.ge [sflag:s6], $0x4000  }
0x95: {  	[sflag:s6] =	ssyncset.done $0x0  }
0x96: {  	[sflag:s6] =	ssyncadd.s32 $0xFFFFC000  }
0x97: {  	[tilespmem:s22], [sflag:$0x7] =	stream.linear.gather [spmem:s9], $0x4000, $0x38;
	[tilespmem:$0x1FD00] =	vst v63  }
0x98: {  	_ =	swait.ge [sflag:s6], $0x4000  }
0x99: {  	[sflag:s6] =	ssyncset.done $0x0  }
0x9a: {  	[sflag:s6] =	ssyncadd.s32 $0xFFFFC000  }
0x9b: {  	[hbm4b:s17+s2] =	stream.linear.scatter [tilespmem:s22], [sflag:$0x7], $0x4000, $0x38;
	[tilespmem:$0x1FD00] =	vst v63  }
0x9c: {  	_ =	swait.ge [sflag:s6], $0x4000  }
0x9d: {  	[sflag:s6] =	ssyncset.done $0x0  }
0x9e: {  	[sflag:s6] =	ssyncadd.s32 $0xFFFFC000  }
0x9f: {  	[tilespmem:s22], [sflag:$0x7] =	stream.linear.gather [spmem:s10], $0x4000, $0x38;
	[tilespmem:$0x1FD00] =	vst v63  }
0xa0: {  	_ =	swait.ge [sflag:s6], $0x4000  }
0xa1: {  	[sflag:s6] =	ssyncset.done $0x0  }
0xa2: {  	[sflag:s6] =	ssyncadd.s32 $0xFFFFC000  }
0xa3: {  	[hbm4b:s18+s2] =	stream.linear.scatter [tilespmem:s22], [sflag:$0x7], $0x4000, $0x38;
	[tilespmem:$0x1FD00] =	vst v63  }
0xa4: {  	_ =	swait.ge [sflag:s6], $0x4000  }
0xa5: {  	[sflag:s6] =	ssyncset.done $0x0  }
0xa6: {  	[sflag:s6] =	ssyncadd.s32 $0xFFFFC000  }
0xa7: {  	[tilespmem:s22], [sflag:$0x7] =	stream.linear.gather [spmem:s11], $0x3C00, $0x38;
	[tilespmem:$0x1FD00] =	vst v63  }
0xa8: {  	s3 =	sadd.s32 $0x1, s3;
	_ =	swait.ge [sflag:s6], $0x3C00  }
0xa9: {  	p0 =	sne.s32 s3, s20;
	[sflag:s6] =	ssyncset.done $0x0  }
.Ltmp3:
0xaa: {  	[sflag:s6] =	ssyncadd.s32 $0xFFFFC400;
	(pc) =	sbr.rel @p0 .LBB2_1-.Ltmp3, $4  }
0xab: {  	[hbm4b:s19+s2] =	stream.linear.scatter [tilespmem:s22], [sflag:$0x7], $0x3C00, $0x38;
	[tilespmem:$0x1FD00] =	vst v63  }
0xac: {  	_ =	swait.ge [sflag:s6], $0x3C00  }
0xad: {  	[sflag:s6] =	ssyncset.done $0x0  }
0xae: {  	[sflag:s6] =	ssyncadd.s32 $0xFFFFC400  }
0xaf: {  	_ =	sfence.sel $0x180000  }
0xb0: {  	[bflag:$0x0] =	sbarrier.arrive $0xFFFF  }
0xb1: {  	_ =	strace $0x9000004D  }
0xb2: {  	s0 =	stileid.u32;
	[bflag:$0x2] =	sbarrier.arrive $0xFFFF  }
0xb3: {  	p0 =	sne.s32 s0, $0x0;
	s0 =	rddreg [dreg:$0x2]  }
0xb4: {  	s0 =	sadd.s32 @!p0 $0x100000, s0  }
0xb5: {  	[sflag:s0] =	ssyncadd.tile.s32 @!p0 $0x1;
	_ =	shalt  }
.Lfunc_end2:
_tile_overlayer_lowered:
.L_overlay_start_2:
0xb6: {  	(tag) =	ssettag $0x2  }
0xb7: {  	s0 =	rddreg [dreg:$0x0];
	s2 =	stileid.u32  }
0xb8: {  	s1 =	rddreg [dreg:$0x1];
	p0 =	sne.s32 s2, $0x0  }
0xb9: {  	s3 =	rddreg [dreg:$0x2];
	[bflag:$0x3] =	sbarrier.arrive $0xFFFF;
	s2 =	simm.s32 @!p0 $0x1C07  }
0xba: {  	[timem:s3], [sflag:s2] =	dma.local @!p0 [hbm:s0], s1  }
0xbb: {  	s0 =	simm.s32 @!p0 $0x7  }
0xbc: {  	_ =	swait.ge @!p0 [sflag:s0], s1  }
0xbd: {  	s1 =	ssub.s32 @!p0 $0x0, s1;
	[sflag:s0] =	ssyncset.done @!p0 $0x0  }
0xbe: {  	[sflag:s0] =	ssyncadd.s32 @!p0 s1  }
0xbf: {  	[bflag:$0x3] =	sbarrier.arrive $0xFFFF  }
0xc0: {  	_ =	shalt  }

// kernel: kernel.8.cloned.1.call-start
scs
__scs_entry_jumppad:
0x0: {  	(pc) =	sbr.rel $0x88, $3  }
0x1: {  	(tag) =	ssettag $0x0;
	lr =	simm.s32 $0x1  }
0x2: {  	[smem:$0x3F94] =	sst lr;
	_ =	strace $0xD0000000  }
0x3: {  	_ = 	snop  }
0x4: {  	_ = 	snop  }
0x5: {  	_ = 	snop  }
0x6: {  	_ = 	snop  }
0x7: {  	_ = 	snop  }
__scs_overlays_trampoline_lowered:
0x8: {  	[smem:$0x3FA3] =	sst s0  }
0x9: {  	[smem:$0x3FA4] =	sst s1  }
0xa: {  	[smem:$0x3FA5] =	sst s2  }
0xb: {  	[smem:$0x3FA6] =	sst s3  }
0xc: {  	[smem:$0x3FA7] =	sst s4  }
0xd: {  	[smem:$0x3FA8] =	sst s5  }
0xe: {  	[smem:$0x3FA9] =	sst s6  }
0xf: {  	[smem:$0x3FAA] =	sst s7  }
0x10: {  	[smem:$0x3FAB] =	sst s8  }
0x11: {  	[smem:$0x3FAC] =	sst s9;
	s0 =	simm.s32 @!p0 $0x0  }
0x12: {  	s1 =	sld [smem:$0x3F92];
	s0 =	simm.s32 @p0 $0x1  }
0x13: {  	[smem:$0x3FAD] =	sst s0;
	s0 =	simm.s32 @!p1 $0x0  }
0x14: {  	s2 =	sld [smem:$0x3F91];
	s0 =	simm.s32 @p1 $0x1  }
0x15: {  	[smem:$0x3FAE] =	sst s0;
	s0 =	simm.s32 @!p2 $0x0  }
0x16: {  	s3 =	sld [smem:$0x3FDB];
	s0 =	simm.s32 @p2 $0x1  }
0x17: {  	s4 =	simm.s32 $0x1BF5;
	[smem:$0x3FB0] =	sst s0  }
0x18: {  	s0 =	sld [smem:$0x3F93];
	_ =	swait.ge [sflag:s4], $0x0  }
0x19: {  	s7 =	sld [smem:$0x3F94]  }
0x1a: {  	s8 =	sadd.s32 $0xFFFFE003, lr  }
0x1b: {  	s9 =	sadd.s32 $0xFFFFFEF7, lr;
	s5 =	simm.s32 $0xFFFFFFFF;
	p2 =	slt.u32 s8, $0xFFFFF086  }
0x1c: {  	p1 =	slt.u32 s9, $0xF7A;
	s5 =	simm.s32 @!p2 $0x0  }
0x1d: {  	s5 =	simm.s32 @p1 $0x1;
	p0 =	seq.s32 s7, s2  }
0x1e: {  	s7 =	smul.u32 @!p0 $0xF7A, s2;
	p2 =	seq.s32 @!p0 s5, $0x0  }
0x1f: {  	s9 =	smul.u32 $0xF7A, s1;
	s8 =	simm.s32 @!p0 $0x1BF5;
	p2 =	por !p2, p0  }
0x20: {  	[sflag:s8] =	ssyncset.s32 @!p0 $0xFFFFF086;
	s6 =	sadd.s32 @!p0 s3, s7;
	s7 =	simm.s32 @!p0 $0x108  }
0x21: {  	s3 =	sadd.s32 s3, s9;
	s6 =	sadd.s32 @!p0 $0x88, s6;
	s7 =	simm.s32 @p2 $0x1082  }
0x22: {  	[simem:s7], [sflag:s8] =	dma.local @!p0 [hbm:s6], $0xF7A  }
0x23: {  	s9 =	sor.u32 $0xD0000000, s2;
	s6 =	simm.s32 $0x108;
	_ =	swait.ge @!p0 [sflag:s8], $0x0  }
0x24: {  	s3 =	sadd.s32 $0x88, s3;
	s6 =	simm.s32 @!p1 $0x1082;
	[sflag:s4] =	ssyncset.s32 $0xFFFFF086  }
0x25: {  	[simem:s6], [sflag:s4] =	dma.local [hbm:s3], $0xF7A  }
0x26: {  	[smem:$0x3F94] =	sst s1;
	(tag) =	ssettag s2;
	_ =	strace s9  }
0x27: {  	s1 =	sld [smem:$0x3FA4]  }
0x28: {  	s2 =	sld [smem:$0x3FA5]  }
0x29: {  	s4 =	sld [smem:$0x3FA7]  }
0x2a: {  	p0 =	seq.s32 s5, $0x0;
	s5 =	sld [smem:$0x3FA8]  }
0x2b: {  	s6 =	sld [smem:$0x3FA9]  }
0x2c: {  	s7 =	sld [smem:$0x3FAA]  }
0x2d: {  	s3 =	simm.s32 $0x108;
	s8 =	sld [smem:$0x3FAB]  }
0x2e: {  	s3 =	simm.s32 @!p0 $0x1082;
	s9 =	sld [smem:$0x3FAC]  }
0x2f: {  	lr =	sadd.s32 s0, s3;
	s0 =	sld [smem:$0x3FA3]  }
0x30: {  	s3 =	sld [smem:$0x3FA6]  }
0x31: {  	[smem:$0x3FAF] =	sst s10  }
0x32: {  	s10 =	sld [smem:$0x3FAD];
	_ =	sdelay $0x3  }
0x33: {  	p0 =	seq.s32 s10, $0x1;
	s10 =	sld [smem:$0x3FAF];
	_ =	sdelay $0x3  }
0x34: {  	[smem:$0x3FAF] =	sst s10  }
0x35: {  	s10 =	sld [smem:$0x3FAE];
	_ =	sdelay $0x3  }
0x36: {  	p1 =	seq.s32 s10, $0x1;
	s10 =	sld [smem:$0x3FAF];
	_ =	sdelay $0x3  }
0x37: {  	[smem:$0x3FAF] =	sst s10  }
0x38: {  	s10 =	sld [smem:$0x3FB0]  }
0x39: {  	_ = 	snop;
	(pc) =	sbr.ind lr, $3  }
0x3a: {  	_ = 	snop  }
0x3b: {  	_ = 	snop  }
0x3c: {  	p2 =	seq.s32 s10, $0x1;
	s10 =	sld [smem:$0x3FAF]  }
0x3d: {  	_ =	shalt  }
0x3e: {  	_ =	shalt  }
0x3f: {  	_ =	shalt  }
0x40: {  	_ =	shalt  }
0x41: {  	_ =	shalt  }
0x42: {  	_ =	shalt  }
0x43: {  	_ =	shalt  }
0x44: {  	_ =	shalt  }
0x45: {  	_ =	shalt  }
0x46: {  	_ =	shalt  }
0x47: {  	_ =	shalt  }
0x48: {  	_ =	shalt  }
0x49: {  	_ =	shalt  }
0x4a: {  	_ =	shalt  }
0x4b: {  	_ =	shalt  }
0x4c: {  	_ =	shalt  }
0x4d: {  	_ =	shalt  }
0x4e: {  	_ =	shalt  }
0x4f: {  	_ =	shalt  }
0x50: {  	_ =	shalt  }
0x51: {  	_ =	shalt  }
0x52: {  	_ =	shalt  }
0x53: {  	_ =	shalt  }
0x54: {  	_ =	shalt  }
0x55: {  	_ =	shalt  }
0x56: {  	_ =	shalt  }
0x57: {  	_ =	shalt  }
0x58: {  	_ =	shalt  }
0x59: {  	_ =	shalt  }
0x5a: {  	_ =	shalt  }
0x5b: {  	_ =	shalt  }
0x5c: {  	_ =	shalt  }
0x5d: {  	_ =	shalt  }
0x5e: {  	_ =	shalt  }
0x5f: {  	_ =	shalt  }
0x60: {  	_ =	shalt  }
0x61: {  	_ =	shalt  }
0x62: {  	_ =	shalt  }
0x63: {  	_ =	shalt  }
0x64: {  	_ =	shalt  }
0x65: {  	_ =	shalt  }
0x66: {  	_ =	shalt  }
0x67: {  	_ =	shalt  }
0x68: {  	_ =	shalt  }
0x69: {  	_ =	shalt  }
0x6a: {  	_ =	shalt  }
0x6b: {  	_ =	shalt  }
0x6c: {  	_ =	shalt  }
0x6d: {  	_ =	shalt  }
0x6e: {  	_ =	shalt  }
0x6f: {  	_ =	shalt  }
0x70: {  	_ =	shalt  }
0x71: {  	_ =	shalt  }
0x72: {  	_ =	shalt  }
0x73: {  	_ =	shalt  }
0x74: {  	_ =	shalt  }
0x75: {  	_ =	shalt  }
0x76: {  	_ =	shalt  }
0x77: {  	_ =	shalt  }
0x78: {  	_ =	shalt  }
0x79: {  	_ =	shalt  }
0x7a: {  	_ =	shalt  }
0x7b: {  	_ =	shalt  }
0x7c: {  	_ =	shalt  }
0x7d: {  	_ =	shalt  }
0x7e: {  	_ =	shalt  }
0x7f: {  	_ =	shalt  }
0x80: {  	_ =	shalt  }
0x81: {  	_ =	shalt  }
0x82: {  	_ =	shalt  }
0x83: {  	_ =	shalt  }
0x84: {  	_ =	shalt  }
0x85: {  	_ =	shalt  }
0x86: {  	_ =	shalt  }
0x87: {  	_ =	shalt  }
.Lfunc_end0:
.L_simem_size_0:
called_computation_lowered:
.L_overlay_start_0:
0x88: {  	s2 =	sld [smem:$0x3FD9]  }
0x89: {  	s3 =	sld [smem:$0x3FFE];
	_ =	sdelay $0x1  }
0x8a: {  	s1 =	srdreg.scid  }
0x8b: {  	s0 =	sand.u32 $0x1, s1  }
0x8c: {  	s16 =	sshll.u32 s0, $0xA;
	s2 =	sadd.s32 s3, s2  }
0x8d: {  	s2 =	sadd.s32 s2, s16  }
0x8e: {  	[smem:$0x3FBB] =	sst s2  }
0x8f: {  	_ = 	snop  }
0x90: {  	(tm) =	ssettm $0x1  }
0x91: {  	s17 =	sld [smem:$0x3FFB];
	_ =	sdelay $0x3  }
0x92: {  	_ =	strace s17  }
0x93: {  	s2 =	sld [smem:$0x3FFC];
	_ =	sdelay $0x3  }
0x94: {  	_ =	strace s2  }
0x95: {  	s2 =	sld [smem:$0x3FFD];
	_ =	sdelay $0x3  }
0x96: {  	_ =	strace s2  }
0x97: {  	_ =	strace $0x8FFFFFFF  }
0x98: {  	s18 =	sld [smem:$0x3FDB];
	_ =	sdelay $0x1  }
0x99: {  	s19 =	simm.s32 $_scs_section_size  }
0x9a: {  	s4 =	simm.s32 $_size__tile_overlayer_lowered;
	s5 =	simm.s32 $_tile_overlayer_lowered  }
0x9b: {  	s22 =	simm.s32 $0x1BFF;
	s21 =	sshll.u32 s5, $0x1;
	s2 =	sadd.s32 s19, s18  }
0x9c: {  	s6 =	simm.s32 $0x0;
	s20 =	sshll.u32 s4, $0x1;
	s4 =	sadd.s32 s21, s2  }
0x9d: {  	[timem:s6], [sflag:s22] =	dma.local [hbm:s4], s20  }
0x9e: {  	_ =	swait.ge [sflag:s22], s20  }
0x9f: {  	s3 =	ssub.s32 $0x0, s20;
	[sflag:s22] =	ssyncset.done $0x0  }
0xa0: {  	[sflag:s22] =	ssyncadd.s32 s3;
	_ =	sdelay $0x1  }
0xa1: {  	s23 =	simm.s32 $0x1B8B  }
0xa2: {  	_ =	swait.ge [sflag:s23], $0x1  }
0xa3: {  	[sflag:s23] =	ssyncset.done $0x0  }
0xa4: {  	s25 =	simm.s32 $0x1B8E;
	s24 =	sld [smem:$0x3FFE];
	[sflag:s23] =	ssyncadd.s32 $0xFFFFFFFF  }
0xa5: {  	s26 =	simm.s32 $execute0_lowered;
	[smem:$0x3FD2] =	sst s25  }
0xa6: {  	s4 =	sshll.u32 s26, $0x1;
	_ =	strace $0x80000046;
	[dreg:$0x1] =	wrdreg $0xFFFFFFFF  }
0xa7: {  	s28 =	simm.s32 $_size_execute0_lowered;
	s2 =	sadd.s32 s2, s4;
	[dreg:$0x0] =	wrdreg $0x0  }
0xa8: {  	s4 =	sshll.u32 s28, $0x1;
	[dreg:$0x2] =	wrdreg s2  }
0xa9: {  	[dreg:$0x3] =	wrdreg s4  }
0xaa: {  	[dreg:$0x4] =	wrdreg $0xC0  }
0xab: {  	_ =	task [dreg:s6], $0x5FFFF  }
0xac: {  	[dreg:$0x1] =	wrdreg $0xFFFFFFFF  }
0xad: {  	[dreg:$0x0] =	wrdreg $0x60  }
0xae: {  	[dreg:$0x2] =	wrdreg s24  }
0xaf: {  	[dreg:$0x3] =	wrdreg $0x2B000  }
0xb0: {  	[dreg:$0x4] =	wrdreg $0x9  }
0xb1: {  	_ =	task.clear_ibuf [dreg:s6], $0x5FFFF;
	_ =	strace $0x90000046  }
0xb2: {  	s29 =	simm.s32 $0x9;
	_ =	strace $0x80000048  }
0xb3: {  	_ =	swait.ge [sflag:s29], $0x1  }
0xb4: {  	[sflag:s29] =	ssyncadd.s32 $0xFFFFFFFF  }
0xb5: {  	_ =	strace $0x90000048  }
0xb6: {  	_ =	sfence  }
0xb7: {  	s30 =	sld [smem:$0x0];
	_ =	sdelay $0x2  }
0xb8: {  	s31 =	sshll.u32 s1, $0xD;
	s1 =	sshrl.u32 s1, $0x2  }
0xb9: {  	s3 =	sand.u32 $0x4000, s31;
	s1 =	sadd.s32 s1, s30  }
0xba: {  	s0 =	sor.u32 s3, s0;
	s1 =	sshll.u32 s1, $0x11  }
0xbb: {  	s0 =	sor.u32 s1, s0  }
0xbc: {  	s0 =	sadd.s32 $0x8F2B, s0  }
0xbd: {  	[sflag:s0] =	ssyncadd.remote.s32 $0x1  }
0xbe: {  	_ =	sfence.sel $0xFFFF  }
0xbf: {  	[dreg:$0x0] =	wrdreg $0xFFFFFFFF;
	(pc) =	sbr.abs _section_cstart, $3  }
0xc0: {  	[dreg:$0x1] =	wrdreg $0xFFFFFFFF  }
0xc1: {  	_ =	task.clear_ibuf [dreg:s6], $0x2FFFF;
	_ =	strace $0x9FFFFFFF  }
0xc2: {  	(tm) =	ssettm $0x7FFFFFFF  }
0xc3: {  	_ =	shalt  }
tec
execute0_lowered:
.L_overlay_start_1:
0x0: {  	(tag) =	ssettag $0x1  }
0x1: {  	s4 =	rddreg [dreg:$0x0]  }
0x2: {  	s2 =	rddreg [dreg:$0x1];
	s3 =	srdreg.scid  }
0x3: {  	s1 =	stileid.u32;
	s0 =	rddreg [dreg:$0x2];
	s10 =	simm.s32 $0x80  }
0x4: {  	s11 =	simm.s32 $0x2800;
	s5 =	sand.u32 $0x1, s3;
	s6 =	smul.u32 $0x278, s1  }
0x5: {  	s3 =	simm.s32 $0x0;
	s7 =	sshll.u32 s5, $0x4;
	s8 =	smul.u32 $0x2780, s5  }
0x6: {  	s12 =	simm.s32 $0x0;
	[smem:$0x7FF] =	sst s3;
	s7 =	sor.u32 s1, s7  }
0x7: {  	s5 =	ssub.s32 $0x2, s5;
	s7 =	smul.u32 $0x500, s7;
	s8 =	sadd.s32 s6, s8  }
0x8: {  	_ =	strace $0x80000047;
	s9 =	sshrl.u32 s5, $0x1;
	s8 =	sshrl.u32 s8, $0x3  }
0x9: {  	s9 =	ssub.s32 s5, s9;
	s7 =	sadd.s32 s7, s4;
	s8 =	sadd.s32 s8, s4  }
0xa: {  	s4 =	sadd.s32 s6, s2;
	s5 =	sadd.s32 $0xD800, s7;
	s6 =	sadd.s32 $0x18000, s8  }
0xb: {  	v0 =	vimm.f32 $0.0e+00;
	v1 =	vimm.f32 $1.000000000e+00;
	s7 =	smax.u32 s9, $0x1;
	s8 =	simm.s32 $0x2880;
	s9 =	simm.s32 $0x1  }
.LBB2_1:
0xc: {  	[tilespmem:$0x2880] =	vst v0  }
0xd: {  	[tilespmem:$0x2890] =	vst v0  }
0xe: {  	[tilespmem:$0x28A0] =	vst v0  }
0xf: {  	[tilespmem:$0x28B0] =	vst v0  }
0x10: {  	[tilespmem:$0x28C0] =	vst v0  }
0x11: {  	[tilespmem:$0x28D0] =	vst v0  }
0x12: {  	[tilespmem:$0x28E0] =	vst v0  }
0x13: {  	[tilespmem:$0x28F0] =	vst v0  }
0x14: {  	[tilespmem:$0x2900] =	vst v0  }
0x15: {  	[tilespmem:$0x2910] =	vst v0  }
0x16: {  	[tilespmem:$0x2920] =	vst v0  }
0x17: {  	[tilespmem:$0x2930] =	vst v0  }
0x18: {  	[tilespmem:$0x2940] =	vst v0  }
0x19: {  	[tilespmem:$0x2950] =	vst v0  }
0x1a: {  	[tilespmem:$0x2960] =	vst v0  }
0x1b: {  	[tilespmem:$0x2970] =	vst v0  }
0x1c: {  	[tilespmem:$0x2980] =	vst v0  }
0x1d: {  	[tilespmem:$0x2990] =	vst v0  }
0x1e: {  	[tilespmem:$0x29A0] =	vst v0  }
0x1f: {  	[tilespmem:$0x29B0] =	vst v0  }
0x20: {  	[tilespmem:$0x29C0] =	vst v0  }
0x21: {  	[tilespmem:$0x29D0] =	vst v0  }
0x22: {  	[tilespmem:$0x29E0] =	vst v0  }
0x23: {  	[tilespmem:$0x29F0] =	vst v0  }
0x24: {  	[tilespmem:$0x2A00] =	vst v0  }
0x25: {  	[tilespmem:$0x2A10] =	vst v0  }
0x26: {  	[tilespmem:$0x2A20] =	vst v0  }
0x27: {  	[tilespmem:$0x2A30] =	vst v0  }
0x28: {  	[tilespmem:$0x2A40] =	vst v0  }
0x29: {  	[tilespmem:$0x2A50] =	vst v0  }
0x2a: {  	[tilespmem:$0x2A60] =	vst v0  }
0x2b: {  	[tilespmem:$0x2A70] =	vst v0  }
0x2c: {  	[tilespmem:$0x2A80] =	vst v0  }
0x2d: {  	[tilespmem:$0x2A90] =	vst v0  }
0x2e: {  	[tilespmem:$0x2AA0] =	vst v0  }
0x2f: {  	[tilespmem:$0x2AB0] =	vst v0  }
0x30: {  	[tilespmem:$0x2AC0] =	vst v0  }
0x31: {  	[tilespmem:$0x2AD0] =	vst v0  }
0x32: {  	[tilespmem:$0x2AE0] =	vst v0  }
0x33: {  	[tilespmem:$0x2AF0] =	vst v0  }
0x34: {  	[tilespmem:$0x2800] =	vst v1  }
0x35: {  	[tilespmem:$0x2810] =	vst v1  }
0x36: {  	[tilespmem:$0x2820] =	vst v1  }
0x37: {  	[tilespmem:$0x2830] =	vst v1  }
0x38: {  	[tilespmem:$0x2840] =	vst v1  }
0x39: {  	[tilespmem:$0x2850] =	vst v1  }
0x3a: {  	[tilespmem:$0x2860] =	vst v1  }
0x3b: {  	[tilespmem:$0x2870] =	vst v1  }
0x3c: {  	[spmem:s4] =	stream.linear.scatter [tilespmem:s8], [sflag:$0x1], $0x278, $0x38;
	[tilespmem:$0x2D78] =	vst v63  }
0x3d: {  	_ =	swait.ge [sflag:s9], $0x278  }
0x3e: {  	[sflag:s9] =	ssyncset.done $0x0  }
0x3f: {  	[sflag:s9] =	ssyncadd.s32 $0xFFFFFD88  }
0x40: {  	[bflag:$0x0] =	sbarrier.arrive $0xFFFF  }
0x41: {  	[tilespmem:s3], [sflag:$0x1] =	stream.linear.gather [hbm4b:s5+s3], $0x2800, $0x38;
	[tilespmem:$0x2D78] =	vst v63  }
0x42: {  	_ =	swait.ge [sflag:s9], $0x2800  }
0x43: {  	[sflag:s9] =	ssyncset.done $0x0  }
0x44: {  	s13 =	simm.s32 $0x0;
	[sflag:s9] =	ssyncadd.s32 $0xFFFFD800  }
0x45: {  	[spmem:s2] =	stream.indirect.scatter.add.f32 [tilespmem:s11], [sflag:$0x1], $0x1, s13, s10, $0xb8;
	[tilespmem:$0x2D78] =	vst v63  }
0x46: {  	_ =	swait.ge [sflag:s9], $0x80  }
0x47: {  	s13 =	simm.s32 $0x200;
	[sflag:s9] =	ssyncset.done $0x0  }
.LBB2_2:
0x48: {  	s14 =	sshra.s32 s13, $0x2;
	[sflag:s9] =	ssyncadd.s32 $0xFFFFFF80;
	p0 =	sne.s32 s13, $0x9E00  }
0x49: {  	[spmem:s2] =	stream.indirect.scatter.add.f32 [tilespmem:s11], [sflag:$0x1], $0x1, s14, s10, $0xb8;
	[tilespmem:$0x2D78] =	vst v63  }
.Ltmp0:
0x4a: {  	_ = 	snop;
	(pc) =	sbr.rel @p0 .LBB2_2-.Ltmp0, $4  }
0x4b: {  	_ = 	snop  }
0x4c: {  	s13 =	sadd.s32 $0x200, s13  }
0x4d: {  	_ =	swait.ge [sflag:s9], $0x80  }
0x4e: {  	[sflag:s9] =	ssyncset.done $0x0  }
0x4f: {  	[sflag:s9] =	ssyncadd.s32 $0xFFFFFF80  }
0x50: {  	[bflag:$0x0] =	sbarrier.arrive $0xFFFF  }
0x51: {  	[tilespmem:s8], [sflag:$0x1] =	stream.linear.gather [spmem:s4], $0x278, $0x38;
	[tilespmem:$0x2D78] =	vst v63  }
0x52: {  	s12 =	sadd.s32 $0x1, s12;
	_ =	swait.ge [sflag:s9], $0x278  }
0x53: {  	p0 =	sne.s32 s12, s7;
	[sflag:s9] =	ssyncset.done $0x0  }
.Ltmp1:
0x54: {  	[sflag:s9] =	ssyncadd.s32 $0xFFFFFD88;
	(pc) =	sbr.rel @p0 .LBB2_1-.Ltmp1, $4  }
0x55: {  	[hbm4b:s6+s3] =	stream.linear.scatter [tilespmem:s8], [sflag:$0x1], $0x278, $0x38;
	[tilespmem:$0x2D78] =	vst v63  }
0x56: {  	_ =	swait.ge [sflag:s9], $0x278  }
0x57: {  	[sflag:s9] =	ssyncset.done $0x0  }
0x58: {  	[sflag:s9] =	ssyncadd.s32 $0xFFFFFD88  }
0x59: {  	_ =	sfence.sel $0x180000  }
0x5a: {  	[bflag:$0x0] =	sbarrier.arrive $0xFFFF  }
0x5b: {  	p0 =	sne.s32 s1, $0x0;
	_ =	strace $0x90000047  }
0x5c: {  	s0 =	sadd.s32 @!p0 $0x100000, s0;
	[bflag:$0x2] =	sbarrier.arrive $0xFFFF  }
0x5d: {  	[sflag:s0] =	ssyncadd.tile.s32 @!p0 $0x1;
	_ =	shalt  }
.Lfunc_end2:
_tile_overlayer_lowered:
.L_overlay_start_2:
0x5e: {  	(tag) =	ssettag $0x2  }
0x5f: {  	s0 =	rddreg [dreg:$0x0];
	s2 =	stileid.u32  }
0x60: {  	s1 =	rddreg [dreg:$0x1];
	p0 =	sne.s32 s2, $0x0  }
0x61: {  	s3 =	rddreg [dreg:$0x2];
	[bflag:$0x3] =	sbarrier.arrive $0xFFFF;
	s2 =	simm.s32 @!p0 $0x1C01  }
0x62: {  	[timem:s3], [sflag:s2] =	dma.local @!p0 [hbm:s0], s1  }
0x63: {  	s0 =	simm.s32 @!p0 $0x1  }
0x64: {  	_ =	swait.ge @!p0 [sflag:s0], s1  }
0x65: {  	s1 =	ssub.s32 @!p0 $0x0, s1;
	[sflag:s0] =	ssyncset.done @!p0 $0x0  }
0x66: {  	[sflag:s0] =	ssyncadd.s32 @!p0 s1  }
0x67: {  	[bflag:$0x3] =	sbarrier.arrive $0xFFFF  }
0x68: {  	_ =	shalt  }

</sc_bundles>
